<compile_context>
chip_gen: v7x
topology: tpu7x:2x2x1
jax: 0.10.2.dev20260603
libtpu: 0.0.44.dev20260713+nightly
codegen_flags: <defaults>
</compile_context>

<pallas_src>
import functools

import jax
import jax.numpy as jnp
from jax import lax
from jax.experimental import pallas as pl
from jax.experimental.pallas import tpu as pltpu
from jax.experimental.pallas import tpu_sc as plsc

B = 8
N = 500
E = 2000
IN = 2
EMB = 64
T = 12
H = 8
D = EMB * T

NP = 512
M = B * NP
NQ = 4
QW = 128
RB = 512
LANES = 16
NTILES = 32


def _conv_body(xr_ref, k1_ref, k2_ref, sb_ref, cb_ref, h_ref):
    xb = xr_ref[...]
    a = jnp.dot(xb, k1_ref[...], preferred_element_type=jnp.float32) + sb_ref[...]
    c = jnp.dot(xb, k2_ref[...], preferred_element_type=jnp.float32) + cb_ref[...]
    h_ref[...] = a + jnp.where(c > 0, c, 0.01 * c)


def _conv_call(xr, k1, k2, sbr, cbr):
    return pl.pallas_call(
        _conv_body,
        grid=(M // RB,),
        in_specs=[
            pl.BlockSpec((RB, IN * T), lambda i: (i, 0)),
            pl.BlockSpec((IN * T, D), lambda i: (0, 0)),
            pl.BlockSpec((IN * T, D), lambda i: (0, 0)),
            pl.BlockSpec((1, D), lambda i: (0, 0)),
            pl.BlockSpec((1, D), lambda i: (0, 0)),
        ],
        out_specs=pl.BlockSpec((RB, D), lambda i: (i, 0)),
        out_shape=jax.ShapeDtypeStruct((M, D), jnp.float32),
    )(xr, k1, k2, sbr, cbr)


def _feat_body(h_ref, w_ref, al_ref, ar_ref, feat_ref, el_ref, er_ref):
    j = pl.program_id(1)
    f = jnp.dot(h_ref[...], w_ref[...], preferred_element_type=jnp.float32)
    feat_ref[...] = f
    el_col = jnp.sum(f * al_ref[pl.ds(j, 1), :], axis=1, keepdims=True)
    er_col = jnp.sum(f * ar_ref[pl.ds(j, 1), :], axis=1, keepdims=True)
    lane = lax.broadcasted_iota(jnp.int32, (RB, H), 1)

    @pl.when(j == 0)
    def _():
        el_ref[...] = jnp.zeros_like(el_ref)
        er_ref[...] = jnp.zeros_like(er_ref)

    el_ref[...] += jnp.where(lane == j, el_col, 0.0)
    er_ref[...] += jnp.where(lane == j, er_col, 0.0)


def _feat_call(h, w, al, ar):
    return pl.pallas_call(
        _feat_body,
        grid=(M // RB, H),
        in_specs=[
            pl.BlockSpec((RB, D), lambda i, j: (i, 0)),
            pl.BlockSpec((D, D), lambda i, j: (0, j)),
            pl.BlockSpec((H, D), lambda i, j: (0, 0)),
            pl.BlockSpec((H, D), lambda i, j: (0, 0)),
        ],
        out_specs=[
            pl.BlockSpec((RB, D), lambda i, j: (i, j)),
            pl.BlockSpec((RB, H), lambda i, j: (i, 0)),
            pl.BlockSpec((RB, H), lambda i, j: (i, 0)),
        ],
        out_shape=[
            jax.ShapeDtypeStruct((M, H * D), jnp.float32),
            jax.ShapeDtypeStruct((M, H), jnp.float32),
            jax.ShapeDtypeStruct((M, H), jnp.float32),
        ],
    )(h, w, al, ar)


def _edge_body(el_hbm, er_hbm, ei_hbm, zq_hbm, a_hbm,
               src_v, dst_v, el_v, er_v, aq_v):
    wid = lax.axis_index("s") * 2 + lax.axis_index("c")
    b = wid // 4
    pltpu.sync_copy(ei_hbm.at[0], src_v)
    pltpu.sync_copy(ei_hbm.at[1], dst_v)
    pltpu.sync_copy(el_hbm.at[b], el_v)
    pltpu.sync_copy(er_hbm.at[b], er_v)
    for k in range(H * NQ // 4):
        rem = (wid % 4) * 8 + k
        hh = rem // NQ
        q = rem % NQ
        pltpu.sync_copy(zq_hbm, aq_v)

        def edge_step(i, carry):
            sv = src_v[pl.ds(i * LANES, LANES)]
            dv = dst_v[pl.ds(i * LANES, LANES)]
            eg = plsc.load_gather(el_v, [sv * H + hh])
            rg = plsc.load_gather(er_v, [dv * H + hh])
            e = eg + rg
            e = jnp.where(e > 0, e, 0.2 * e)
            a = jnp.exp(e)
            srel = sv - q * QW
            msk = (srel >= 0) & (srel < QW)
            idx = jnp.where(msk, dv * QW + srel, 0)
            plsc.addupdate_scatter(aq_v, [idx], a, mask=msk)
            return carry

        lax.fori_loop(0, E // LANES, edge_step, 0)
        pltpu.sync_copy(aq_v, a_hbm.at[b, hh, q])


def _edge_call(el2d, er2d, edge_index, zq):
    fn = pl.kernel(
        _edge_body,
        out_type=jax.ShapeDtypeStruct((B, H, NQ, NP * QW), jnp.float32),
        mesh=plsc.VectorSubcoreMesh(core_axis_name="c", subcore_axis_name="s"),
        scratch_types=[
            pltpu.VMEM((E,), jnp.int32),
            pltpu.VMEM((E,), jnp.int32),
            pltpu.VMEM((NP * H,), jnp.float32),
            pltpu.VMEM((NP * H,), jnp.float32),
            pltpu.VMEM((NP * QW,), jnp.float32),
        ],
        compiler_params=pltpu.CompilerParams(needs_layout_passes=False),
    )
    return fn(el2d, er2d, edge_index, zq)


def _agg_body(a_ref, feat_ref, bias_ref, res_ref, out_ref, *, residual):
    hh = pl.program_id(1)
    A = a_ref[0, 0]
    acc = jnp.zeros((NP, D), jnp.float32)
    den = jnp.zeros((NP, 1), jnp.float32)
    f = feat_ref[...]
    for q in range(NQ):
        aq = A[q]
        acc += jnp.dot(aq, f[q * QW:(q + 1) * QW, :],
                       preferred_element_type=jnp.float32)
        den += jnp.sum(aq, axis=1, keepdims=True)
    t = acc / (den + 1e-9) + bias_ref[pl.ds(hh, 1), :]
    e = jnp.where(t > 0, t, jnp.exp(t) - 1.0) * (1.0 / H)

    @pl.when(hh == 0)
    def _():
        out_ref[...] = (res_ref[...] + e) if residual else e

    @pl.when(hh != 0)
    def _():
        out_ref[...] += e


def _agg_call(a4, feat, bias, res):
    residual = res is not None
    in_specs = [
        pl.BlockSpec((1, 1, NQ, NP, QW), lambda b, h: (b, h, 0, 0, 0)),
        pl.BlockSpec((NP, D), lambda b, h: (b, h)),
        pl.BlockSpec((H, D), lambda b, h: (0, 0)),
    ]
    args = [a4, feat, bias]
    if residual:
        in_specs.append(pl.BlockSpec((NP, D), lambda b, h: (b, 0)))
        args.append(res)
        body = functools.partial(_agg_body, residual=True)
    else:
        def body(a_ref, feat_ref, bias_ref, out_ref):
            _agg_body(a_ref, feat_ref, bias_ref, None, out_ref, residual=False)
    return pl.pallas_call(
        body,
        grid=(B, H),
        in_specs=in_specs,
        out_specs=pl.BlockSpec((NP, D), lambda b, h: (b, 0)),
        out_shape=jax.ShapeDtypeStruct((M, D), jnp.float32),
    )(*args)


def kernel(x, edge_index, start_w, start_b, cat_w, cat_b,
           W1, al1, ar1, b1, W2, al2, ar2, b2):
    xr = jnp.transpose(x, (0, 2, 1, 3)).reshape(B, N, IN * T)
    xr = jnp.pad(xr, ((0, 0), (0, NP - N), (0, 0))).reshape(M, IN * T)
    eye = jnp.eye(T, dtype=jnp.float32)
    k1 = (start_w.T[:, None, :, None] * eye[None, :, None, :]).reshape(IN * T, D)
    k2 = (cat_w.T[:, None, :, None] * eye[None, :, None, :]).reshape(IN * T, D)
    sbr = jnp.repeat(start_b, T).reshape(1, D)
    cbr = jnp.repeat(cat_b, T).reshape(1, D)
    zq = jnp.zeros((NP * QW,), jnp.float32)

    h0 = _conv_call(xr, k1, k2, sbr, cbr)

    feat1, el1, er1 = _feat_call(h0, W1, al1, ar1)
    A1 = _edge_call(el1.reshape(B, NP * H), er1.reshape(B, NP * H),
                    edge_index, zq)
    h1 = _agg_call(A1.reshape(B, H, NQ, NP, QW), feat1, b1, None)

    feat2, el2, er2 = _feat_call(h1, W2, al2, ar2)
    A2 = _edge_call(el2.reshape(B, NP * H), er2.reshape(B, NP * H),
                    edge_index, zq)
    out_h = _agg_call(A2.reshape(B, H, NQ, NP, QW), feat2, b2, h0)

    out = out_h.reshape(B, NP, EMB, T)[:, :N]
    return jnp.transpose(out, (0, 2, 1, 3))

# --- scband reference (transcript-rebuilt; emitter-appended) ---
"""Pipeline reference for scband-gat-34591666602581 (READ-ONLY COPY).

The authoritative reference and input builder live on the scoring server;
editing this copy changes nothing except your own understanding.
"""

import jax, jax.numpy as jnp
import numpy as np

B = 8      # batch
N = 500    # nodes per graph (traffic-network scale)
E = 2000   # edges per graph (avg degree 4)
IN = 2     # in_dim
EMB = 64   # embed_size
T = 12     # out_dim / step_size
H = 8      # attention heads
D = EMB * T  # 768, GAT feature dim


def setup_inputs(seed: int = 0) -> dict:
    key = jax.random.key(seed)
    ks = jax.random.split(key, 16)
    inp = {}
    inp["x"] = jax.random.normal(ks[0], (B, IN, N, T), dtype=jnp.float32)
    inp["edge_index"] = jax.random.randint(ks[1], (2, E), 0, N, dtype=jnp.int32)
    # 1x1 conv params
    inp["start_w"] = jax.random.normal(ks[2], (EMB, IN), dtype=jnp.float32) * 0.1
    inp["start_b"] = jnp.zeros((EMB,), dtype=jnp.float32)
    inp["cat_w"] = jax.random.normal(ks[3], (EMB, IN), dtype=jnp.float32) * 0.1
    inp["cat_b"] = jnp.zeros((EMB,), dtype=jnp.float32)
    # GAT layer 1 params (DGL GATConv: fc weight [in, H*out], attn_l/attn_r [H, out], bias [H*out])
    inp["W1"] = jax.random.normal(ks[4], (D, H * D), dtype=jnp.float32) * 0.02
    inp["al1"] = jax.random.normal(ks[5], (H, D), dtype=jnp.float32) * 0.05
    inp["ar1"] = jax.random.normal(ks[6], (H, D), dtype=jnp.float32) * 0.05
    inp["b1"] = jnp.zeros((H, D), dtype=jnp.float32)
    # GAT layer 2 params
    inp["W2"] = jax.random.normal(ks[7], (D, H * D), dtype=jnp.float32) * 0.02
    inp["al2"] = jax.random.normal(ks[8], (H, D), dtype=jnp.float32) * 0.05
    inp["ar2"] = jax.random.normal(ks[9], (H, D), dtype=jnp.float32) * 0.05
    inp["b2"] = jnp.zeros((H, D), dtype=jnp.float32)
    return inp


def _gat_layer(h, src, dst, W, al, ar, b, M):
    # h: [M, D]; DGL GATConv, eval mode (dropouts off), residual=False, activation=elu
    feat = (h @ W).reshape(M, H, D)
    el = jnp.sum(feat * al[None], axis=-1)  # [M, H]
    er = jnp.sum(feat * ar[None], axis=-1)  # [M, H]
    e = jax.nn.leaky_relu(el[src] + er[dst], 0.2)  # [Eb, H]
    emax = jax.ops.segment_max(e, dst, num_segments=M)
    emax = jnp.where(jnp.isfinite(emax), emax, 0.0)
    a = jnp.exp(e - emax[dst])
    den = jax.ops.segment_sum(a, dst, num_segments=M)
    alpha = a / (den[dst] + 1e-9)
    msg = feat[src] * alpha[:, :, None]  # [Eb, H, D]
    out = jax.ops.segment_sum(msg, dst, num_segments=M)  # [M, H, D]
    return jax.nn.elu(out + b[None])


def reference(x, edge_index, start_w, start_b, cat_w, cat_b, W1, al1, ar1, b1, W2, al2, ar2, b2):
    # 1x1 convs
    x1 = jnp.einsum('bcnt,oc->bont', x, start_w) + start_b[None, :, None, None]
    x2 = jax.nn.leaky_relu(jnp.einsum('bcnt,oc->bont', x, cat_w) + cat_b[None, :, None, None], 0.01)
    xs = x1 + x2  # [B, EMB, N, T]
    M = B * N
    h = jnp.transpose(xs, (0, 2, 1, 3)).reshape(M, EMB * T)
    # dgl.batch(B * [g]): replicate edges with node offsets
    off = (jnp.arange(B, dtype=edge_index.dtype) * N)
    src = (edge_index[0][None, :] + off[:, None]).reshape(-1)
    dst = (edge_index[1][None, :] + off[:, None]).reshape(-1)
    h = _gat_layer(h, src, dst, W1, al1, ar1, b1, M).mean(axis=1)
    h = _gat_layer(h, src, dst, W2, al2, ar2, b2, M).mean(axis=1)
    gc = h.reshape(B, N, EMB, T)
    graph_out = jnp.transpose(gc, (0, 2, 1, 3))
    return xs + graph_out

if __name__ == "__main__":
    import jax
    _d = setup_inputs()
    print(jax.jit(kernel)(*tuple(_d.values())))

</pallas_src>

<mosaic_0001>
#map = affine_map<(d0, d1) -> (0, 0)>
#map1 = affine_map<(d0, d1) -> (0)>
#map2 = affine_map<(d0, d1) -> (0, 0, 0, 0)>
module attributes {stable_mosaic.version = 14 : i64} {
  func.func @_edge_body(%arg0: i32, %arg1: i32, %arg2: memref<8x4096xf32, #tpu.memory_space<hbm>>, %arg3: memref<8x4096xf32, #tpu.memory_space<hbm>>, %arg4: memref<2x2000xi32, #tpu.memory_space<hbm>>, %arg5: memref<65536xf32, #tpu.memory_space<hbm>>, %arg6: memref<8x8x4x65536xf32, #tpu.memory_space<hbm>>, %arg7: memref<2000xi32, #tpu.memory_space<vmem>>, %arg8: memref<2000xi32, #tpu.memory_space<vmem>>, %arg9: memref<4096xf32, #tpu.memory_space<vmem>>, %arg10: memref<4096xf32, #tpu.memory_space<vmem>>, %arg11: memref<65536xf32, #tpu.memory_space<vmem>>) attributes {dimension_semantics = [#tpu.dimension_semantics<core_parallel>, #tpu.dimension_semantics<subcore_parallel>], iteration_bounds = array<i64: 2, 16>, scalar_prefetch = 0 : i64, scratch_operands = 5 : i64, tpu.core_type = #tpu.core_type<sc_vector_subcore>, window_params = [{transform_indices = #map}, {transform_indices = #map}, {transform_indices = #map}, {transform_indices = #map1}, {transform_indices = #map2}]} {
    %mul3A = arith.constant 2 : i32
    %mul3A_0 = arith.muli %arg1, %mul3A : i32
    %add3A = arith.addi %mul3A_0, %arg0 : i32
    %jit3A = arith.constant 4 : i32
    %div3A = arith.divsi %add3A, %jit3A : i32
    %sign3A = arith.constant 0 : i32
    %sign3A_1 = arith.cmpi sgt, %add3A, %sign3A : i32
    %sign3A_2 = arith.extui %sign3A_1 : i1 to i32
    %sign3A_3 = arith.constant 0 : i32
    %sign3A_4 = arith.cmpi slt, %add3A, %sign3A_3 : i32
    %sign3A_5 = arith.extui %sign3A_4 : i1 to i32
    %sign3A_6 = arith.subi %sign3A_2, %sign3A_5 : i32
    %sign3A_7 = arith.constant 0 : i32
    %sign3A_8 = arith.cmpi sgt, %jit3A, %sign3A_7 : i32
    %sign3A_9 = arith.extui %sign3A_8 : i1 to i32
    %sign3A_10 = arith.constant 0 : i32
    %sign3A_11 = arith.cmpi slt, %jit3A, %sign3A_10 : i32
    %sign3A_12 = arith.extui %sign3A_11 : i1 to i32
    %sign3A_13 = arith.subi %sign3A_9, %sign3A_12 : i32
    %ne3A = arith.cmpi ne, %sign3A_6, %sign3A_13 : i32
    %rem3A = arith.remsi %add3A, %jit3A : i32
    %ne3A_14 = arith.constant 0 : i32
    %ne3A_15 = arith.cmpi ne, %rem3A, %ne3A_14 : i32
    %and3A = arith.andi %ne3A, %ne3A_15 : i1
    %sub3A = arith.constant 1 : i32
    %sub3A_16 = arith.subi %div3A, %sub3A : i32
    %select_n3A = arith.select %and3A, %sub3A_16, %div3A : i32
    %run_scoped3A = arith.constant 0 : i32
    "tpu.region"() ({
      %run_scoped3A_543 = tpu.sem_alloc : memref<!tpu.dma_semaphore, #tpu.memory_space<semaphore_mem>>
      %dma_start3A = arith.constant 0 : i32
      %dma_start3A_544 = tpu.memref_slice %arg4[%run_scoped3A, %dma_start3A] : memref<2x2000xi32, #tpu.memory_space<hbm>> -> memref<1x2000xi32, #tpu.memory_space<hbm>>
      %dma_start3A_545 = tpu.memref_squeeze %dma_start3A_544 : memref<1x2000xi32, #tpu.memory_space<hbm>> -> memref<2000xi32, #tpu.memory_space<hbm>>
      %dma_start3A_546 = arith.constant 0 : i32
      %dma_start3A_547 = tpu.memref_slice %arg4[%run_scoped3A, %dma_start3A_546] : memref<2x2000xi32, #tpu.memory_space<hbm>> -> memref<1x2000xi32, #tpu.memory_space<hbm>>
      %dma_start3A_548 = tpu.memref_squeeze %dma_start3A_547 : memref<1x2000xi32, #tpu.memory_space<hbm>> -> memref<2000xi32, #tpu.memory_space<hbm>>
      tpu.enqueue_dma source(%dma_start3A_548 : memref<2000xi32, #tpu.memory_space<hbm>>) target(%arg7 : memref<2000xi32, #tpu.memory_space<vmem>>) target_semaphore(%run_scoped3A_543 : memref<!tpu.dma_semaphore, #tpu.memory_space<semaphore_mem>>)
      %dma_wait3A = arith.constant 0 : i32
      %dma_wait3A_549 = tpu.memref_slice %arg4[%run_scoped3A, %dma_wait3A] : memref<2x2000xi32, #tpu.memory_space<hbm>> -> memref<1x2000xi32, #tpu.memory_space<hbm>>
      %dma_wait3A_550 = tpu.memref_squeeze %dma_wait3A_549 : memref<1x2000xi32, #tpu.memory_space<hbm>> -> memref<2000xi32, #tpu.memory_space<hbm>>
      %dma_wait3A_551 = arith.constant 0 : i32
      %dma_wait3A_552 = tpu.memref_slice %arg4[%run_scoped3A, %dma_wait3A_551] : memref<2x2000xi32, #tpu.memory_space<hbm>> -> memref<1x2000xi32, #tpu.memory_space<hbm>>
      %dma_wait3A_553 = tpu.memref_squeeze %dma_wait3A_552 : memref<1x2000xi32, #tpu.memory_space<hbm>> -> memref<2000xi32, #tpu.memory_space<hbm>>
      tpu.wait_dma2 semaphore(%run_scoped3A_543 : memref<!tpu.dma_semaphore, #tpu.memory_space<semaphore_mem>>) src(%dma_wait3A_553 : memref<2000xi32, #tpu.memory_space<hbm>>) dst(%arg7 : memref<2000xi32, #tpu.memory_space<vmem>>)
      tpu.yield
    }) : () -> ()
    %run_scoped3A_17 = arith.constant 1 : i32
    "tpu.region"() ({
      %run_scoped3A_543 = tpu.sem_alloc : memref<!tpu.dma_semaphore, #tpu.memory_space<semaphore_mem>>
      %dma_start3A = arith.constant 0 : i32
      %dma_start3A_544 = tpu.memref_slice %arg4[%run_scoped3A_17, %dma_start3A] : memref<2x2000xi32, #tpu.memory_space<hbm>> -> memref<1x2000xi32, #tpu.memory_space<hbm>>
      %dma_start3A_545 = tpu.memref_squeeze %dma_start3A_544 : memref<1x2000xi32, #tpu.memory_space<hbm>> -> memref<2000xi32, #tpu.memory_space<hbm>>
      %dma_start3A_546 = arith.constant 0 : i32
      %dma_start3A_547 = tpu.memref_slice %arg4[%run_scoped3A_17, %dma_start3A_546] : memref<2x2000xi32, #tpu.memory_space<hbm>> -> memref<1x2000xi32, #tpu.memory_space<hbm>>
      %dma_start3A_548 = tpu.memref_squeeze %dma_start3A_547 : memref<1x2000xi32, #tpu.memory_space<hbm>> -> memref<2000xi32, #tpu.memory_space<hbm>>
      tpu.enqueue_dma source(%dma_start3A_548 : memref<2000xi32, #tpu.memory_space<hbm>>) target(%arg8 : memref<2000xi32, #tpu.memory_space<vmem>>) target_semaphore(%run_scoped3A_543 : memref<!tpu.dma_semaphore, #tpu.memory_space<semaphore_mem>>)
      %dma_wait3A = arith.constant 0 : i32
      %dma_wait3A_549 = tpu.memref_slice %arg4[%run_scoped3A_17, %dma_wait3A] : memref<2x2000xi32, #tpu.memory_space<hbm>> -> memref<1x2000xi32, #tpu.memory_space<hbm>>
      %dma_wait3A_550 = tpu.memref_squeeze %dma_wait3A_549 : memref<1x2000xi32, #tpu.memory_space<hbm>> -> memref<2000xi32, #tpu.memory_space<hbm>>
      %dma_wait3A_551 = arith.constant 0 : i32
      %dma_wait3A_552 = tpu.memref_slice %arg4[%run_scoped3A_17, %dma_wait3A_551] : memref<2x2000xi32, #tpu.memory_space<hbm>> -> memref<1x2000xi32, #tpu.memory_space<hbm>>
      %dma_wait3A_553 = tpu.memref_squeeze %dma_wait3A_552 : memref<1x2000xi32, #tpu.memory_space<hbm>> -> memref<2000xi32, #tpu.memory_space<hbm>>
      tpu.wait_dma2 semaphore(%run_scoped3A_543 : memref<!tpu.dma_semaphore, #tpu.memory_space<semaphore_mem>>) src(%dma_wait3A_553 : memref<2000xi32, #tpu.memory_space<hbm>>) dst(%arg8 : memref<2000xi32, #tpu.memory_space<vmem>>)
      tpu.yield
    }) : () -> ()
    "tpu.region"() ({
      %run_scoped3A_543 = tpu.sem_alloc : memref<!tpu.dma_semaphore, #tpu.memory_space<semaphore_mem>>
      %dma_start3A = arith.constant 0 : i32
      %dma_start3A_544 = tpu.memref_slice %arg2[%select_n3A, %dma_start3A] : memref<8x4096xf32, #tpu.memory_space<hbm>> -> memref<1x4096xf32, #tpu.memory_space<hbm>>
      %dma_start3A_545 = tpu.memref_squeeze %dma_start3A_544 : memref<1x4096xf32, #tpu.memory_space<hbm>> -> memref<4096xf32, #tpu.memory_space<hbm>>
      %dma_start3A_546 = arith.constant 0 : i32
      %dma_start3A_547 = tpu.memref_slice %arg2[%select_n3A, %dma_start3A_546] : memref<8x4096xf32, #tpu.memory_space<hbm>> -> memref<1x4096xf32, #tpu.memory_space<hbm>>
      %dma_start3A_548 = tpu.memref_squeeze %dma_start3A_547 : memref<1x4096xf32, #tpu.memory_space<hbm>> -> memref<4096xf32, #tpu.memory_space<hbm>>
      tpu.enqueue_dma source(%dma_start3A_548 : memref<4096xf32, #tpu.memory_space<hbm>>) target(%arg9 : memref<4096xf32, #tpu.memory_space<vmem>>) target_semaphore(%run_scoped3A_543 : memref<!tpu.dma_semaphore, #tpu.memory_space<semaphore_mem>>)
      %dma_wait3A = arith.constant 0 : i32
      %dma_wait3A_549 = tpu.memref_slice %arg2[%select_n3A, %dma_wait3A] : memref<8x4096xf32, #tpu.memory_space<hbm>> -> memref<1x4096xf32, #tpu.memory_space<hbm>>
      %dma_wait3A_550 = tpu.memref_squeeze %dma_wait3A_549 : memref<1x4096xf32, #tpu.memory_space<hbm>> -> memref<4096xf32, #tpu.memory_space<hbm>>
      %dma_wait3A_551 = arith.constant 0 : i32
      %dma_wait3A_552 = tpu.memref_slice %arg2[%select_n3A, %dma_wait3A_551] : memref<8x4096xf32, #tpu.memory_space<hbm>> -> memref<1x4096xf32, #tpu.memory_space<hbm>>
      %dma_wait3A_553 = tpu.memref_squeeze %dma_wait3A_552 : memref<1x4096xf32, #tpu.memory_space<hbm>> -> memref<4096xf32, #tpu.memory_space<hbm>>
      tpu.wait_dma2 semaphore(%run_scoped3A_543 : memref<!tpu.dma_semaphore, #tpu.memory_space<semaphore_mem>>) src(%dma_wait3A_553 : memref<4096xf32, #tpu.memory_space<hbm>>) dst(%arg9 : memref<4096xf32, #tpu.memory_space<vmem>>)
      tpu.yield
    }) : () -> ()
    "tpu.region"() ({
      %run_scoped3A_543 = tpu.sem_alloc : memref<!tpu.dma_semaphore, #tpu.memory_space<semaphore_mem>>
      %dma_start3A = arith.constant 0 : i32
      %dma_start3A_544 = tpu.memref_slice %arg3[%select_n3A, %dma_start3A] : memref<8x4096xf32, #tpu.memory_space<hbm>> -> memref<1x4096xf32, #tpu.memory_space<hbm>>
      %dma_start3A_545 = tpu.memref_squeeze %dma_start3A_544 : memref<1x4096xf32, #tpu.memory_space<hbm>> -> memref<4096xf32, #tpu.memory_space<hbm>>
      %dma_start3A_546 = arith.constant 0 : i32
      %dma_start3A_547 = tpu.memref_slice %arg3[%select_n3A, %dma_start3A_546] : memref<8x4096xf32, #tpu.memory_space<hbm>> -> memref<1x4096xf32, #tpu.memory_space<hbm>>
      %dma_start3A_548 = tpu.memref_squeeze %dma_start3A_547 : memref<1x4096xf32, #tpu.memory_space<hbm>> -> memref<4096xf32, #tpu.memory_space<hbm>>
      tpu.enqueue_dma source(%dma_start3A_548 : memref<4096xf32, #tpu.memory_space<hbm>>) target(%arg10 : memref<4096xf32, #tpu.memory_space<vmem>>) target_semaphore(%run_scoped3A_543 : memref<!tpu.dma_semaphore, #tpu.memory_space<semaphore_mem>>)
      %dma_wait3A = arith.constant 0 : i32
      %dma_wait3A_549 = tpu.memref_slice %arg3[%select_n3A, %dma_wait3A] : memref<8x4096xf32, #tpu.memory_space<hbm>> -> memref<1x4096xf32, #tpu.memory_space<hbm>>
      %dma_wait3A_550 = tpu.memref_squeeze %dma_wait3A_549 : memref<1x4096xf32, #tpu.memory_space<hbm>> -> memref<4096xf32, #tpu.memory_space<hbm>>
      %dma_wait3A_551 = arith.constant 0 : i32
      %dma_wait3A_552 = tpu.memref_slice %arg3[%select_n3A, %dma_wait3A_551] : memref<8x4096xf32, #tpu.memory_space<hbm>> -> memref<1x4096xf32, #tpu.memory_space<hbm>>
      %dma_wait3A_553 = tpu.memref_squeeze %dma_wait3A_552 : memref<1x4096xf32, #tpu.memory_space<hbm>> -> memref<4096xf32, #tpu.memory_space<hbm>>
      tpu.wait_dma2 semaphore(%run_scoped3A_543 : memref<!tpu.dma_semaphore, #tpu.memory_space<semaphore_mem>>) src(%dma_wait3A_553 : memref<4096xf32, #tpu.memory_space<hbm>>) dst(%arg10 : memref<4096xf32, #tpu.memory_space<vmem>>)
      tpu.yield
    }) : () -> ()
    %jit3A_18 = arith.constant 4 : i32
    %eq3A = arith.constant 0 : i32
    %eq3A_19 = arith.cmpi eq, %jit3A_18, %eq3A : i32
    %jit3A_20 = arith.constant 1 : i32
    %select_n3A_21 = arith.select %eq3A_19, %jit3A_20, %jit3A_18 : i32
    %rem3A_22 = arith.remsi %add3A, %select_n3A_21 : i32
    %ne3A_23 = arith.constant 0 : i32
    %ne3A_24 = arith.cmpi ne, %rem3A_22, %ne3A_23 : i32
    %lt3A = arith.constant 0 : i32
    %lt3A_25 = arith.cmpi slt, %rem3A_22, %lt3A : i32
    %lt3A_26 = arith.constant 0 : i32
    %lt3A_27 = arith.cmpi slt, %select_n3A_21, %lt3A_26 : i32
    %ne3A_28 = arith.xori %lt3A_25, %lt3A_27 : i1
    %and3A_29 = arith.andi %ne3A_28, %ne3A_24 : i1
    %add3A_30 = arith.addi %rem3A_22, %select_n3A_21 : i32
    %select_n3A_31 = arith.select %and3A_29, %add3A_30, %rem3A_22 : i32
    %mul3A_32 = arith.constant 8 : i32
    %mul3A_33 = arith.muli %select_n3A_31, %mul3A_32 : i32
    %add3A_34 = arith.constant 0 : i32
    %add3A_35 = arith.addi %mul3A_33, %add3A_34 : i32
    %jit3A_36 = arith.constant 4 : i32
    %div3A_37 = arith.divsi %add3A_35, %jit3A_36 : i32
    %sign3A_38 = arith.constant 0 : i32
    %sign3A_39 = arith.cmpi sgt, %add3A_35, %sign3A_38 : i32
    %sign3A_40 = arith.extui %sign3A_39 : i1 to i32
    %sign3A_41 = arith.constant 0 : i32
    %sign3A_42 = arith.cmpi slt, %add3A_35, %sign3A_41 : i32
    %sign3A_43 = arith.extui %sign3A_42 : i1 to i32
    %sign3A_44 = arith.subi %sign3A_40, %sign3A_43 : i32
    %sign3A_45 = arith.constant 0 : i32
    %sign3A_46 = arith.cmpi sgt, %jit3A_36, %sign3A_45 : i32
    %sign3A_47 = arith.extui %sign3A_46 : i1 to i32
    %sign3A_48 = arith.constant 0 : i32
    %sign3A_49 = arith.cmpi slt, %jit3A_36, %sign3A_48 : i32
    %sign3A_50 = arith.extui %sign3A_49 : i1 to i32
    %sign3A_51 = arith.subi %sign3A_47, %sign3A_50 : i32
    %ne3A_52 = arith.cmpi ne, %sign3A_44, %sign3A_51 : i32
    %rem3A_53 = arith.remsi %add3A_35, %jit3A_36 : i32
    %ne3A_54 = arith.constant 0 : i32
    %ne3A_55 = arith.cmpi ne, %rem3A_53, %ne3A_54 : i32
    %and3A_56 = arith.andi %ne3A_52, %ne3A_55 : i1
    %sub3A_57 = arith.constant 1 : i32
    %sub3A_58 = arith.subi %div3A_37, %sub3A_57 : i32
    %select_n3A_59 = arith.select %and3A_56, %sub3A_58, %div3A_37 : i32
    %jit3A_60 = arith.constant 4 : i32
    %eq3A_61 = arith.constant 0 : i32
    %eq3A_62 = arith.cmpi eq, %jit3A_60, %eq3A_61 : i32
    %jit3A_63 = arith.constant 1 : i32
    %select_n3A_64 = arith.select %eq3A_62, %jit3A_63, %jit3A_60 : i32
    %rem3A_65 = arith.remsi %add3A_35, %select_n3A_64 : i32
    %ne3A_66 = arith.constant 0 : i32
    %ne3A_67 = arith.cmpi ne, %rem3A_65, %ne3A_66 : i32
    %lt3A_68 = arith.constant 0 : i32
    %lt3A_69 = arith.cmpi slt, %rem3A_65, %lt3A_68 : i32
    %lt3A_70 = arith.constant 0 : i32
    %lt3A_71 = arith.cmpi slt, %select_n3A_64, %lt3A_70 : i32
    %ne3A_72 = arith.xori %lt3A_69, %lt3A_71 : i1
    %and3A_73 = arith.andi %ne3A_72, %ne3A_67 : i1
    %add3A_74 = arith.addi %rem3A_65, %select_n3A_64 : i32
    %select_n3A_75 = arith.select %and3A_73, %add3A_74, %rem3A_65 : i32
    "tpu.region"() ({
      %run_scoped3A_543 = tpu.sem_alloc : memref<!tpu.dma_semaphore, #tpu.memory_space<semaphore_mem>>
      tpu.enqueue_dma source(%arg5 : memref<65536xf32, #tpu.memory_space<hbm>>) target(%arg11 : memref<65536xf32, #tpu.memory_space<vmem>>) target_semaphore(%run_scoped3A_543 : memref<!tpu.dma_semaphore, #tpu.memory_space<semaphore_mem>>)
      tpu.wait_dma2 semaphore(%run_scoped3A_543 : memref<!tpu.dma_semaphore, #tpu.memory_space<semaphore_mem>>) src(%arg5 : memref<65536xf32, #tpu.memory_space<hbm>>) dst(%arg11 : memref<65536xf32, #tpu.memory_space<vmem>>)
      tpu.yield
    }) : () -> ()
    %scan3A = arith.constant 0 : i32
    %scan3A_76 = arith.constant 0 : i32
    %scan3A_77 = arith.constant 125 : i32
    %scan3A_78 = arith.addi %scan3A_76, %scan3A_77 : i32
    %scan3A_79 = arith.constant 1 : i32
    scf.for %scan3A_543 = %scan3A_76 to %scan3A_78 step %scan3A_79  : i32 {
      %mul3A_544 = arith.constant 16 : i32
      %mul3A_545 = arith.muli %scan3A_543, %mul3A_544 : i32
      %get3A = arith.index_cast %mul3A_545 : i32 to index
      %get3A_546 = tpu.vector_load %arg7[%get3A] {strides = array<i32>} : memref<2000xi32, #tpu.memory_space<vmem>>, vector<16xi32>,
      %mul3A_547 = arith.constant 16 : i32
      %mul3A_548 = arith.muli %scan3A_543, %mul3A_547 : i32
      %get3A_549 = arith.index_cast %mul3A_548 : i32 to index
      %get3A_550 = tpu.vector_load %arg8[%get3A_549] {strides = array<i32>} : memref<2000xi32, #tpu.memory_space<vmem>>, vector<16xi32>,
      %mul3A_551 = arith.constant 8 : i32
      %mul3A_552 = vector.broadcast %mul3A_551 : i32 to vector<16xi32>
      %mul3A_553 = arith.muli %get3A_546, %mul3A_552 : vector<16xi32>
      %add3A_554 = vector.broadcast %select_n3A_59 : i32 to vector<16xi32>
      %add3A_555 = arith.addi %mul3A_553, %add3A_554 : vector<16xi32>
      %gather3A = tpu.vector_load_idx %arg9[%add3A_555] : memref<4096xf32, #tpu.memory_space<vmem>>[vector<16xi32>], vector<16xf32>,
      %mul3A_556 = arith.constant 8 : i32
      %mul3A_557 = vector.broadcast %mul3A_556 : i32 to vector<16xi32>
      %mul3A_558 = arith.muli %get3A_550, %mul3A_557 : vector<16xi32>
      %add3A_559 = vector.broadcast %select_n3A_59 : i32 to vector<16xi32>
      %add3A_560 = arith.addi %mul3A_558, %add3A_559 : vector<16xi32>
      %gather3A_561 = tpu.vector_load_idx %arg10[%add3A_560] : memref<4096xf32, #tpu.memory_space<vmem>>[vector<16xi32>], vector<16xf32>,
      %add3A_562 = arith.addf %gather3A, %gather3A_561 : vector<16xf32>
      %gt3A = arith.constant 0.000000e+00 : f32
      %gt3A_563 = vector.broadcast %gt3A : f32 to vector<16xf32>
      %gt3A_564 = arith.cmpf ogt, %add3A_562, %gt3A_563 : vector<16xf32>
      %mul3A_565 = arith.constant 2.000000e-01 : f32
      %mul3A_566 = vector.broadcast %mul3A_565 : f32 to vector<16xf32>
      %mul3A_567 = arith.mulf %mul3A_566, %add3A_562 : vector<16xf32>
      %select_n3A_568 = arith.select %gt3A_564, %add3A_562, %mul3A_567 : vector<16xi1>, vector<16xf32>
      %exp3A = math.exp %select_n3A_568 : vector<16xf32>
      %mul3A_569 = arith.constant 128 : i32
      %mul3A_570 = arith.muli %select_n3A_75, %mul3A_569 : i32
      %sub3A_571 = vector.broadcast %mul3A_570 : i32 to vector<16xi32>
      %sub3A_572 = arith.subi %get3A_546, %sub3A_571 : vector<16xi32>
      %ge3A = arith.constant 0 : i32
      %ge3A_573 = vector.broadcast %ge3A : i32 to vector<16xi32>
      %ge3A_574 = arith.cmpi sge, %sub3A_572, %ge3A_573 : vector<16xi32>
      %lt3A_575 = arith.constant 128 : i32
      %lt3A_576 = vector.broadcast %lt3A_575 : i32 to vector<16xi32>
      %lt3A_577 = arith.cmpi slt, %sub3A_572, %lt3A_576 : vector<16xi32>
      %and3A_578 = arith.andi %ge3A_574, %lt3A_577 : vector<16xi1>
      %mul3A_579 = arith.constant 128 : i32
      %mul3A_580 = vector.broadcast %mul3A_579 : i32 to vector<16xi32>
      %mul3A_581 = arith.muli %get3A_550, %mul3A_580 : vector<16xi32>
      %add3A_582 = arith.addi %mul3A_581, %sub3A_572 : vector<16xi32>
      %jit3A_583 = arith.constant 0 : i32
      %broadcast_in_dim3A = vector.broadcast %jit3A_583 : i32 to vector<16xi32>
      %select_n3A_584 = arith.select %and3A_578, %add3A_582, %broadcast_in_dim3A : vector<16xi1>, vector<16xi32>
      tpu.vector_store_idx %arg11[%select_n3A_584], %exp3A masked %and3A_578 {add = true} : memref<65536xf32, #tpu.memory_space<vmem>>[vector<16xi32>], vector<16xf32>, vector<16xi1>
    }
    %scan3A_80 = arith.constant 125 : i32
    "tpu.region"() ({
      %run_scoped3A_543 = tpu.sem_alloc : memref<!tpu.dma_semaphore, #tpu.memory_space<semaphore_mem>>
      %dma_start3A = arith.constant 0 : i32
      %dma_start3A_544 = tpu.memref_slice %arg6[%select_n3A, %select_n3A_59, %select_n3A_75, %dma_start3A] : memref<8x8x4x65536xf32, #tpu.memory_space<hbm>> -> memref<1x1x1x65536xf32, #tpu.memory_space<hbm>>
      %dma_start3A_545 = tpu.memref_squeeze %dma_start3A_544 : memref<1x1x1x65536xf32, #tpu.memory_space<hbm>> -> memref<65536xf32, #tpu.memory_space<hbm>>
      %dma_start3A_546 = arith.constant 0 : i32
      %dma_start3A_547 = tpu.memref_slice %arg6[%select_n3A, %select_n3A_59, %select_n3A_75, %dma_start3A_546] : memref<8x8x4x65536xf32, #tpu.memory_space<hbm>> -> memref<1x1x1x65536xf32, #tpu.memory_space<hbm>>
      %dma_start3A_548 = tpu.memref_squeeze %dma_start3A_547 : memref<1x1x1x65536xf32, #tpu.memory_space<hbm>> -> memref<65536xf32, #tpu.memory_space<hbm>>
      tpu.enqueue_dma source(%arg11 : memref<65536xf32, #tpu.memory_space<vmem>>) target(%dma_start3A_548 : memref<65536xf32, #tpu.memory_space<hbm>>) target_semaphore(%run_scoped3A_543 : memref<!tpu.dma_semaphore, #tpu.memory_space<semaphore_mem>>)
      %dma_wait3A = arith.constant 0 : i32
      %dma_wait3A_549 = tpu.memref_slice %arg6[%select_n3A, %select_n3A_59, %select_n3A_75, %dma_wait3A] : memref<8x8x4x65536xf32, #tpu.memory_space<hbm>> -> memref<1x1x1x65536xf32, #tpu.memory_space<hbm>>
      %dma_wait3A_550 = tpu.memref_squeeze %dma_wait3A_549 : memref<1x1x1x65536xf32, #tpu.memory_space<hbm>> -> memref<65536xf32, #tpu.memory_space<hbm>>
      %dma_wait3A_551 = arith.constant 0 : i32
      %dma_wait3A_552 = tpu.memref_slice %arg6[%select_n3A, %select_n3A_59, %select_n3A_75, %dma_wait3A_551] : memref<8x8x4x65536xf32, #tpu.memory_space<hbm>> -> memref<1x1x1x65536xf32, #tpu.memory_space<hbm>>
      %dma_wait3A_553 = tpu.memref_squeeze %dma_wait3A_552 : memref<1x1x1x65536xf32, #tpu.memory_space<hbm>> -> memref<65536xf32, #tpu.memory_space<hbm>>
      tpu.wait_dma2 semaphore(%run_scoped3A_543 : memref<!tpu.dma_semaphore, #tpu.memory_space<semaphore_mem>>) src(%arg11 : memref<65536xf32, #tpu.memory_space<vmem>>) dst(%dma_wait3A_553 : memref<65536xf32, #tpu.memory_space<hbm>>)
      tpu.yield
    }) : () -> ()
    %jit3A_81 = arith.constant 4 : i32
    %eq3A_82 = arith.constant 0 : i32
    %eq3A_83 = arith.cmpi eq, %jit3A_81, %eq3A_82 : i32
    %jit3A_84 = arith.constant 1 : i32
    %select_n3A_85 = arith.select %eq3A_83, %jit3A_84, %jit3A_81 : i32
    %rem3A_86 = arith.remsi %add3A, %select_n3A_85 : i32
    %ne3A_87 = arith.constant 0 : i32
    %ne3A_88 = arith.cmpi ne, %rem3A_86, %ne3A_87 : i32
    %lt3A_89 = arith.constant 0 : i32
    %lt3A_90 = arith.cmpi slt, %rem3A_86, %lt3A_89 : i32
    %lt3A_91 = arith.constant 0 : i32
    %lt3A_92 = arith.cmpi slt, %select_n3A_85, %lt3A_91 : i32
    %ne3A_93 = arith.xori %lt3A_90, %lt3A_92 : i1
    %and3A_94 = arith.andi %ne3A_93, %ne3A_88 : i1
    %add3A_95 = arith.addi %rem3A_86, %select_n3A_85 : i32
    %select_n3A_96 = arith.select %and3A_94, %add3A_95, %rem3A_86 : i32
    %mul3A_97 = arith.constant 8 : i32
    %mul3A_98 = arith.muli %select_n3A_96, %mul3A_97 : i32
    %add3A_99 = arith.constant 1 : i32
    %add3A_100 = arith.addi %mul3A_98, %add3A_99 : i32
    %jit3A_101 = arith.constant 4 : i32
    %div3A_102 = arith.divsi %add3A_100, %jit3A_101 : i32
    %sign3A_103 = arith.constant 0 : i32
    %sign3A_104 = arith.cmpi sgt, %add3A_100, %sign3A_103 : i32
    %sign3A_105 = arith.extui %sign3A_104 : i1 to i32
    %sign3A_106 = arith.constant 0 : i32
    %sign3A_107 = arith.cmpi slt, %add3A_100, %sign3A_106 : i32
    %sign3A_108 = arith.extui %sign3A_107 : i1 to i32
    %sign3A_109 = arith.subi %sign3A_105, %sign3A_108 : i32
    %sign3A_110 = arith.constant 0 : i32
    %sign3A_111 = arith.cmpi sgt, %jit3A_101, %sign3A_110 : i32
    %sign3A_112 = arith.extui %sign3A_111 : i1 to i32
    %sign3A_113 = arith.constant 0 : i32
    %sign3A_114 = arith.cmpi slt, %jit3A_101, %sign3A_113 : i32
    %sign3A_115 = arith.extui %sign3A_114 : i1 to i32
    %sign3A_116 = arith.subi %sign3A_112, %sign3A_115 : i32
    %ne3A_117 = arith.cmpi ne, %sign3A_109, %sign3A_116 : i32
    %rem3A_118 = arith.remsi %add3A_100, %jit3A_101 : i32
    %ne3A_119 = arith.constant 0 : i32
    %ne3A_120 = arith.cmpi ne, %rem3A_118, %ne3A_119 : i32
    %and3A_121 = arith.andi %ne3A_117, %ne3A_120 : i1
    %sub3A_122 = arith.constant 1 : i32
    %sub3A_123 = arith.subi %div3A_102, %sub3A_122 : i32
    %select_n3A_124 = arith.select %and3A_121, %sub3A_123, %div3A_102 : i32
    %jit3A_125 = arith.constant 4 : i32
    %eq3A_126 = arith.constant 0 : i32
    %eq3A_127 = arith.cmpi eq, %jit3A_125, %eq3A_126 : i32
    %jit3A_128 = arith.constant 1 : i32
    %select_n3A_129 = arith.select %eq3A_127, %jit3A_128, %jit3A_125 : i32
    %rem3A_130 = arith.remsi %add3A_100, %select_n3A_129 : i32
    %ne3A_131 = arith.constant 0 : i32
    %ne3A_132 = arith.cmpi ne, %rem3A_130, %ne3A_131 : i32
    %lt3A_133 = arith.constant 0 : i32
    %lt3A_134 = arith.cmpi slt, %rem3A_130, %lt3A_133 : i32
    %lt3A_135 = arith.constant 0 : i32
    %lt3A_136 = arith.cmpi slt, %select_n3A_129, %lt3A_135 : i32
    %ne3A_137 = arith.xori %lt3A_134, %lt3A_136 : i1
    %and3A_138 = arith.andi %ne3A_137, %ne3A_132 : i1
    %add3A_139 = arith.addi %rem3A_130, %select_n3A_129 : i32
    %select_n3A_140 = arith.select %and3A_138, %add3A_139, %rem3A_130 : i32
    "tpu.region"() ({
      %run_scoped3A_543 = tpu.sem_alloc : memref<!tpu.dma_semaphore, #tpu.memory_space<semaphore_mem>>
      tpu.enqueue_dma source(%arg5 : memref<65536xf32, #tpu.memory_space<hbm>>) target(%arg11 : memref<65536xf32, #tpu.memory_space<vmem>>) target_semaphore(%run_scoped3A_543 : memref<!tpu.dma_semaphore, #tpu.memory_space<semaphore_mem>>)
      tpu.wait_dma2 semaphore(%run_scoped3A_543 : memref<!tpu.dma_semaphore, #tpu.memory_space<semaphore_mem>>) src(%arg5 : memref<65536xf32, #tpu.memory_space<hbm>>) dst(%arg11 : memref<65536xf32, #tpu.memory_space<vmem>>)
      tpu.yield
    }) : () -> ()
    %scan3A_141 = arith.constant 0 : i32
    %scan3A_142 = arith.constant 0 : i32
    %scan3A_143 = arith.constant 125 : i32
    %scan3A_144 = arith.addi %scan3A_142, %scan3A_143 : i32
    %scan3A_145 = arith.constant 1 : i32
    scf.for %scan3A_543 = %scan3A_142 to %scan3A_144 step %scan3A_145  : i32 {
      %mul3A_544 = arith.constant 16 : i32
      %mul3A_545 = arith.muli %scan3A_543, %mul3A_544 : i32
      %get3A = arith.index_cast %mul3A_545 : i32 to index
      %get3A_546 = tpu.vector_load %arg7[%get3A] {strides = array<i32>} : memref<2000xi32, #tpu.memory_space<vmem>>, vector<16xi32>,
      %mul3A_547 = arith.constant 16 : i32
      %mul3A_548 = arith.muli %scan3A_543, %mul3A_547 : i32
      %get3A_549 = arith.index_cast %mul3A_548 : i32 to index
      %get3A_550 = tpu.vector_load %arg8[%get3A_549] {strides = array<i32>} : memref<2000xi32, #tpu.memory_space<vmem>>, vector<16xi32>,
      %mul3A_551 = arith.constant 8 : i32
      %mul3A_552 = vector.broadcast %mul3A_551 : i32 to vector<16xi32>
      %mul3A_553 = arith.muli %get3A_546, %mul3A_552 : vector<16xi32>
      %add3A_554 = vector.broadcast %select_n3A_124 : i32 to vector<16xi32>
      %add3A_555 = arith.addi %mul3A_553, %add3A_554 : vector<16xi32>
      %gather3A = tpu.vector_load_idx %arg9[%add3A_555] : memref<4096xf32, #tpu.memory_space<vmem>>[vector<16xi32>], vector<16xf32>,
      %mul3A_556 = arith.constant 8 : i32
      %mul3A_557 = vector.broadcast %mul3A_556 : i32 to vector<16xi32>
      %mul3A_558 = arith.muli %get3A_550, %mul3A_557 : vector<16xi32>
      %add3A_559 = vector.broadcast %select_n3A_124 : i32 to vector<16xi32>
      %add3A_560 = arith.addi %mul3A_558, %add3A_559 : vector<16xi32>
      %gather3A_561 = tpu.vector_load_idx %arg10[%add3A_560] : memref<4096xf32, #tpu.memory_space<vmem>>[vector<16xi32>], vector<16xf32>,
      %add3A_562 = arith.addf %gather3A, %gather3A_561 : vector<16xf32>
      %gt3A = arith.constant 0.000000e+00 : f32
      %gt3A_563 = vector.broadcast %gt3A : f32 to vector<16xf32>
      %gt3A_564 = arith.cmpf ogt, %add3A_562, %gt3A_563 : vector<16xf32>
      %mul3A_565 = arith.constant 2.000000e-01 : f32
      %mul3A_566 = vector.broadcast %mul3A_565 : f32 to vector<16xf32>
      %mul3A_567 = arith.mulf %mul3A_566, %add3A_562 : vector<16xf32>
      %select_n3A_568 = arith.select %gt3A_564, %add3A_562, %mul3A_567 : vector<16xi1>, vector<16xf32>
      %exp3A = math.exp %select_n3A_568 : vector<16xf32>
      %mul3A_569 = arith.constant 128 : i32
      %mul3A_570 = arith.muli %select_n3A_140, %mul3A_569 : i32
      %sub3A_571 = vector.broadcast %mul3A_570 : i32 to vector<16xi32>
      %sub3A_572 = arith.subi %get3A_546, %sub3A_571 : vector<16xi32>
      %ge3A = arith.constant 0 : i32
      %ge3A_573 = vector.broadcast %ge3A : i32 to vector<16xi32>
      %ge3A_574 = arith.cmpi sge, %sub3A_572, %ge3A_573 : vector<16xi32>
      %lt3A_575 = arith.constant 128 : i32
      %lt3A_576 = vector.broadcast %lt3A_575 : i32 to vector<16xi32>
      %lt3A_577 = arith.cmpi slt, %sub3A_572, %lt3A_576 : vector<16xi32>
      %and3A_578 = arith.andi %ge3A_574, %lt3A_577 : vector<16xi1>
      %mul3A_579 = arith.constant 128 : i32
      %mul3A_580 = vector.broadcast %mul3A_579 : i32 to vector<16xi32>
      %mul3A_581 = arith.muli %get3A_550, %mul3A_580 : vector<16xi32>
      %add3A_582 = arith.addi %mul3A_581, %sub3A_572 : vector<16xi32>
      %jit3A_583 = arith.constant 0 : i32
      %broadcast_in_dim3A = vector.broadcast %jit3A_583 : i32 to vector<16xi32>
      %select_n3A_584 = arith.select %and3A_578, %add3A_582, %broadcast_in_dim3A : vector<16xi1>, vector<16xi32>
      tpu.vector_store_idx %arg11[%select_n3A_584], %exp3A masked %and3A_578 {add = true} : memref<65536xf32, #tpu.memory_space<vmem>>[vector<16xi32>], vector<16xf32>, vector<16xi1>
    }
    %scan3A_146 = arith.constant 125 : i32
    "tpu.region"() ({
      %run_scoped3A_543 = tpu.sem_alloc : memref<!tpu.dma_semaphore, #tpu.memory_space<semaphore_mem>>
      %dma_start3A = arith.constant 0 : i32
      %dma_start3A_544 = tpu.memref_slice %arg6[%select_n3A, %select_n3A_124, %select_n3A_140, %dma_start3A] : memref<8x8x4x65536xf32, #tpu.memory_space<hbm>> -> memref<1x1x1x65536xf32, #tpu.memory_space<hbm>>
      %dma_start3A_545 = tpu.memref_squeeze %dma_start3A_544 : memref<1x1x1x65536xf32, #tpu.memory_space<hbm>> -> memref<65536xf32, #tpu.memory_space<hbm>>
      %dma_start3A_546 = arith.constant 0 : i32
      %dma_start3A_547 = tpu.memref_slice %arg6[%select_n3A, %select_n3A_124, %select_n3A_140, %dma_start3A_546] : memref<8x8x4x65536xf32, #tpu.memory_space<hbm>> -> memref<1x1x1x65536xf32, #tpu.memory_space<hbm>>
      %dma_start3A_548 = tpu.memref_squeeze %dma_start3A_547 : memref<1x1x1x65536xf32, #tpu.memory_space<hbm>> -> memref<65536xf32, #tpu.memory_space<hbm>>
      tpu.enqueue_dma source(%arg11 : memref<65536xf32, #tpu.memory_space<vmem>>) target(%dma_start3A_548 : memref<65536xf32, #tpu.memory_space<hbm>>) target_semaphore(%run_scoped3A_543 : memref<!tpu.dma_semaphore, #tpu.memory_space<semaphore_mem>>)
      %dma_wait3A = arith.constant 0 : i32
      %dma_wait3A_549 = tpu.memref_slice %arg6[%select_n3A, %select_n3A_124, %select_n3A_140, %dma_wait3A] : memref<8x8x4x65536xf32, #tpu.memory_space<hbm>> -> memref<1x1x1x65536xf32, #tpu.memory_space<hbm>>
      %dma_wait3A_550 = tpu.memref_squeeze %dma_wait3A_549 : memref<1x1x1x65536xf32, #tpu.memory_space<hbm>> -> memref<65536xf32, #tpu.memory_space<hbm>>
      %dma_wait3A_551 = arith.constant 0 : i32
      %dma_wait3A_552 = tpu.memref_slice %arg6[%select_n3A, %select_n3A_124, %select_n3A_140, %dma_wait3A_551] : memref<8x8x4x65536xf32, #tpu.memory_space<hbm>> -> memref<1x1x1x65536xf32, #tpu.memory_space<hbm>>
      %dma_wait3A_553 = tpu.memref_squeeze %dma_wait3A_552 : memref<1x1x1x65536xf32, #tpu.memory_space<hbm>> -> memref<65536xf32, #tpu.memory_space<hbm>>
      tpu.wait_dma2 semaphore(%run_scoped3A_543 : memref<!tpu.dma_semaphore, #tpu.memory_space<semaphore_mem>>) src(%arg11 : memref<65536xf32, #tpu.memory_space<vmem>>) dst(%dma_wait3A_553 : memref<65536xf32, #tpu.memory_space<hbm>>)
      tpu.yield
    }) : () -> ()
    %jit3A_147 = arith.constant 4 : i32
    %eq3A_148 = arith.constant 0 : i32
    %eq3A_149 = arith.cmpi eq, %jit3A_147, %eq3A_148 : i32
    %jit3A_150 = arith.constant 1 : i32
    %select_n3A_151 = arith.select %eq3A_149, %jit3A_150, %jit3A_147 : i32
    %rem3A_152 = arith.remsi %add3A, %select_n3A_151 : i32
    %ne3A_153 = arith.constant 0 : i32
    %ne3A_154 = arith.cmpi ne, %rem3A_152, %ne3A_153 : i32
    %lt3A_155 = arith.constant 0 : i32
    %lt3A_156 = arith.cmpi slt, %rem3A_152, %lt3A_155 : i32
    %lt3A_157 = arith.constant 0 : i32
    %lt3A_158 = arith.cmpi slt, %select_n3A_151, %lt3A_157 : i32
    %ne3A_159 = arith.xori %lt3A_156, %lt3A_158 : i1
    %and3A_160 = arith.andi %ne3A_159, %ne3A_154 : i1
    %add3A_161 = arith.addi %rem3A_152, %select_n3A_151 : i32
    %select_n3A_162 = arith.select %and3A_160, %add3A_161, %rem3A_152 : i32
    %mul3A_163 = arith.constant 8 : i32
    %mul3A_164 = arith.muli %select_n3A_162, %mul3A_163 : i32
    %add3A_165 = arith.constant 2 : i32
    %add3A_166 = arith.addi %mul3A_164, %add3A_165 : i32
    %jit3A_167 = arith.constant 4 : i32
    %div3A_168 = arith.divsi %add3A_166, %jit3A_167 : i32
    %sign3A_169 = arith.constant 0 : i32
    %sign3A_170 = arith.cmpi sgt, %add3A_166, %sign3A_169 : i32
    %sign3A_171 = arith.extui %sign3A_170 : i1 to i32
    %sign3A_172 = arith.constant 0 : i32
    %sign3A_173 = arith.cmpi slt, %add3A_166, %sign3A_172 : i32
    %sign3A_174 = arith.extui %sign3A_173 : i1 to i32
    %sign3A_175 = arith.subi %sign3A_171, %sign3A_174 : i32
    %sign3A_176 = arith.constant 0 : i32
    %sign3A_177 = arith.cmpi sgt, %jit3A_167, %sign3A_176 : i32
    %sign3A_178 = arith.extui %sign3A_177 : i1 to i32
    %sign3A_179 = arith.constant 0 : i32
    %sign3A_180 = arith.cmpi slt, %jit3A_167, %sign3A_179 : i32
    %sign3A_181 = arith.extui %sign3A_180 : i1 to i32
    %sign3A_182 = arith.subi %sign3A_178, %sign3A_181 : i32
    %ne3A_183 = arith.cmpi ne, %sign3A_175, %sign3A_182 : i32
    %rem3A_184 = arith.remsi %add3A_166, %jit3A_167 : i32
    %ne3A_185 = arith.constant 0 : i32
    %ne3A_186 = arith.cmpi ne, %rem3A_184, %ne3A_185 : i32
    %and3A_187 = arith.andi %ne3A_183, %ne3A_186 : i1
    %sub3A_188 = arith.constant 1 : i32
    %sub3A_189 = arith.subi %div3A_168, %sub3A_188 : i32
    %select_n3A_190 = arith.select %and3A_187, %sub3A_189, %div3A_168 : i32
    %jit3A_191 = arith.constant 4 : i32
    %eq3A_192 = arith.constant 0 : i32
    %eq3A_193 = arith.cmpi eq, %jit3A_191, %eq3A_192 : i32
    %jit3A_194 = arith.constant 1 : i32
    %select_n3A_195 = arith.select %eq3A_193, %jit3A_194, %jit3A_191 : i32
    %rem3A_196 = arith.remsi %add3A_166, %select_n3A_195 : i32
    %ne3A_197 = arith.constant 0 : i32
    %ne3A_198 = arith.cmpi ne, %rem3A_196, %ne3A_197 : i32
    %lt3A_199 = arith.constant 0 : i32
    %lt3A_200 = arith.cmpi slt, %rem3A_196, %lt3A_199 : i32
    %lt3A_201 = arith.constant 0 : i32
    %lt3A_202 = arith.cmpi slt, %select_n3A_195, %lt3A_201 : i32
    %ne3A_203 = arith.xori %lt3A_200, %lt3A_202 : i1
    %and3A_204 = arith.andi %ne3A_203, %ne3A_198 : i1
    %add3A_205 = arith.addi %rem3A_196, %select_n3A_195 : i32
    %select_n3A_206 = arith.select %and3A_204, %add3A_205, %rem3A_196 : i32
    "tpu.region"() ({
      %run_scoped3A_543 = tpu.sem_alloc : memref<!tpu.dma_semaphore, #tpu.memory_space<semaphore_mem>>
      tpu.enqueue_dma source(%arg5 : memref<65536xf32, #tpu.memory_space<hbm>>) target(%arg11 : memref<65536xf32, #tpu.memory_space<vmem>>) target_semaphore(%run_scoped3A_543 : memref<!tpu.dma_semaphore, #tpu.memory_space<semaphore_mem>>)
      tpu.wait_dma2 semaphore(%run_scoped3A_543 : memref<!tpu.dma_semaphore, #tpu.memory_space<semaphore_mem>>) src(%arg5 : memref<65536xf32, #tpu.memory_space<hbm>>) dst(%arg11 : memref<65536xf32, #tpu.memory_space<vmem>>)
      tpu.yield
    }) : () -> ()
    %scan3A_207 = arith.constant 0 : i32
    %scan3A_208 = arith.constant 0 : i32
    %scan3A_209 = arith.constant 125 : i32
    %scan3A_210 = arith.addi %scan3A_208, %scan3A_209 : i32
    %scan3A_211 = arith.constant 1 : i32
    scf.for %scan3A_543 = %scan3A_208 to %scan3A_210 step %scan3A_211  : i32 {
      %mul3A_544 = arith.constant 16 : i32
      %mul3A_545 = arith.muli %scan3A_543, %mul3A_544 : i32
      %get3A = arith.index_cast %mul3A_545 : i32 to index
      %get3A_546 = tpu.vector_load %arg7[%get3A] {strides = array<i32>} : memref<2000xi32, #tpu.memory_space<vmem>>, vector<16xi32>,
      %mul3A_547 = arith.constant 16 : i32
      %mul3A_548 = arith.muli %scan3A_543, %mul3A_547 : i32
      %get3A_549 = arith.index_cast %mul3A_548 : i32 to index
      %get3A_550 = tpu.vector_load %arg8[%get3A_549] {strides = array<i32>} : memref<2000xi32, #tpu.memory_space<vmem>>, vector<16xi32>,
      %mul3A_551 = arith.constant 8 : i32
      %mul3A_552 = vector.broadcast %mul3A_551 : i32 to vector<16xi32>
      %mul3A_553 = arith.muli %get3A_546, %mul3A_552 : vector<16xi32>
      %add3A_554 = vector.broadcast %select_n3A_190 : i32 to vector<16xi32>
      %add3A_555 = arith.addi %mul3A_553, %add3A_554 : vector<16xi32>
      %gather3A = tpu.vector_load_idx %arg9[%add3A_555] : memref<4096xf32, #tpu.memory_space<vmem>>[vector<16xi32>], vector<16xf32>,
      %mul3A_556 = arith.constant 8 : i32
      %mul3A_557 = vector.broadcast %mul3A_556 : i32 to vector<16xi32>
      %mul3A_558 = arith.muli %get3A_550, %mul3A_557 : vector<16xi32>
      %add3A_559 = vector.broadcast %select_n3A_190 : i32 to vector<16xi32>
      %add3A_560 = arith.addi %mul3A_558, %add3A_559 : vector<16xi32>
      %gather3A_561 = tpu.vector_load_idx %arg10[%add3A_560] : memref<4096xf32, #tpu.memory_space<vmem>>[vector<16xi32>], vector<16xf32>,
      %add3A_562 = arith.addf %gather3A, %gather3A_561 : vector<16xf32>
      %gt3A = arith.constant 0.000000e+00 : f32
      %gt3A_563 = vector.broadcast %gt3A : f32 to vector<16xf32>
      %gt3A_564 = arith.cmpf ogt, %add3A_562, %gt3A_563 : vector<16xf32>
      %mul3A_565 = arith.constant 2.000000e-01 : f32
      %mul3A_566 = vector.broadcast %mul3A_565 : f32 to vector<16xf32>
      %mul3A_567 = arith.mulf %mul3A_566, %add3A_562 : vector<16xf32>
      %select_n3A_568 = arith.select %gt3A_564, %add3A_562, %mul3A_567 : vector<16xi1>, vector<16xf32>
      %exp3A = math.exp %select_n3A_568 : vector<16xf32>
      %mul3A_569 = arith.constant 128 : i32
      %mul3A_570 = arith.muli %select_n3A_206, %mul3A_569 : i32
      %sub3A_571 = vector.broadcast %mul3A_570 : i32 to vector<16xi32>
      %sub3A_572 = arith.subi %get3A_546, %sub3A_571 : vector<16xi32>
      %ge3A = arith.constant 0 : i32
      %ge3A_573 = vector.broadcast %ge3A : i32 to vector<16xi32>
      %ge3A_574 = arith.cmpi sge, %sub3A_572, %ge3A_573 : vector<16xi32>
      %lt3A_575 = arith.constant 128 : i32
      %lt3A_576 = vector.broadcast %lt3A_575 : i32 to vector<16xi32>
      %lt3A_577 = arith.cmpi slt, %sub3A_572, %lt3A_576 : vector<16xi32>
      %and3A_578 = arith.andi %ge3A_574, %lt3A_577 : vector<16xi1>
      %mul3A_579 = arith.constant 128 : i32
      %mul3A_580 = vector.broadcast %mul3A_579 : i32 to vector<16xi32>
      %mul3A_581 = arith.muli %get3A_550, %mul3A_580 : vector<16xi32>
      %add3A_582 = arith.addi %mul3A_581, %sub3A_572 : vector<16xi32>
      %jit3A_583 = arith.constant 0 : i32
      %broadcast_in_dim3A = vector.broadcast %jit3A_583 : i32 to vector<16xi32>
      %select_n3A_584 = arith.select %and3A_578, %add3A_582, %broadcast_in_dim3A : vector<16xi1>, vector<16xi32>
      tpu.vector_store_idx %arg11[%select_n3A_584], %exp3A masked %and3A_578 {add = true} : memref<65536xf32, #tpu.memory_space<vmem>>[vector<16xi32>], vector<16xf32>, vector<16xi1>
    }
    %scan3A_212 = arith.constant 125 : i32
    "tpu.region"() ({
      %run_scoped3A_543 = tpu.sem_alloc : memref<!tpu.dma_semaphore, #tpu.memory_space<semaphore_mem>>
      %dma_start3A = arith.constant 0 : i32
      %dma_start3A_544 = tpu.memref_slice %arg6[%select_n3A, %select_n3A_190, %select_n3A_206, %dma_start3A] : memref<8x8x4x65536xf32, #tpu.memory_space<hbm>> -> memref<1x1x1x65536xf32, #tpu.memory_space<hbm>>
      %dma_start3A_545 = tpu.memref_squeeze %dma_start3A_544 : memref<1x1x1x65536xf32, #tpu.memory_space<hbm>> -> memref<65536xf32, #tpu.memory_space<hbm>>
      %dma_start3A_546 = arith.constant 0 : i32
      %dma_start3A_547 = tpu.memref_slice %arg6[%select_n3A, %select_n3A_190, %select_n3A_206, %dma_start3A_546] : memref<8x8x4x65536xf32, #tpu.memory_space<hbm>> -> memref<1x1x1x65536xf32, #tpu.memory_space<hbm>>
      %dma_start3A_548 = tpu.memref_squeeze %dma_start3A_547 : memref<1x1x1x65536xf32, #tpu.memory_space<hbm>> -> memref<65536xf32, #tpu.memory_space<hbm>>
      tpu.enqueue_dma source(%arg11 : memref<65536xf32, #tpu.memory_space<vmem>>) target(%dma_start3A_548 : memref<65536xf32, #tpu.memory_space<hbm>>) target_semaphore(%run_scoped3A_543 : memref<!tpu.dma_semaphore, #tpu.memory_space<semaphore_mem>>)
      %dma_wait3A = arith.constant 0 : i32
      %dma_wait3A_549 = tpu.memref_slice %arg6[%select_n3A, %select_n3A_190, %select_n3A_206, %dma_wait3A] : memref<8x8x4x65536xf32, #tpu.memory_space<hbm>> -> memref<1x1x1x65536xf32, #tpu.memory_space<hbm>>
      %dma_wait3A_550 = tpu.memref_squeeze %dma_wait3A_549 : memref<1x1x1x65536xf32, #tpu.memory_space<hbm>> -> memref<65536xf32, #tpu.memory_space<hbm>>
      %dma_wait3A_551 = arith.constant 0 : i32
      %dma_wait3A_552 = tpu.memref_slice %arg6[%select_n3A, %select_n3A_190, %select_n3A_206, %dma_wait3A_551] : memref<8x8x4x65536xf32, #tpu.memory_space<hbm>> -> memref<1x1x1x65536xf32, #tpu.memory_space<hbm>>
      %dma_wait3A_553 = tpu.memref_squeeze %dma_wait3A_552 : memref<1x1x1x65536xf32, #tpu.memory_space<hbm>> -> memref<65536xf32, #tpu.memory_space<hbm>>
      tpu.wait_dma2 semaphore(%run_scoped3A_543 : memref<!tpu.dma_semaphore, #tpu.memory_space<semaphore_mem>>) src(%arg11 : memref<65536xf32, #tpu.memory_space<vmem>>) dst(%dma_wait3A_553 : memref<65536xf32, #tpu.memory_space<hbm>>)
      tpu.yield
    }) : () -> ()
    %jit3A_213 = arith.constant 4 : i32
    %eq3A_214 = arith.constant 0 : i32
    %eq3A_215 = arith.cmpi eq, %jit3A_213, %eq3A_214 : i32
    %jit3A_216 = arith.constant 1 : i32
    %select_n3A_217 = arith.select %eq3A_215, %jit3A_216, %jit3A_213 : i32
    %rem3A_218 = arith.remsi %add3A, %select_n3A_217 : i32
    %ne3A_219 = arith.constant 0 : i32
    %ne3A_220 = arith.cmpi ne, %rem3A_218, %ne3A_219 : i32
    %lt3A_221 = arith.constant 0 : i32
    %lt3A_222 = arith.cmpi slt, %rem3A_218, %lt3A_221 : i32
    %lt3A_223 = arith.constant 0 : i32
    %lt3A_224 = arith.cmpi slt, %select_n3A_217, %lt3A_223 : i32
    %ne3A_225 = arith.xori %lt3A_222, %lt3A_224 : i1
    %and3A_226 = arith.andi %ne3A_225, %ne3A_220 : i1
    %add3A_227 = arith.addi %rem3A_218, %select_n3A_217 : i32
    %select_n3A_228 = arith.select %and3A_226, %add3A_227, %rem3A_218 : i32
    %mul3A_229 = arith.constant 8 : i32
    %mul3A_230 = arith.muli %select_n3A_228, %mul3A_229 : i32
    %add3A_231 = arith.constant 3 : i32
    %add3A_232 = arith.addi %mul3A_230, %add3A_231 : i32
    %jit3A_233 = arith.constant 4 : i32
    %div3A_234 = arith.divsi %add3A_232, %jit3A_233 : i32
    %sign3A_235 = arith.constant 0 : i32
    %sign3A_236 = arith.cmpi sgt, %add3A_232, %sign3A_235 : i32
    %sign3A_237 = arith.extui %sign3A_236 : i1 to i32
    %sign3A_238 = arith.constant 0 : i32
    %sign3A_239 = arith.cmpi slt, %add3A_232, %sign3A_238 : i32
    %sign3A_240 = arith.extui %sign3A_239 : i1 to i32
    %sign3A_241 = arith.subi %sign3A_237, %sign3A_240 : i32
    %sign3A_242 = arith.constant 0 : i32
    %sign3A_243 = arith.cmpi sgt, %jit3A_233, %sign3A_242 : i32
    %sign3A_244 = arith.extui %sign3A_243 : i1 to i32
    %sign3A_245 = arith.constant 0 : i32
    %sign3A_246 = arith.cmpi slt, %jit3A_233, %sign3A_245 : i32
    %sign3A_247 = arith.extui %sign3A_246 : i1 to i32
    %sign3A_248 = arith.subi %sign3A_244, %sign3A_247 : i32
    %ne3A_249 = arith.cmpi ne, %sign3A_241, %sign3A_248 : i32
    %rem3A_250 = arith.remsi %add3A_232, %jit3A_233 : i32
    %ne3A_251 = arith.constant 0 : i32
    %ne3A_252 = arith.cmpi ne, %rem3A_250, %ne3A_251 : i32
    %and3A_253 = arith.andi %ne3A_249, %ne3A_252 : i1
    %sub3A_254 = arith.constant 1 : i32
    %sub3A_255 = arith.subi %div3A_234, %sub3A_254 : i32
    %select_n3A_256 = arith.select %and3A_253, %sub3A_255, %div3A_234 : i32
    %jit3A_257 = arith.constant 4 : i32
    %eq3A_258 = arith.constant 0 : i32
    %eq3A_259 = arith.cmpi eq, %jit3A_257, %eq3A_258 : i32
    %jit3A_260 = arith.constant 1 : i32
    %select_n3A_261 = arith.select %eq3A_259, %jit3A_260, %jit3A_257 : i32
    %rem3A_262 = arith.remsi %add3A_232, %select_n3A_261 : i32
    %ne3A_263 = arith.constant 0 : i32
    %ne3A_264 = arith.cmpi ne, %rem3A_262, %ne3A_263 : i32
    %lt3A_265 = arith.constant 0 : i32
    %lt3A_266 = arith.cmpi slt, %rem3A_262, %lt3A_265 : i32
    %lt3A_267 = arith.constant 0 : i32
    %lt3A_268 = arith.cmpi slt, %select_n3A_261, %lt3A_267 : i32
    %ne3A_269 = arith.xori %lt3A_266, %lt3A_268 : i1
    %and3A_270 = arith.andi %ne3A_269, %ne3A_264 : i1
    %add3A_271 = arith.addi %rem3A_262, %select_n3A_261 : i32
    %select_n3A_272 = arith.select %and3A_270, %add3A_271, %rem3A_262 : i32
    "tpu.region"() ({
      %run_scoped3A_543 = tpu.sem_alloc : memref<!tpu.dma_semaphore, #tpu.memory_space<semaphore_mem>>
      tpu.enqueue_dma source(%arg5 : memref<65536xf32, #tpu.memory_space<hbm>>) target(%arg11 : memref<65536xf32, #tpu.memory_space<vmem>>) target_semaphore(%run_scoped3A_543 : memref<!tpu.dma_semaphore, #tpu.memory_space<semaphore_mem>>)
      tpu.wait_dma2 semaphore(%run_scoped3A_543 : memref<!tpu.dma_semaphore, #tpu.memory_space<semaphore_mem>>) src(%arg5 : memref<65536xf32, #tpu.memory_space<hbm>>) dst(%arg11 : memref<65536xf32, #tpu.memory_space<vmem>>)
      tpu.yield
    }) : () -> ()
    %scan3A_273 = arith.constant 0 : i32
    %scan3A_274 = arith.constant 0 : i32
    %scan3A_275 = arith.constant 125 : i32
    %scan3A_276 = arith.addi %scan3A_274, %scan3A_275 : i32
    %scan3A_277 = arith.constant 1 : i32
    scf.for %scan3A_543 = %scan3A_274 to %scan3A_276 step %scan3A_277  : i32 {
      %mul3A_544 = arith.constant 16 : i32
      %mul3A_545 = arith.muli %scan3A_543, %mul3A_544 : i32
      %get3A = arith.index_cast %mul3A_545 : i32 to index
      %get3A_546 = tpu.vector_load %arg7[%get3A] {strides = array<i32>} : memref<2000xi32, #tpu.memory_space<vmem>>, vector<16xi32>,
      %mul3A_547 = arith.constant 16 : i32
      %mul3A_548 = arith.muli %scan3A_543, %mul3A_547 : i32
      %get3A_549 = arith.index_cast %mul3A_548 : i32 to index
      %get3A_550 = tpu.vector_load %arg8[%get3A_549] {strides = array<i32>} : memref<2000xi32, #tpu.memory_space<vmem>>, vector<16xi32>,
      %mul3A_551 = arith.constant 8 : i32
      %mul3A_552 = vector.broadcast %mul3A_551 : i32 to vector<16xi32>
      %mul3A_553 = arith.muli %get3A_546, %mul3A_552 : vector<16xi32>
      %add3A_554 = vector.broadcast %select_n3A_256 : i32 to vector<16xi32>
      %add3A_555 = arith.addi %mul3A_553, %add3A_554 : vector<16xi32>
      %gather3A = tpu.vector_load_idx %arg9[%add3A_555] : memref<4096xf32, #tpu.memory_space<vmem>>[vector<16xi32>], vector<16xf32>,
      %mul3A_556 = arith.constant 8 : i32
      %mul3A_557 = vector.broadcast %mul3A_556 : i32 to vector<16xi32>
      %mul3A_558 = arith.muli %get3A_550, %mul3A_557 : vector<16xi32>
      %add3A_559 = vector.broadcast %select_n3A_256 : i32 to vector<16xi32>
      %add3A_560 = arith.addi %mul3A_558, %add3A_559 : vector<16xi32>
      %gather3A_561 = tpu.vector_load_idx %arg10[%add3A_560] : memref<4096xf32, #tpu.memory_space<vmem>>[vector<16xi32>], vector<16xf32>,
      %add3A_562 = arith.addf %gather3A, %gather3A_561 : vector<16xf32>
      %gt3A = arith.constant 0.000000e+00 : f32
      %gt3A_563 = vector.broadcast %gt3A : f32 to vector<16xf32>
      %gt3A_564 = arith.cmpf ogt, %add3A_562, %gt3A_563 : vector<16xf32>
      %mul3A_565 = arith.constant 2.000000e-01 : f32
      %mul3A_566 = vector.broadcast %mul3A_565 : f32 to vector<16xf32>
      %mul3A_567 = arith.mulf %mul3A_566, %add3A_562 : vector<16xf32>
      %select_n3A_568 = arith.select %gt3A_564, %add3A_562, %mul3A_567 : vector<16xi1>, vector<16xf32>
      %exp3A = math.exp %select_n3A_568 : vector<16xf32>
      %mul3A_569 = arith.constant 128 : i32
      %mul3A_570 = arith.muli %select_n3A_272, %mul3A_569 : i32
      %sub3A_571 = vector.broadcast %mul3A_570 : i32 to vector<16xi32>
      %sub3A_572 = arith.subi %get3A_546, %sub3A_571 : vector<16xi32>
      %ge3A = arith.constant 0 : i32
      %ge3A_573 = vector.broadcast %ge3A : i32 to vector<16xi32>
      %ge3A_574 = arith.cmpi sge, %sub3A_572, %ge3A_573 : vector<16xi32>
      %lt3A_575 = arith.constant 128 : i32
      %lt3A_576 = vector.broadcast %lt3A_575 : i32 to vector<16xi32>
      %lt3A_577 = arith.cmpi slt, %sub3A_572, %lt3A_576 : vector<16xi32>
      %and3A_578 = arith.andi %ge3A_574, %lt3A_577 : vector<16xi1>
      %mul3A_579 = arith.constant 128 : i32
      %mul3A_580 = vector.broadcast %mul3A_579 : i32 to vector<16xi32>
      %mul3A_581 = arith.muli %get3A_550, %mul3A_580 : vector<16xi32>
      %add3A_582 = arith.addi %mul3A_581, %sub3A_572 : vector<16xi32>
      %jit3A_583 = arith.constant 0 : i32
      %broadcast_in_dim3A = vector.broadcast %jit3A_583 : i32 to vector<16xi32>
      %select_n3A_584 = arith.select %and3A_578, %add3A_582, %broadcast_in_dim3A : vector<16xi1>, vector<16xi32>
      tpu.vector_store_idx %arg11[%select_n3A_584], %exp3A masked %and3A_578 {add = true} : memref<65536xf32, #tpu.memory_space<vmem>>[vector<16xi32>], vector<16xf32>, vector<16xi1>
    }
    %scan3A_278 = arith.constant 125 : i32
    "tpu.region"() ({
      %run_scoped3A_543 = tpu.sem_alloc : memref<!tpu.dma_semaphore, #tpu.memory_space<semaphore_mem>>
      %dma_start3A = arith.constant 0 : i32
      %dma_start3A_544 = tpu.memref_slice %arg6[%select_n3A, %select_n3A_256, %select_n3A_272, %dma_start3A] : memref<8x8x4x65536xf32, #tpu.memory_space<hbm>> -> memref<1x1x1x65536xf32, #tpu.memory_space<hbm>>
      %dma_start3A_545 = tpu.memref_squeeze %dma_start3A_544 : memref<1x1x1x65536xf32, #tpu.memory_space<hbm>> -> memref<65536xf32, #tpu.memory_space<hbm>>
      %dma_start3A_546 = arith.constant 0 : i32
      %dma_start3A_547 = tpu.memref_slice %arg6[%select_n3A, %select_n3A_256, %select_n3A_272, %dma_start3A_546] : memref<8x8x4x65536xf32, #tpu.memory_space<hbm>> -> memref<1x1x1x65536xf32, #tpu.memory_space<hbm>>
      %dma_start3A_548 = tpu.memref_squeeze %dma_start3A_547 : memref<1x1x1x65536xf32, #tpu.memory_space<hbm>> -> memref<65536xf32, #tpu.memory_space<hbm>>
      tpu.enqueue_dma source(%arg11 : memref<65536xf32, #tpu.memory_space<vmem>>) target(%dma_start3A_548 : memref<65536xf32, #tpu.memory_space<hbm>>) target_semaphore(%run_scoped3A_543 : memref<!tpu.dma_semaphore, #tpu.memory_space<semaphore_mem>>)
      %dma_wait3A = arith.constant 0 : i32
      %dma_wait3A_549 = tpu.memref_slice %arg6[%select_n3A, %select_n3A_256, %select_n3A_272, %dma_wait3A] : memref<8x8x4x65536xf32, #tpu.memory_space<hbm>> -> memref<1x1x1x65536xf32, #tpu.memory_space<hbm>>
      %dma_wait3A_550 = tpu.memref_squeeze %dma_wait3A_549 : memref<1x1x1x65536xf32, #tpu.memory_space<hbm>> -> memref<65536xf32, #tpu.memory_space<hbm>>
      %dma_wait3A_551 = arith.constant 0 : i32
      %dma_wait3A_552 = tpu.memref_slice %arg6[%select_n3A, %select_n3A_256, %select_n3A_272, %dma_wait3A_551] : memref<8x8x4x65536xf32, #tpu.memory_space<hbm>> -> memref<1x1x1x65536xf32, #tpu.memory_space<hbm>>
      %dma_wait3A_553 = tpu.memref_squeeze %dma_wait3A_552 : memref<1x1x1x65536xf32, #tpu.memory_space<hbm>> -> memref<65536xf32, #tpu.memory_space<hbm>>
      tpu.wait_dma2 semaphore(%run_scoped3A_543 : memref<!tpu.dma_semaphore, #tpu.memory_space<semaphore_mem>>) src(%arg11 : memref<65536xf32, #tpu.memory_space<vmem>>) dst(%dma_wait3A_553 : memref<65536xf32, #tpu.memory_space<hbm>>)
      tpu.yield
    }) : () -> ()
    %jit3A_279 = arith.constant 4 : i32
    %eq3A_280 = arith.constant 0 : i32
    %eq3A_281 = arith.cmpi eq, %jit3A_279, %eq3A_280 : i32
    %jit3A_282 = arith.constant 1 : i32
    %select_n3A_283 = arith.select %eq3A_281, %jit3A_282, %jit3A_279 : i32
    %rem3A_284 = arith.remsi %add3A, %select_n3A_283 : i32
    %ne3A_285 = arith.constant 0 : i32
    %ne3A_286 = arith.cmpi ne, %rem3A_284, %ne3A_285 : i32
    %lt3A_287 = arith.constant 0 : i32
    %lt3A_288 = arith.cmpi slt, %rem3A_284, %lt3A_287 : i32
    %lt3A_289 = arith.constant 0 : i32
    %lt3A_290 = arith.cmpi slt, %select_n3A_283, %lt3A_289 : i32
    %ne3A_291 = arith.xori %lt3A_288, %lt3A_290 : i1
    %and3A_292 = arith.andi %ne3A_291, %ne3A_286 : i1
    %add3A_293 = arith.addi %rem3A_284, %select_n3A_283 : i32
    %select_n3A_294 = arith.select %and3A_292, %add3A_293, %rem3A_284 : i32
    %mul3A_295 = arith.constant 8 : i32
    %mul3A_296 = arith.muli %select_n3A_294, %mul3A_295 : i32
    %add3A_297 = arith.constant 4 : i32
    %add3A_298 = arith.addi %mul3A_296, %add3A_297 : i32
    %jit3A_299 = arith.constant 4 : i32
    %div3A_300 = arith.divsi %add3A_298, %jit3A_299 : i32
    %sign3A_301 = arith.constant 0 : i32
    %sign3A_302 = arith.cmpi sgt, %add3A_298, %sign3A_301 : i32
    %sign3A_303 = arith.extui %sign3A_302 : i1 to i32
    %sign3A_304 = arith.constant 0 : i32
    %sign3A_305 = arith.cmpi slt, %add3A_298, %sign3A_304 : i32
    %sign3A_306 = arith.extui %sign3A_305 : i1 to i32
    %sign3A_307 = arith.subi %sign3A_303, %sign3A_306 : i32
    %sign3A_308 = arith.constant 0 : i32
    %sign3A_309 = arith.cmpi sgt, %jit3A_299, %sign3A_308 : i32
    %sign3A_310 = arith.extui %sign3A_309 : i1 to i32
    %sign3A_311 = arith.constant 0 : i32
    %sign3A_312 = arith.cmpi slt, %jit3A_299, %sign3A_311 : i32
    %sign3A_313 = arith.extui %sign3A_312 : i1 to i32
    %sign3A_314 = arith.subi %sign3A_310, %sign3A_313 : i32
    %ne3A_315 = arith.cmpi ne, %sign3A_307, %sign3A_314 : i32
    %rem3A_316 = arith.remsi %add3A_298, %jit3A_299 : i32
    %ne3A_317 = arith.constant 0 : i32
    %ne3A_318 = arith.cmpi ne, %rem3A_316, %ne3A_317 : i32
    %and3A_319 = arith.andi %ne3A_315, %ne3A_318 : i1
    %sub3A_320 = arith.constant 1 : i32
    %sub3A_321 = arith.subi %div3A_300, %sub3A_320 : i32
    %select_n3A_322 = arith.select %and3A_319, %sub3A_321, %div3A_300 : i32
    %jit3A_323 = arith.constant 4 : i32
    %eq3A_324 = arith.constant 0 : i32
    %eq3A_325 = arith.cmpi eq, %jit3A_323, %eq3A_324 : i32
    %jit3A_326 = arith.constant 1 : i32
    %select_n3A_327 = arith.select %eq3A_325, %jit3A_326, %jit3A_323 : i32
    %rem3A_328 = arith.remsi %add3A_298, %select_n3A_327 : i32
    %ne3A_329 = arith.constant 0 : i32
    %ne3A_330 = arith.cmpi ne, %rem3A_328, %ne3A_329 : i32
    %lt3A_331 = arith.constant 0 : i32
    %lt3A_332 = arith.cmpi slt, %rem3A_328, %lt3A_331 : i32
    %lt3A_333 = arith.constant 0 : i32
    %lt3A_334 = arith.cmpi slt, %select_n3A_327, %lt3A_333 : i32
    %ne3A_335 = arith.xori %lt3A_332, %lt3A_334 : i1
    %and3A_336 = arith.andi %ne3A_335, %ne3A_330 : i1
    %add3A_337 = arith.addi %rem3A_328, %select_n3A_327 : i32
    %select_n3A_338 = arith.select %and3A_336, %add3A_337, %rem3A_328 : i32
    "tpu.region"() ({
      %run_scoped3A_543 = tpu.sem_alloc : memref<!tpu.dma_semaphore, #tpu.memory_space<semaphore_mem>>
      tpu.enqueue_dma source(%arg5 : memref<65536xf32, #tpu.memory_space<hbm>>) target(%arg11 : memref<65536xf32, #tpu.memory_space<vmem>>) target_semaphore(%run_scoped3A_543 : memref<!tpu.dma_semaphore, #tpu.memory_space<semaphore_mem>>)
      tpu.wait_dma2 semaphore(%run_scoped3A_543 : memref<!tpu.dma_semaphore, #tpu.memory_space<semaphore_mem>>) src(%arg5 : memref<65536xf32, #tpu.memory_space<hbm>>) dst(%arg11 : memref<65536xf32, #tpu.memory_space<vmem>>)
      tpu.yield
    }) : () -> ()
    %scan3A_339 = arith.constant 0 : i32
    %scan3A_340 = arith.constant 0 : i32
    %scan3A_341 = arith.constant 125 : i32
    %scan3A_342 = arith.addi %scan3A_340, %scan3A_341 : i32
    %scan3A_343 = arith.constant 1 : i32
    scf.for %scan3A_543 = %scan3A_340 to %scan3A_342 step %scan3A_343  : i32 {
      %mul3A_544 = arith.constant 16 : i32
      %mul3A_545 = arith.muli %scan3A_543, %mul3A_544 : i32
      %get3A = arith.index_cast %mul3A_545 : i32 to index
      %get3A_546 = tpu.vector_load %arg7[%get3A] {strides = array<i32>} : memref<2000xi32, #tpu.memory_space<vmem>>, vector<16xi32>,
      %mul3A_547 = arith.constant 16 : i32
      %mul3A_548 = arith.muli %scan3A_543, %mul3A_547 : i32
      %get3A_549 = arith.index_cast %mul3A_548 : i32 to index
      %get3A_550 = tpu.vector_load %arg8[%get3A_549] {strides = array<i32>} : memref<2000xi32, #tpu.memory_space<vmem>>, vector<16xi32>,
      %mul3A_551 = arith.constant 8 : i32
      %mul3A_552 = vector.broadcast %mul3A_551 : i32 to vector<16xi32>
      %mul3A_553 = arith.muli %get3A_546, %mul3A_552 : vector<16xi32>
      %add3A_554 = vector.broadcast %select_n3A_322 : i32 to vector<16xi32>
      %add3A_555 = arith.addi %mul3A_553, %add3A_554 : vector<16xi32>
      %gather3A = tpu.vector_load_idx %arg9[%add3A_555] : memref<4096xf32, #tpu.memory_space<vmem>>[vector<16xi32>], vector<16xf32>,
      %mul3A_556 = arith.constant 8 : i32
      %mul3A_557 = vector.broadcast %mul3A_556 : i32 to vector<16xi32>
      %mul3A_558 = arith.muli %get3A_550, %mul3A_557 : vector<16xi32>
      %add3A_559 = vector.broadcast %select_n3A_322 : i32 to vector<16xi32>
      %add3A_560 = arith.addi %mul3A_558, %add3A_559 : vector<16xi32>
      %gather3A_561 = tpu.vector_load_idx %arg10[%add3A_560] : memref<4096xf32, #tpu.memory_space<vmem>>[vector<16xi32>], vector<16xf32>,
      %add3A_562 = arith.addf %gather3A, %gather3A_561 : vector<16xf32>
      %gt3A = arith.constant 0.000000e+00 : f32
      %gt3A_563 = vector.broadcast %gt3A : f32 to vector<16xf32>
      %gt3A_564 = arith.cmpf ogt, %add3A_562, %gt3A_563 : vector<16xf32>
      %mul3A_565 = arith.constant 2.000000e-01 : f32
      %mul3A_566 = vector.broadcast %mul3A_565 : f32 to vector<16xf32>
      %mul3A_567 = arith.mulf %mul3A_566, %add3A_562 : vector<16xf32>
      %select_n3A_568 = arith.select %gt3A_564, %add3A_562, %mul3A_567 : vector<16xi1>, vector<16xf32>
      %exp3A = math.exp %select_n3A_568 : vector<16xf32>
      %mul3A_569 = arith.constant 128 : i32
      %mul3A_570 = arith.muli %select_n3A_338, %mul3A_569 : i32
      %sub3A_571 = vector.broadcast %mul3A_570 : i32 to vector<16xi32>
      %sub3A_572 = arith.subi %get3A_546, %sub3A_571 : vector<16xi32>
      %ge3A = arith.constant 0 : i32
      %ge3A_573 = vector.broadcast %ge3A : i32 to vector<16xi32>
      %ge3A_574 = arith.cmpi sge, %sub3A_572, %ge3A_573 : vector<16xi32>
      %lt3A_575 = arith.constant 128 : i32
      %lt3A_576 = vector.broadcast %lt3A_575 : i32 to vector<16xi32>
      %lt3A_577 = arith.cmpi slt, %sub3A_572, %lt3A_576 : vector<16xi32>
      %and3A_578 = arith.andi %ge3A_574, %lt3A_577 : vector<16xi1>
      %mul3A_579 = arith.constant 128 : i32
      %mul3A_580 = vector.broadcast %mul3A_579 : i32 to vector<16xi32>
      %mul3A_581 = arith.muli %get3A_550, %mul3A_580 : vector<16xi32>
      %add3A_582 = arith.addi %mul3A_581, %sub3A_572 : vector<16xi32>
      %jit3A_583 = arith.constant 0 : i32
      %broadcast_in_dim3A = vector.broadcast %jit3A_583 : i32 to vector<16xi32>
      %select_n3A_584 = arith.select %and3A_578, %add3A_582, %broadcast_in_dim3A : vector<16xi1>, vector<16xi32>
      tpu.vector_store_idx %arg11[%select_n3A_584], %exp3A masked %and3A_578 {add = true} : memref<65536xf32, #tpu.memory_space<vmem>>[vector<16xi32>], vector<16xf32>, vector<16xi1>
    }
    %scan3A_344 = arith.constant 125 : i32
    "tpu.region"() ({
      %run_scoped3A_543 = tpu.sem_alloc : memref<!tpu.dma_semaphore, #tpu.memory_space<semaphore_mem>>
      %dma_start3A = arith.constant 0 : i32
      %dma_start3A_544 = tpu.memref_slice %arg6[%select_n3A, %select_n3A_322, %select_n3A_338, %dma_start3A] : memref<8x8x4x65536xf32, #tpu.memory_space<hbm>> -> memref<1x1x1x65536xf32, #tpu.memory_space<hbm>>
      %dma_start3A_545 = tpu.memref_squeeze %dma_start3A_544 : memref<1x1x1x65536xf32, #tpu.memory_space<hbm>> -> memref<65536xf32, #tpu.memory_space<hbm>>
      %dma_start3A_546 = arith.constant 0 : i32
      %dma_start3A_547 = tpu.memref_slice %arg6[%select_n3A, %select_n3A_322, %select_n3A_338, %dma_start3A_546] : memref<8x8x4x65536xf32, #tpu.memory_space<hbm>> -> memref<1x1x1x65536xf32, #tpu.memory_space<hbm>>
      %dma_start3A_548 = tpu.memref_squeeze %dma_start3A_547 : memref<1x1x1x65536xf32, #tpu.memory_space<hbm>> -> memref<65536xf32, #tpu.memory_space<hbm>>
      tpu.enqueue_dma source(%arg11 : memref<65536xf32, #tpu.memory_space<vmem>>) target(%dma_start3A_548 : memref<65536xf32, #tpu.memory_space<hbm>>) target_semaphore(%run_scoped3A_543 : memref<!tpu.dma_semaphore, #tpu.memory_space<semaphore_mem>>)
      %dma_wait3A = arith.constant 0 : i32
      %dma_wait3A_549 = tpu.memref_slice %arg6[%select_n3A, %select_n3A_322, %select_n3A_338, %dma_wait3A] : memref<8x8x4x65536xf32, #tpu.memory_space<hbm>> -> memref<1x1x1x65536xf32, #tpu.memory_space<hbm>>
      %dma_wait3A_550 = tpu.memref_squeeze %dma_wait3A_549 : memref<1x1x1x65536xf32, #tpu.memory_space<hbm>> -> memref<65536xf32, #tpu.memory_space<hbm>>
      %dma_wait3A_551 = arith.constant 0 : i32
      %dma_wait3A_552 = tpu.memref_slice %arg6[%select_n3A, %select_n3A_322, %select_n3A_338, %dma_wait3A_551] : memref<8x8x4x65536xf32, #tpu.memory_space<hbm>> -> memref<1x1x1x65536xf32, #tpu.memory_space<hbm>>
      %dma_wait3A_553 = tpu.memref_squeeze %dma_wait3A_552 : memref<1x1x1x65536xf32, #tpu.memory_space<hbm>> -> memref<65536xf32, #tpu.memory_space<hbm>>
      tpu.wait_dma2 semaphore(%run_scoped3A_543 : memref<!tpu.dma_semaphore, #tpu.memory_space<semaphore_mem>>) src(%arg11 : memref<65536xf32, #tpu.memory_space<vmem>>) dst(%dma_wait3A_553 : memref<65536xf32, #tpu.memory_space<hbm>>)
      tpu.yield
    }) : () -> ()
    %jit3A_345 = arith.constant 4 : i32
    %eq3A_346 = arith.constant 0 : i32
    %eq3A_347 = arith.cmpi eq, %jit3A_345, %eq3A_346 : i32
    %jit3A_348 = arith.constant 1 : i32
    %select_n3A_349 = arith.select %eq3A_347, %jit3A_348, %jit3A_345 : i32
    %rem3A_350 = arith.remsi %add3A, %select_n3A_349 : i32
    %ne3A_351 = arith.constant 0 : i32
    %ne3A_352 = arith.cmpi ne, %rem3A_350, %ne3A_351 : i32
    %lt3A_353 = arith.constant 0 : i32
    %lt3A_354 = arith.cmpi slt, %rem3A_350, %lt3A_353 : i32
    %lt3A_355 = arith.constant 0 : i32
    %lt3A_356 = arith.cmpi slt, %select_n3A_349, %lt3A_355 : i32
    %ne3A_357 = arith.xori %lt3A_354, %lt3A_356 : i1
    %and3A_358 = arith.andi %ne3A_357, %ne3A_352 : i1
    %add3A_359 = arith.addi %rem3A_350, %select_n3A_349 : i32
    %select_n3A_360 = arith.select %and3A_358, %add3A_359, %rem3A_350 : i32
    %mul3A_361 = arith.constant 8 : i32
    %mul3A_362 = arith.muli %select_n3A_360, %mul3A_361 : i32
    %add3A_363 = arith.constant 5 : i32
    %add3A_364 = arith.addi %mul3A_362, %add3A_363 : i32
    %jit3A_365 = arith.constant 4 : i32
    %div3A_366 = arith.divsi %add3A_364, %jit3A_365 : i32
    %sign3A_367 = arith.constant 0 : i32
    %sign3A_368 = arith.cmpi sgt, %add3A_364, %sign3A_367 : i32
    %sign3A_369 = arith.extui %sign3A_368 : i1 to i32
    %sign3A_370 = arith.constant 0 : i32
    %sign3A_371 = arith.cmpi slt, %add3A_364, %sign3A_370 : i32
    %sign3A_372 = arith.extui %sign3A_371 : i1 to i32
    %sign3A_373 = arith.subi %sign3A_369, %sign3A_372 : i32
    %sign3A_374 = arith.constant 0 : i32
    %sign3A_375 = arith.cmpi sgt, %jit3A_365, %sign3A_374 : i32
    %sign3A_376 = arith.extui %sign3A_375 : i1 to i32
    %sign3A_377 = arith.constant 0 : i32
    %sign3A_378 = arith.cmpi slt, %jit3A_365, %sign3A_377 : i32
    %sign3A_379 = arith.extui %sign3A_378 : i1 to i32
    %sign3A_380 = arith.subi %sign3A_376, %sign3A_379 : i32
    %ne3A_381 = arith.cmpi ne, %sign3A_373, %sign3A_380 : i32
    %rem3A_382 = arith.remsi %add3A_364, %jit3A_365 : i32
    %ne3A_383 = arith.constant 0 : i32
    %ne3A_384 = arith.cmpi ne, %rem3A_382, %ne3A_383 : i32
    %and3A_385 = arith.andi %ne3A_381, %ne3A_384 : i1
    %sub3A_386 = arith.constant 1 : i32
    %sub3A_387 = arith.subi %div3A_366, %sub3A_386 : i32
    %select_n3A_388 = arith.select %and3A_385, %sub3A_387, %div3A_366 : i32
    %jit3A_389 = arith.constant 4 : i32
    %eq3A_390 = arith.constant 0 : i32
    %eq3A_391 = arith.cmpi eq, %jit3A_389, %eq3A_390 : i32
    %jit3A_392 = arith.constant 1 : i32
    %select_n3A_393 = arith.select %eq3A_391, %jit3A_392, %jit3A_389 : i32
    %rem3A_394 = arith.remsi %add3A_364, %select_n3A_393 : i32
    %ne3A_395 = arith.constant 0 : i32
    %ne3A_396 = arith.cmpi ne, %rem3A_394, %ne3A_395 : i32
    %lt3A_397 = arith.constant 0 : i32
    %lt3A_398 = arith.cmpi slt, %rem3A_394, %lt3A_397 : i32
    %lt3A_399 = arith.constant 0 : i32
    %lt3A_400 = arith.cmpi slt, %select_n3A_393, %lt3A_399 : i32
    %ne3A_401 = arith.xori %lt3A_398, %lt3A_400 : i1
    %and3A_402 = arith.andi %ne3A_401, %ne3A_396 : i1
    %add3A_403 = arith.addi %rem3A_394, %select_n3A_393 : i32
    %select_n3A_404 = arith.select %and3A_402, %add3A_403, %rem3A_394 : i32
    "tpu.region"() ({
      %run_scoped3A_543 = tpu.sem_alloc : memref<!tpu.dma_semaphore, #tpu.memory_space<semaphore_mem>>
      tpu.enqueue_dma source(%arg5 : memref<65536xf32, #tpu.memory_space<hbm>>) target(%arg11 : memref<65536xf32, #tpu.memory_space<vmem>>) target_semaphore(%run_scoped3A_543 : memref<!tpu.dma_semaphore, #tpu.memory_space<semaphore_mem>>)
      tpu.wait_dma2 semaphore(%run_scoped3A_543 : memref<!tpu.dma_semaphore, #tpu.memory_space<semaphore_mem>>) src(%arg5 : memref<65536xf32, #tpu.memory_space<hbm>>) dst(%arg11 : memref<65536xf32, #tpu.memory_space<vmem>>)
      tpu.yield
    }) : () -> ()
    %scan3A_405 = arith.constant 0 : i32
    %scan3A_406 = arith.constant 0 : i32
    %scan3A_407 = arith.constant 125 : i32
    %scan3A_408 = arith.addi %scan3A_406, %scan3A_407 : i32
    %scan3A_409 = arith.constant 1 : i32
    scf.for %scan3A_543 = %scan3A_406 to %scan3A_408 step %scan3A_409  : i32 {
      %mul3A_544 = arith.constant 16 : i32
      %mul3A_545 = arith.muli %scan3A_543, %mul3A_544 : i32
      %get3A = arith.index_cast %mul3A_545 : i32 to index
      %get3A_546 = tpu.vector_load %arg7[%get3A] {strides = array<i32>} : memref<2000xi32, #tpu.memory_space<vmem>>, vector<16xi32>,
      %mul3A_547 = arith.constant 16 : i32
      %mul3A_548 = arith.muli %scan3A_543, %mul3A_547 : i32
      %get3A_549 = arith.index_cast %mul3A_548 : i32 to index
      %get3A_550 = tpu.vector_load %arg8[%get3A_549] {strides = array<i32>} : memref<2000xi32, #tpu.memory_space<vmem>>, vector<16xi32>,
      %mul3A_551 = arith.constant 8 : i32
      %mul3A_552 = vector.broadcast %mul3A_551 : i32 to vector<16xi32>
      %mul3A_553 = arith.muli %get3A_546, %mul3A_552 : vector<16xi32>
      %add3A_554 = vector.broadcast %select_n3A_388 : i32 to vector<16xi32>
      %add3A_555 = arith.addi %mul3A_553, %add3A_554 : vector<16xi32>
      %gather3A = tpu.vector_load_idx %arg9[%add3A_555] : memref<4096xf32, #tpu.memory_space<vmem>>[vector<16xi32>], vector<16xf32>,
      %mul3A_556 = arith.constant 8 : i32
      %mul3A_557 = vector.broadcast %mul3A_556 : i32 to vector<16xi32>
      %mul3A_558 = arith.muli %get3A_550, %mul3A_557 : vector<16xi32>
      %add3A_559 = vector.broadcast %select_n3A_388 : i32 to vector<16xi32>
      %add3A_560 = arith.addi %mul3A_558, %add3A_559 : vector<16xi32>
      %gather3A_561 = tpu.vector_load_idx %arg10[%add3A_560] : memref<4096xf32, #tpu.memory_space<vmem>>[vector<16xi32>], vector<16xf32>,
      %add3A_562 = arith.addf %gather3A, %gather3A_561 : vector<16xf32>
      %gt3A = arith.constant 0.000000e+00 : f32
      %gt3A_563 = vector.broadcast %gt3A : f32 to vector<16xf32>
      %gt3A_564 = arith.cmpf ogt, %add3A_562, %gt3A_563 : vector<16xf32>
      %mul3A_565 = arith.constant 2.000000e-01 : f32
      %mul3A_566 = vector.broadcast %mul3A_565 : f32 to vector<16xf32>
      %mul3A_567 = arith.mulf %mul3A_566, %add3A_562 : vector<16xf32>
      %select_n3A_568 = arith.select %gt3A_564, %add3A_562, %mul3A_567 : vector<16xi1>, vector<16xf32>
      %exp3A = math.exp %select_n3A_568 : vector<16xf32>
      %mul3A_569 = arith.constant 128 : i32
      %mul3A_570 = arith.muli %select_n3A_404, %mul3A_569 : i32
      %sub3A_571 = vector.broadcast %mul3A_570 : i32 to vector<16xi32>
      %sub3A_572 = arith.subi %get3A_546, %sub3A_571 : vector<16xi32>
      %ge3A = arith.constant 0 : i32
      %ge3A_573 = vector.broadcast %ge3A : i32 to vector<16xi32>
      %ge3A_574 = arith.cmpi sge, %sub3A_572, %ge3A_573 : vector<16xi32>
      %lt3A_575 = arith.constant 128 : i32
      %lt3A_576 = vector.broadcast %lt3A_575 : i32 to vector<16xi32>
      %lt3A_577 = arith.cmpi slt, %sub3A_572, %lt3A_576 : vector<16xi32>
      %and3A_578 = arith.andi %ge3A_574, %lt3A_577 : vector<16xi1>
      %mul3A_579 = arith.constant 128 : i32
      %mul3A_580 = vector.broadcast %mul3A_579 : i32 to vector<16xi32>
      %mul3A_581 = arith.muli %get3A_550, %mul3A_580 : vector<16xi32>
      %add3A_582 = arith.addi %mul3A_581, %sub3A_572 : vector<16xi32>
      %jit3A_583 = arith.constant 0 : i32
      %broadcast_in_dim3A = vector.broadcast %jit3A_583 : i32 to vector<16xi32>
      %select_n3A_584 = arith.select %and3A_578, %add3A_582, %broadcast_in_dim3A : vector<16xi1>, vector<16xi32>
      tpu.vector_store_idx %arg11[%select_n3A_584], %exp3A masked %and3A_578 {add = true} : memref<65536xf32, #tpu.memory_space<vmem>>[vector<16xi32>], vector<16xf32>, vector<16xi1>
    }
    %scan3A_410 = arith.constant 125 : i32
    "tpu.region"() ({
      %run_scoped3A_543 = tpu.sem_alloc : memref<!tpu.dma_semaphore, #tpu.memory_space<semaphore_mem>>
      %dma_start3A = arith.constant 0 : i32
      %dma_start3A_544 = tpu.memref_slice %arg6[%select_n3A, %select_n3A_388, %select_n3A_404, %dma_start3A] : memref<8x8x4x65536xf32, #tpu.memory_space<hbm>> -> memref<1x1x1x65536xf32, #tpu.memory_space<hbm>>
      %dma_start3A_545 = tpu.memref_squeeze %dma_start3A_544 : memref<1x1x1x65536xf32, #tpu.memory_space<hbm>> -> memref<65536xf32, #tpu.memory_space<hbm>>
      %dma_start3A_546 = arith.constant 0 : i32
      %dma_start3A_547 = tpu.memref_slice %arg6[%select_n3A, %select_n3A_388, %select_n3A_404, %dma_start3A_546] : memref<8x8x4x65536xf32, #tpu.memory_space<hbm>> -> memref<1x1x1x65536xf32, #tpu.memory_space<hbm>>
      %dma_start3A_548 = tpu.memref_squeeze %dma_start3A_547 : memref<1x1x1x65536xf32, #tpu.memory_space<hbm>> -> memref<65536xf32, #tpu.memory_space<hbm>>
      tpu.enqueue_dma source(%arg11 : memref<65536xf32, #tpu.memory_space<vmem>>) target(%dma_start3A_548 : memref<65536xf32, #tpu.memory_space<hbm>>) target_semaphore(%run_scoped3A_543 : memref<!tpu.dma_semaphore, #tpu.memory_space<semaphore_mem>>)
      %dma_wait3A = arith.constant 0 : i32
      %dma_wait3A_549 = tpu.memref_slice %arg6[%select_n3A, %select_n3A_388, %select_n3A_404, %dma_wait3A] : memref<8x8x4x65536xf32, #tpu.memory_space<hbm>> -> memref<1x1x1x65536xf32, #tpu.memory_space<hbm>>
      %dma_wait3A_550 = tpu.memref_squeeze %dma_wait3A_549 : memref<1x1x1x65536xf32, #tpu.memory_space<hbm>> -> memref<65536xf32, #tpu.memory_space<hbm>>
      %dma_wait3A_551 = arith.constant 0 : i32
      %dma_wait3A_552 = tpu.memref_slice %arg6[%select_n3A, %select_n3A_388, %select_n3A_404, %dma_wait3A_551] : memref<8x8x4x65536xf32, #tpu.memory_space<hbm>> -> memref<1x1x1x65536xf32, #tpu.memory_space<hbm>>
      %dma_wait3A_553 = tpu.memref_squeeze %dma_wait3A_552 : memref<1x1x1x65536xf32, #tpu.memory_space<hbm>> -> memref<65536xf32, #tpu.memory_space<hbm>>
      tpu.wait_dma2 semaphore(%run_scoped3A_543 : memref<!tpu.dma_semaphore, #tpu.memory_space<semaphore_mem>>) src(%arg11 : memref<65536xf32, #tpu.memory_space<vmem>>) dst(%dma_wait3A_553 : memref<65536xf32, #tpu.memory_space<hbm>>)
      tpu.yield
    }) : () -> ()
    %jit3A_411 = arith.constant 4 : i32
    %eq3A_412 = arith.constant 0 : i32
    %eq3A_413 = arith.cmpi eq, %jit3A_411, %eq3A_412 : i32
    %jit3A_414 = arith.constant 1 : i32
    %select_n3A_415 = arith.select %eq3A_413, %jit3A_414, %jit3A_411 : i32
    %rem3A_416 = arith.remsi %add3A, %select_n3A_415 : i32
    %ne3A_417 = arith.constant 0 : i32
    %ne3A_418 = arith.cmpi ne, %rem3A_416, %ne3A_417 : i32
    %lt3A_419 = arith.constant 0 : i32
    %lt3A_420 = arith.cmpi slt, %rem3A_416, %lt3A_419 : i32
    %lt3A_421 = arith.constant 0 : i32
    %lt3A_422 = arith.cmpi slt, %select_n3A_415, %lt3A_421 : i32
    %ne3A_423 = arith.xori %lt3A_420, %lt3A_422 : i1
    %and3A_424 = arith.andi %ne3A_423, %ne3A_418 : i1
    %add3A_425 = arith.addi %rem3A_416, %select_n3A_415 : i32
    %select_n3A_426 = arith.select %and3A_424, %add3A_425, %rem3A_416 : i32
    %mul3A_427 = arith.constant 8 : i32
    %mul3A_428 = arith.muli %select_n3A_426, %mul3A_427 : i32
    %add3A_429 = arith.constant 6 : i32
    %add3A_430 = arith.addi %mul3A_428, %add3A_429 : i32
    %jit3A_431 = arith.constant 4 : i32
    %div3A_432 = arith.divsi %add3A_430, %jit3A_431 : i32
    %sign3A_433 = arith.constant 0 : i32
    %sign3A_434 = arith.cmpi sgt, %add3A_430, %sign3A_433 : i32
    %sign3A_435 = arith.extui %sign3A_434 : i1 to i32
    %sign3A_436 = arith.constant 0 : i32
    %sign3A_437 = arith.cmpi slt, %add3A_430, %sign3A_436 : i32
    %sign3A_438 = arith.extui %sign3A_437 : i1 to i32
    %sign3A_439 = arith.subi %sign3A_435, %sign3A_438 : i32
    %sign3A_440 = arith.constant 0 : i32
    %sign3A_441 = arith.cmpi sgt, %jit3A_431, %sign3A_440 : i32
    %sign3A_442 = arith.extui %sign3A_441 : i1 to i32
    %sign3A_443 = arith.constant 0 : i32
    %sign3A_444 = arith.cmpi slt, %jit3A_431, %sign3A_443 : i32
    %sign3A_445 = arith.extui %sign3A_444 : i1 to i32
    %sign3A_446 = arith.subi %sign3A_442, %sign3A_445 : i32
    %ne3A_447 = arith.cmpi ne, %sign3A_439, %sign3A_446 : i32
    %rem3A_448 = arith.remsi %add3A_430, %jit3A_431 : i32
    %ne3A_449 = arith.constant 0 : i32
    %ne3A_450 = arith.cmpi ne, %rem3A_448, %ne3A_449 : i32
    %and3A_451 = arith.andi %ne3A_447, %ne3A_450 : i1
    %sub3A_452 = arith.constant 1 : i32
    %sub3A_453 = arith.subi %div3A_432, %sub3A_452 : i32
    %select_n3A_454 = arith.select %and3A_451, %sub3A_453, %div3A_432 : i32
    %jit3A_455 = arith.constant 4 : i32
    %eq3A_456 = arith.constant 0 : i32
    %eq3A_457 = arith.cmpi eq, %jit3A_455, %eq3A_456 : i32
    %jit3A_458 = arith.constant 1 : i32
    %select_n3A_459 = arith.select %eq3A_457, %jit3A_458, %jit3A_455 : i32
    %rem3A_460 = arith.remsi %add3A_430, %select_n3A_459 : i32
    %ne3A_461 = arith.constant 0 : i32
    %ne3A_462 = arith.cmpi ne, %rem3A_460, %ne3A_461 : i32
    %lt3A_463 = arith.constant 0 : i32
    %lt3A_464 = arith.cmpi slt, %rem3A_460, %lt3A_463 : i32
    %lt3A_465 = arith.constant 0 : i32
    %lt3A_466 = arith.cmpi slt, %select_n3A_459, %lt3A_465 : i32
    %ne3A_467 = arith.xori %lt3A_464, %lt3A_466 : i1
    %and3A_468 = arith.andi %ne3A_467, %ne3A_462 : i1
    %add3A_469 = arith.addi %rem3A_460, %select_n3A_459 : i32
    %select_n3A_470 = arith.select %and3A_468, %add3A_469, %rem3A_460 : i32
    "tpu.region"() ({
      %run_scoped3A_543 = tpu.sem_alloc : memref<!tpu.dma_semaphore, #tpu.memory_space<semaphore_mem>>
      tpu.enqueue_dma source(%arg5 : memref<65536xf32, #tpu.memory_space<hbm>>) target(%arg11 : memref<65536xf32, #tpu.memory_space<vmem>>) target_semaphore(%run_scoped3A_543 : memref<!tpu.dma_semaphore, #tpu.memory_space<semaphore_mem>>)
      tpu.wait_dma2 semaphore(%run_scoped3A_543 : memref<!tpu.dma_semaphore, #tpu.memory_space<semaphore_mem>>) src(%arg5 : memref<65536xf32, #tpu.memory_space<hbm>>) dst(%arg11 : memref<65536xf32, #tpu.memory_space<vmem>>)
      tpu.yield
    }) : () -> ()
    %scan3A_471 = arith.constant 0 : i32
    %scan3A_472 = arith.constant 0 : i32
    %scan3A_473 = arith.constant 125 : i32
    %scan3A_474 = arith.addi %scan3A_472, %scan3A_473 : i32
    %scan3A_475 = arith.constant 1 : i32
    scf.for %scan3A_543 = %scan3A_472 to %scan3A_474 step %scan3A_475  : i32 {
      %mul3A_544 = arith.constant 16 : i32
      %mul3A_545 = arith.muli %scan3A_543, %mul3A_544 : i32
      %get3A = arith.index_cast %mul3A_545 : i32 to index
      %get3A_546 = tpu.vector_load %arg7[%get3A] {strides = array<i32>} : memref<2000xi32, #tpu.memory_space<vmem>>, vector<16xi32>,
      %mul3A_547 = arith.constant 16 : i32
      %mul3A_548 = arith.muli %scan3A_543, %mul3A_547 : i32
      %get3A_549 = arith.index_cast %mul3A_548 : i32 to index
      %get3A_550 = tpu.vector_load %arg8[%get3A_549] {strides = array<i32>} : memref<2000xi32, #tpu.memory_space<vmem>>, vector<16xi32>,
      %mul3A_551 = arith.constant 8 : i32
      %mul3A_552 = vector.broadcast %mul3A_551 : i32 to vector<16xi32>
      %mul3A_553 = arith.muli %get3A_546, %mul3A_552 : vector<16xi32>
      %add3A_554 = vector.broadcast %select_n3A_454 : i32 to vector<16xi32>
      %add3A_555 = arith.addi %mul3A_553, %add3A_554 : vector<16xi32>
      %gather3A = tpu.vector_load_idx %arg9[%add3A_555] : memref<4096xf32, #tpu.memory_space<vmem>>[vector<16xi32>], vector<16xf32>,
      %mul3A_556 = arith.constant 8 : i32
      %mul3A_557 = vector.broadcast %mul3A_556 : i32 to vector<16xi32>
      %mul3A_558 = arith.muli %get3A_550, %mul3A_557 : vector<16xi32>
      %add3A_559 = vector.broadcast %select_n3A_454 : i32 to vector<16xi32>
      %add3A_560 = arith.addi %mul3A_558, %add3A_559 : vector<16xi32>
      %gather3A_561 = tpu.vector_load_idx %arg10[%add3A_560] : memref<4096xf32, #tpu.memory_space<vmem>>[vector<16xi32>], vector<16xf32>,
      %add3A_562 = arith.addf %gather3A, %gather3A_561 : vector<16xf32>
      %gt3A = arith.constant 0.000000e+00 : f32
      %gt3A_563 = vector.broadcast %gt3A : f32 to vector<16xf32>
      %gt3A_564 = arith.cmpf ogt, %add3A_562, %gt3A_563 : vector<16xf32>
      %mul3A_565 = arith.constant 2.000000e-01 : f32
      %mul3A_566 = vector.broadcast %mul3A_565 : f32 to vector<16xf32>
      %mul3A_567 = arith.mulf %mul3A_566, %add3A_562 : vector<16xf32>
      %select_n3A_568 = arith.select %gt3A_564, %add3A_562, %mul3A_567 : vector<16xi1>, vector<16xf32>
      %exp3A = math.exp %select_n3A_568 : vector<16xf32>
      %mul3A_569 = arith.constant 128 : i32
      %mul3A_570 = arith.muli %select_n3A_470, %mul3A_569 : i32
      %sub3A_571 = vector.broadcast %mul3A_570 : i32 to vector<16xi32>
      %sub3A_572 = arith.subi %get3A_546, %sub3A_571 : vector<16xi32>
      %ge3A = arith.constant 0 : i32
      %ge3A_573 = vector.broadcast %ge3A : i32 to vector<16xi32>
      %ge3A_574 = arith.cmpi sge, %sub3A_572, %ge3A_573 : vector<16xi32>
      %lt3A_575 = arith.constant 128 : i32
      %lt3A_576 = vector.broadcast %lt3A_575 : i32 to vector<16xi32>
      %lt3A_577 = arith.cmpi slt, %sub3A_572, %lt3A_576 : vector<16xi32>
      %and3A_578 = arith.andi %ge3A_574, %lt3A_577 : vector<16xi1>
      %mul3A_579 = arith.constant 128 : i32
      %mul3A_580 = vector.broadcast %mul3A_579 : i32 to vector<16xi32>
      %mul3A_581 = arith.muli %get3A_550, %mul3A_580 : vector<16xi32>
      %add3A_582 = arith.addi %mul3A_581, %sub3A_572 : vector<16xi32>
      %jit3A_583 = arith.constant 0 : i32
      %broadcast_in_dim3A = vector.broadcast %jit3A_583 : i32 to vector<16xi32>
      %select_n3A_584 = arith.select %and3A_578, %add3A_582, %broadcast_in_dim3A : vector<16xi1>, vector<16xi32>
      tpu.vector_store_idx %arg11[%select_n3A_584], %exp3A masked %and3A_578 {add = true} : memref<65536xf32, #tpu.memory_space<vmem>>[vector<16xi32>], vector<16xf32>, vector<16xi1>
    }
    %scan3A_476 = arith.constant 125 : i32
    "tpu.region"() ({
      %run_scoped3A_543 = tpu.sem_alloc : memref<!tpu.dma_semaphore, #tpu.memory_space<semaphore_mem>>
      %dma_start3A = arith.constant 0 : i32
      %dma_start3A_544 = tpu.memref_slice %arg6[%select_n3A, %select_n3A_454, %select_n3A_470, %dma_start3A] : memref<8x8x4x65536xf32, #tpu.memory_space<hbm>> -> memref<1x1x1x65536xf32, #tpu.memory_space<hbm>>
      %dma_start3A_545 = tpu.memref_squeeze %dma_start3A_544 : memref<1x1x1x65536xf32, #tpu.memory_space<hbm>> -> memref<65536xf32, #tpu.memory_space<hbm>>
      %dma_start3A_546 = arith.constant 0 : i32
      %dma_start3A_547 = tpu.memref_slice %arg6[%select_n3A, %select_n3A_454, %select_n3A_470, %dma_start3A_546] : memref<8x8x4x65536xf32, #tpu.memory_space<hbm>> -> memref<1x1x1x65536xf32, #tpu.memory_space<hbm>>
      %dma_start3A_548 = tpu.memref_squeeze %dma_start3A_547 : memref<1x1x1x65536xf32, #tpu.memory_space<hbm>> -> memref<65536xf32, #tpu.memory_space<hbm>>
      tpu.enqueue_dma source(%arg11 : memref<65536xf32, #tpu.memory_space<vmem>>) target(%dma_start3A_548 : memref<65536xf32, #tpu.memory_space<hbm>>) target_semaphore(%run_scoped3A_543 : memref<!tpu.dma_semaphore, #tpu.memory_space<semaphore_mem>>)
      %dma_wait3A = arith.constant 0 : i32
      %dma_wait3A_549 = tpu.memref_slice %arg6[%select_n3A, %select_n3A_454, %select_n3A_470, %dma_wait3A] : memref<8x8x4x65536xf32, #tpu.memory_space<hbm>> -> memref<1x1x1x65536xf32, #tpu.memory_space<hbm>>
      %dma_wait3A_550 = tpu.memref_squeeze %dma_wait3A_549 : memref<1x1x1x65536xf32, #tpu.memory_space<hbm>> -> memref<65536xf32, #tpu.memory_space<hbm>>
      %dma_wait3A_551 = arith.constant 0 : i32
      %dma_wait3A_552 = tpu.memref_slice %arg6[%select_n3A, %select_n3A_454, %select_n3A_470, %dma_wait3A_551] : memref<8x8x4x65536xf32, #tpu.memory_space<hbm>> -> memref<1x1x1x65536xf32, #tpu.memory_space<hbm>>
      %dma_wait3A_553 = tpu.memref_squeeze %dma_wait3A_552 : memref<1x1x1x65536xf32, #tpu.memory_space<hbm>> -> memref<65536xf32, #tpu.memory_space<hbm>>
      tpu.wait_dma2 semaphore(%run_scoped3A_543 : memref<!tpu.dma_semaphore, #tpu.memory_space<semaphore_mem>>) src(%arg11 : memref<65536xf32, #tpu.memory_space<vmem>>) dst(%dma_wait3A_553 : memref<65536xf32, #tpu.memory_space<hbm>>)
      tpu.yield
    }) : () -> ()
    %jit3A_477 = arith.constant 4 : i32
    %eq3A_478 = arith.constant 0 : i32
    %eq3A_479 = arith.cmpi eq, %jit3A_477, %eq3A_478 : i32
    %jit3A_480 = arith.constant 1 : i32
    %select_n3A_481 = arith.select %eq3A_479, %jit3A_480, %jit3A_477 : i32
    %rem3A_482 = arith.remsi %add3A, %select_n3A_481 : i32
    %ne3A_483 = arith.constant 0 : i32
    %ne3A_484 = arith.cmpi ne, %rem3A_482, %ne3A_483 : i32
    %lt3A_485 = arith.constant 0 : i32
    %lt3A_486 = arith.cmpi slt, %rem3A_482, %lt3A_485 : i32
    %lt3A_487 = arith.constant 0 : i32
    %lt3A_488 = arith.cmpi slt, %select_n3A_481, %lt3A_487 : i32
    %ne3A_489 = arith.xori %lt3A_486, %lt3A_488 : i1
    %and3A_490 = arith.andi %ne3A_489, %ne3A_484 : i1
    %add3A_491 = arith.addi %rem3A_482, %select_n3A_481 : i32
    %select_n3A_492 = arith.select %and3A_490, %add3A_491, %rem3A_482 : i32
    %mul3A_493 = arith.constant 8 : i32
    %mul3A_494 = arith.muli %select_n3A_492, %mul3A_493 : i32
    %add3A_495 = arith.constant 7 : i32
    %add3A_496 = arith.addi %mul3A_494, %add3A_495 : i32
    %jit3A_497 = arith.constant 4 : i32
    %div3A_498 = arith.divsi %add3A_496, %jit3A_497 : i32
    %sign3A_499 = arith.constant 0 : i32
    %sign3A_500 = arith.cmpi sgt, %add3A_496, %sign3A_499 : i32
    %sign3A_501 = arith.extui %sign3A_500 : i1 to i32
    %sign3A_502 = arith.constant 0 : i32
    %sign3A_503 = arith.cmpi slt, %add3A_496, %sign3A_502 : i32
    %sign3A_504 = arith.extui %sign3A_503 : i1 to i32
    %sign3A_505 = arith.subi %sign3A_501, %sign3A_504 : i32
    %sign3A_506 = arith.constant 0 : i32
    %sign3A_507 = arith.cmpi sgt, %jit3A_497, %sign3A_506 : i32
    %sign3A_508 = arith.extui %sign3A_507 : i1 to i32
    %sign3A_509 = arith.constant 0 : i32
    %sign3A_510 = arith.cmpi slt, %jit3A_497, %sign3A_509 : i32
    %sign3A_511 = arith.extui %sign3A_510 : i1 to i32
    %sign3A_512 = arith.subi %sign3A_508, %sign3A_511 : i32
    %ne3A_513 = arith.cmpi ne, %sign3A_505, %sign3A_512 : i32
    %rem3A_514 = arith.remsi %add3A_496, %jit3A_497 : i32
    %ne3A_515 = arith.constant 0 : i32
    %ne3A_516 = arith.cmpi ne, %rem3A_514, %ne3A_515 : i32
    %and3A_517 = arith.andi %ne3A_513, %ne3A_516 : i1
    %sub3A_518 = arith.constant 1 : i32
    %sub3A_519 = arith.subi %div3A_498, %sub3A_518 : i32
    %select_n3A_520 = arith.select %and3A_517, %sub3A_519, %div3A_498 : i32
    %jit3A_521 = arith.constant 4 : i32
    %eq3A_522 = arith.constant 0 : i32
    %eq3A_523 = arith.cmpi eq, %jit3A_521, %eq3A_522 : i32
    %jit3A_524 = arith.constant 1 : i32
    %select_n3A_525 = arith.select %eq3A_523, %jit3A_524, %jit3A_521 : i32
    %rem3A_526 = arith.remsi %add3A_496, %select_n3A_525 : i32
    %ne3A_527 = arith.constant 0 : i32
    %ne3A_528 = arith.cmpi ne, %rem3A_526, %ne3A_527 : i32
    %lt3A_529 = arith.constant 0 : i32
    %lt3A_530 = arith.cmpi slt, %rem3A_526, %lt3A_529 : i32
    %lt3A_531 = arith.constant 0 : i32
    %lt3A_532 = arith.cmpi slt, %select_n3A_525, %lt3A_531 : i32
    %ne3A_533 = arith.xori %lt3A_530, %lt3A_532 : i1
    %and3A_534 = arith.andi %ne3A_533, %ne3A_528 : i1
    %add3A_535 = arith.addi %rem3A_526, %select_n3A_525 : i32
    %select_n3A_536 = arith.select %and3A_534, %add3A_535, %rem3A_526 : i32
    "tpu.region"() ({
      %run_scoped3A_543 = tpu.sem_alloc : memref<!tpu.dma_semaphore, #tpu.memory_space<semaphore_mem>>
      tpu.enqueue_dma source(%arg5 : memref<65536xf32, #tpu.memory_space<hbm>>) target(%arg11 : memref<65536xf32, #tpu.memory_space<vmem>>) target_semaphore(%run_scoped3A_543 : memref<!tpu.dma_semaphore, #tpu.memory_space<semaphore_mem>>)
      tpu.wait_dma2 semaphore(%run_scoped3A_543 : memref<!tpu.dma_semaphore, #tpu.memory_space<semaphore_mem>>) src(%arg5 : memref<65536xf32, #tpu.memory_space<hbm>>) dst(%arg11 : memref<65536xf32, #tpu.memory_space<vmem>>)
      tpu.yield
    }) : () -> ()
    %scan3A_537 = arith.constant 0 : i32
    %scan3A_538 = arith.constant 0 : i32
    %scan3A_539 = arith.constant 125 : i32
    %scan3A_540 = arith.addi %scan3A_538, %scan3A_539 : i32
    %scan3A_541 = arith.constant 1 : i32
    scf.for %scan3A_543 = %scan3A_538 to %scan3A_540 step %scan3A_541  : i32 {
      %mul3A_544 = arith.constant 16 : i32
      %mul3A_545 = arith.muli %scan3A_543, %mul3A_544 : i32
      %get3A = arith.index_cast %mul3A_545 : i32 to index
      %get3A_546 = tpu.vector_load %arg7[%get3A] {strides = array<i32>} : memref<2000xi32, #tpu.memory_space<vmem>>, vector<16xi32>,
      %mul3A_547 = arith.constant 16 : i32
      %mul3A_548 = arith.muli %scan3A_543, %mul3A_547 : i32
      %get3A_549 = arith.index_cast %mul3A_548 : i32 to index
      %get3A_550 = tpu.vector_load %arg8[%get3A_549] {strides = array<i32>} : memref<2000xi32, #tpu.memory_space<vmem>>, vector<16xi32>,
      %mul3A_551 = arith.constant 8 : i32
      %mul3A_552 = vector.broadcast %mul3A_551 : i32 to vector<16xi32>
      %mul3A_553 = arith.muli %get3A_546, %mul3A_552 : vector<16xi32>
      %add3A_554 = vector.broadcast %select_n3A_520 : i32 to vector<16xi32>
      %add3A_555 = arith.addi %mul3A_553, %add3A_554 : vector<16xi32>
      %gather3A = tpu.vector_load_idx %arg9[%add3A_555] : memref<4096xf32, #tpu.memory_space<vmem>>[vector<16xi32>], vector<16xf32>,
      %mul3A_556 = arith.constant 8 : i32
      %mul3A_557 = vector.broadcast %mul3A_556 : i32 to vector<16xi32>
      %mul3A_558 = arith.muli %get3A_550, %mul3A_557 : vector<16xi32>
      %add3A_559 = vector.broadcast %select_n3A_520 : i32 to vector<16xi32>
      %add3A_560 = arith.addi %mul3A_558, %add3A_559 : vector<16xi32>
      %gather3A_561 = tpu.vector_load_idx %arg10[%add3A_560] : memref<4096xf32, #tpu.memory_space<vmem>>[vector<16xi32>], vector<16xf32>,
      %add3A_562 = arith.addf %gather3A, %gather3A_561 : vector<16xf32>
      %gt3A = arith.constant 0.000000e+00 : f32
      %gt3A_563 = vector.broadcast %gt3A : f32 to vector<16xf32>
      %gt3A_564 = arith.cmpf ogt, %add3A_562, %gt3A_563 : vector<16xf32>
      %mul3A_565 = arith.constant 2.000000e-01 : f32
      %mul3A_566 = vector.broadcast %mul3A_565 : f32 to vector<16xf32>
      %mul3A_567 = arith.mulf %mul3A_566, %add3A_562 : vector<16xf32>
      %select_n3A_568 = arith.select %gt3A_564, %add3A_562, %mul3A_567 : vector<16xi1>, vector<16xf32>
      %exp3A = math.exp %select_n3A_568 : vector<16xf32>
      %mul3A_569 = arith.constant 128 : i32
      %mul3A_570 = arith.muli %select_n3A_536, %mul3A_569 : i32
      %sub3A_571 = vector.broadcast %mul3A_570 : i32 to vector<16xi32>
      %sub3A_572 = arith.subi %get3A_546, %sub3A_571 : vector<16xi32>
      %ge3A = arith.constant 0 : i32
      %ge3A_573 = vector.broadcast %ge3A : i32 to vector<16xi32>
      %ge3A_574 = arith.cmpi sge, %sub3A_572, %ge3A_573 : vector<16xi32>
      %lt3A_575 = arith.constant 128 : i32
      %lt3A_576 = vector.broadcast %lt3A_575 : i32 to vector<16xi32>
      %lt3A_577 = arith.cmpi slt, %sub3A_572, %lt3A_576 : vector<16xi32>
      %and3A_578 = arith.andi %ge3A_574, %lt3A_577 : vector<16xi1>
      %mul3A_579 = arith.constant 128 : i32
      %mul3A_580 = vector.broadcast %mul3A_579 : i32 to vector<16xi32>
      %mul3A_581 = arith.muli %get3A_550, %mul3A_580 : vector<16xi32>
      %add3A_582 = arith.addi %mul3A_581, %sub3A_572 : vector<16xi32>
      %jit3A_583 = arith.constant 0 : i32
      %broadcast_in_dim3A = vector.broadcast %jit3A_583 : i32 to vector<16xi32>
      %select_n3A_584 = arith.select %and3A_578, %add3A_582, %broadcast_in_dim3A : vector<16xi1>, vector<16xi32>
      tpu.vector_store_idx %arg11[%select_n3A_584], %exp3A masked %and3A_578 {add = true} : memref<65536xf32, #tpu.memory_space<vmem>>[vector<16xi32>], vector<16xf32>, vector<16xi1>
    }
    %scan3A_542 = arith.constant 125 : i32
    "tpu.region"() ({
      %run_scoped3A_543 = tpu.sem_alloc : memref<!tpu.dma_semaphore, #tpu.memory_space<semaphore_mem>>
      %dma_start3A = arith.constant 0 : i32
      %dma_start3A_544 = tpu.memref_slice %arg6[%select_n3A, %select_n3A_520, %select_n3A_536, %dma_start3A] : memref<8x8x4x65536xf32, #tpu.memory_space<hbm>> -> memref<1x1x1x65536xf32, #tpu.memory_space<hbm>>
      %dma_start3A_545 = tpu.memref_squeeze %dma_start3A_544 : memref<1x1x1x65536xf32, #tpu.memory_space<hbm>> -> memref<65536xf32, #tpu.memory_space<hbm>>
      %dma_start3A_546 = arith.constant 0 : i32
      %dma_start3A_547 = tpu.memref_slice %arg6[%select_n3A, %select_n3A_520, %select_n3A_536, %dma_start3A_546] : memref<8x8x4x65536xf32, #tpu.memory_space<hbm>> -> memref<1x1x1x65536xf32, #tpu.memory_space<hbm>>
      %dma_start3A_548 = tpu.memref_squeeze %dma_start3A_547 : memref<1x1x1x65536xf32, #tpu.memory_space<hbm>> -> memref<65536xf32, #tpu.memory_space<hbm>>
      tpu.enqueue_dma source(%arg11 : memref<65536xf32, #tpu.memory_space<vmem>>) target(%dma_start3A_548 : memref<65536xf32, #tpu.memory_space<hbm>>) target_semaphore(%run_scoped3A_543 : memref<!tpu.dma_semaphore, #tpu.memory_space<semaphore_mem>>)
      %dma_wait3A = arith.constant 0 : i32
      %dma_wait3A_549 = tpu.memref_slice %arg6[%select_n3A, %select_n3A_520, %select_n3A_536, %dma_wait3A] : memref<8x8x4x65536xf32, #tpu.memory_space<hbm>> -> memref<1x1x1x65536xf32, #tpu.memory_space<hbm>>
      %dma_wait3A_550 = tpu.memref_squeeze %dma_wait3A_549 : memref<1x1x1x65536xf32, #tpu.memory_space<hbm>> -> memref<65536xf32, #tpu.memory_space<hbm>>
      %dma_wait3A_551 = arith.constant 0 : i32
      %dma_wait3A_552 = tpu.memref_slice %arg6[%select_n3A, %select_n3A_520, %select_n3A_536, %dma_wait3A_551] : memref<8x8x4x65536xf32, #tpu.memory_space<hbm>> -> memref<1x1x1x65536xf32, #tpu.memory_space<hbm>>
      %dma_wait3A_553 = tpu.memref_squeeze %dma_wait3A_552 : memref<1x1x1x65536xf32, #tpu.memory_space<hbm>> -> memref<65536xf32, #tpu.memory_space<hbm>>
      tpu.wait_dma2 semaphore(%run_scoped3A_543 : memref<!tpu.dma_semaphore, #tpu.memory_space<semaphore_mem>>) src(%arg11 : memref<65536xf32, #tpu.memory_space<vmem>>) dst(%dma_wait3A_553 : memref<65536xf32, #tpu.memory_space<hbm>>)
      tpu.yield
    }) : () -> ()
    return
  }
}

#map = affine_map<(d0, d1) -> (0, 0)>
#map1 = affine_map<(d0, d1) -> (0)>
#map2 = affine_map<(d0, d1) -> (0, 0, 0, 0)>
module attributes {stable_mosaic.version = 14 : i64} {
  func.func @_edge_body(%arg0: i32, %arg1: i32, %arg2: memref<8x4096xf32, #tpu.memory_space<hbm>>, %arg3: memref<8x4096xf32, #tpu.memory_space<hbm>>, %arg4: memref<2x2000xi32, #tpu.memory_space<hbm>>, %arg5: memref<65536xf32, #tpu.memory_space<hbm>>, %arg6: memref<8x8x4x65536xf32, #tpu.memory_space<hbm>>, %arg7: memref<2000xi32, #tpu.memory_space<vmem>>, %arg8: memref<2000xi32, #tpu.memory_space<vmem>>, %arg9: memref<4096xf32, #tpu.memory_space<vmem>>, %arg10: memref<4096xf32, #tpu.memory_space<vmem>>, %arg11: memref<65536xf32, #tpu.memory_space<vmem>>) attributes {dimension_semantics = [#tpu.dimension_semantics<core_parallel>, #tpu.dimension_semantics<subcore_parallel>], iteration_bounds = array<i64: 2, 16>, scalar_prefetch = 0 : i64, scratch_operands = 5 : i64, tpu.core_type = #tpu.core_type<sc_vector_subcore>, window_params = [{transform_indices = #map}, {transform_indices = #map}, {transform_indices = #map}, {transform_indices = #map1}, {transform_indices = #map2}]} {
    %mul3A = arith.constant 2 : i32
    %mul3A_0 = arith.muli %arg1, %mul3A : i32
    %add3A = arith.addi %mul3A_0, %arg0 : i32
    %jit3A = arith.constant 4 : i32
    %div3A = arith.divsi %add3A, %jit3A : i32
    %sign3A = arith.constant 0 : i32
    %sign3A_1 = arith.cmpi sgt, %add3A, %sign3A : i32
    %sign3A_2 = arith.extui %sign3A_1 : i1 to i32
    %sign3A_3 = arith.constant 0 : i32
    %sign3A_4 = arith.cmpi slt, %add3A, %sign3A_3 : i32
    %sign3A_5 = arith.extui %sign3A_4 : i1 to i32
    %sign3A_6 = arith.subi %sign3A_2, %sign3A_5 : i32
    %sign3A_7 = arith.constant 0 : i32
    %sign3A_8 = arith.cmpi sgt, %jit3A, %sign3A_7 : i32
    %sign3A_9 = arith.extui %sign3A_8 : i1 to i32
    %sign3A_10 = arith.constant 0 : i32
    %sign3A_11 = arith.cmpi slt, %jit3A, %sign3A_10 : i32
    %sign3A_12 = arith.extui %sign3A_11 : i1 to i32
    %sign3A_13 = arith.subi %sign3A_9, %sign3A_12 : i32
    %ne3A = arith.cmpi ne, %sign3A_6, %sign3A_13 : i32
    %rem3A = arith.remsi %add3A, %jit3A : i32
    %ne3A_14 = arith.constant 0 : i32
    %ne3A_15 = arith.cmpi ne, %rem3A, %ne3A_14 : i32
    %and3A = arith.andi %ne3A, %ne3A_15 : i1
    %sub3A = arith.constant 1 : i32
    %sub3A_16 = arith.subi %div3A, %sub3A : i32
    %select_n3A = arith.select %and3A, %sub3A_16, %div3A : i32
    %run_scoped3A = arith.constant 0 : i32
    "tpu.region"() ({
      %run_scoped3A_543 = tpu.sem_alloc : memref<!tpu.dma_semaphore, #tpu.memory_space<semaphore_mem>>
      %dma_start3A = arith.constant 0 : i32
      %dma_start3A_544 = tpu.memref_slice %arg4[%run_scoped3A, %dma_start3A] : memref<2x2000xi32, #tpu.memory_space<hbm>> -> memref<1x2000xi32, #tpu.memory_space<hbm>>
      %dma_start3A_545 = tpu.memref_squeeze %dma_start3A_544 : memref<1x2000xi32, #tpu.memory_space<hbm>> -> memref<2000xi32, #tpu.memory_space<hbm>>
      %dma_start3A_546 = arith.constant 0 : i32
      %dma_start3A_547 = tpu.memref_slice %arg4[%run_scoped3A, %dma_start3A_546] : memref<2x2000xi32, #tpu.memory_space<hbm>> -> memref<1x2000xi32, #tpu.memory_space<hbm>>
      %dma_start3A_548 = tpu.memref_squeeze %dma_start3A_547 : memref<1x2000xi32, #tpu.memory_space<hbm>> -> memref<2000xi32, #tpu.memory_space<hbm>>
      tpu.enqueue_dma source(%dma_start3A_548 : memref<2000xi32, #tpu.memory_space<hbm>>) target(%arg7 : memref<2000xi32, #tpu.memory_space<vmem>>) target_semaphore(%run_scoped3A_543 : memref<!tpu.dma_semaphore, #tpu.memory_space<semaphore_mem>>)
      %dma_wait3A = arith.constant 0 : i32
      %dma_wait3A_549 = tpu.memref_slice %arg4[%run_scoped3A, %dma_wait3A] : memref<2x2000xi32, #tpu.memory_space<hbm>> -> memref<1x2000xi32, #tpu.memory_space<hbm>>
      %dma_wait3A_550 = tpu.memref_squeeze %dma_wait3A_549 : memref<1x2000xi32, #tpu.memory_space<hbm>> -> memref<2000xi32, #tpu.memory_space<hbm>>
      %dma_wait3A_551 = arith.constant 0 : i32
      %dma_wait3A_552 = tpu.memref_slice %arg4[%run_scoped3A, %dma_wait3A_551] : memref<2x2000xi32, #tpu.memory_space<hbm>> -> memref<1x2000xi32, #tpu.memory_space<hbm>>
      %dma_wait3A_553 = tpu.memref_squeeze %dma_wait3A_552 : memref<1x2000xi32, #tpu.memory_space<hbm>> -> memref<2000xi32, #tpu.memory_space<hbm>>
      tpu.wait_dma2 semaphore(%run_scoped3A_543 : memref<!tpu.dma_semaphore, #tpu.memory_space<semaphore_mem>>) src(%dma_wait3A_553 : memref<2000xi32, #tpu.memory_space<hbm>>) dst(%arg7 : memref<2000xi32, #tpu.memory_space<vmem>>)
      tpu.yield
    }) : () -> ()
    %run_scoped3A_17 = arith.constant 1 : i32
    "tpu.region"() ({
      %run_scoped3A_543 = tpu.sem_alloc : memref<!tpu.dma_semaphore, #tpu.memory_space<semaphore_mem>>
      %dma_start3A = arith.constant 0 : i32
      %dma_start3A_544 = tpu.memref_slice %arg4[%run_scoped3A_17, %dma_start3A] : memref<2x2000xi32, #tpu.memory_space<hbm>> -> memref<1x2000xi32, #tpu.memory_space<hbm>>
      %dma_start3A_545 = tpu.memref_squeeze %dma_start3A_544 : memref<1x2000xi32, #tpu.memory_space<hbm>> -> memref<2000xi32, #tpu.memory_space<hbm>>
      %dma_start3A_546 = arith.constant 0 : i32
      %dma_start3A_547 = tpu.memref_slice %arg4[%run_scoped3A_17, %dma_start3A_546] : memref<2x2000xi32, #tpu.memory_space<hbm>> -> memref<1x2000xi32, #tpu.memory_space<hbm>>
      %dma_start3A_548 = tpu.memref_squeeze %dma_start3A_547 : memref<1x2000xi32, #tpu.memory_space<hbm>> -> memref<2000xi32, #tpu.memory_space<hbm>>
      tpu.enqueue_dma source(%dma_start3A_548 : memref<2000xi32, #tpu.memory_space<hbm>>) target(%arg8 : memref<2000xi32, #tpu.memory_space<vmem>>) target_semaphore(%run_scoped3A_543 : memref<!tpu.dma_semaphore, #tpu.memory_space<semaphore_mem>>)
      %dma_wait3A = arith.constant 0 : i32
      %dma_wait3A_549 = tpu.memref_slice %arg4[%run_scoped3A_17, %dma_wait3A] : memref<2x2000xi32, #tpu.memory_space<hbm>> -> memref<1x2000xi32, #tpu.memory_space<hbm>>
      %dma_wait3A_550 = tpu.memref_squeeze %dma_wait3A_549 : memref<1x2000xi32, #tpu.memory_space<hbm>> -> memref<2000xi32, #tpu.memory_space<hbm>>
      %dma_wait3A_551 = arith.constant 0 : i32
      %dma_wait3A_552 = tpu.memref_slice %arg4[%run_scoped3A_17, %dma_wait3A_551] : memref<2x2000xi32, #tpu.memory_space<hbm>> -> memref<1x2000xi32, #tpu.memory_space<hbm>>
      %dma_wait3A_553 = tpu.memref_squeeze %dma_wait3A_552 : memref<1x2000xi32, #tpu.memory_space<hbm>> -> memref<2000xi32, #tpu.memory_space<hbm>>
      tpu.wait_dma2 semaphore(%run_scoped3A_543 : memref<!tpu.dma_semaphore, #tpu.memory_space<semaphore_mem>>) src(%dma_wait3A_553 : memref<2000xi32, #tpu.memory_space<hbm>>) dst(%arg8 : memref<2000xi32, #tpu.memory_space<vmem>>)
      tpu.yield
    }) : () -> ()
    "tpu.region"() ({
      %run_scoped3A_543 = tpu.sem_alloc : memref<!tpu.dma_semaphore, #tpu.memory_space<semaphore_mem>>
      %dma_start3A = arith.constant 0 : i32
      %dma_start3A_544 = tpu.memref_slice %arg2[%select_n3A, %dma_start3A] : memref<8x4096xf32, #tpu.memory_space<hbm>> -> memref<1x4096xf32, #tpu.memory_space<hbm>>
      %dma_start3A_545 = tpu.memref_squeeze %dma_start3A_544 : memref<1x4096xf32, #tpu.memory_space<hbm>> -> memref<4096xf32, #tpu.memory_space<hbm>>
      %dma_start3A_546 = arith.constant 0 : i32
      %dma_start3A_547 = tpu.memref_slice %arg2[%select_n3A, %dma_start3A_546] : memref<8x4096xf32, #tpu.memory_space<hbm>> -> memref<1x4096xf32, #tpu.memory_space<hbm>>
      %dma_start3A_548 = tpu.memref_squeeze %dma_start3A_547 : memref<1x4096xf32, #tpu.memory_space<hbm>> -> memref<4096xf32, #tpu.memory_space<hbm>>
      tpu.enqueue_dma source(%dma_start3A_548 : memref<4096xf32, #tpu.memory_space<hbm>>) target(%arg9 : memref<4096xf32, #tpu.memory_space<vmem>>) target_semaphore(%run_scoped3A_543 : memref<!tpu.dma_semaphore, #tpu.memory_space<semaphore_mem>>)
      %dma_wait3A = arith.constant 0 : i32
      %dma_wait3A_549 = tpu.memref_slice %arg2[%select_n3A, %dma_wait3A] : memref<8x4096xf32, #tpu.memory_space<hbm>> -> memref<1x4096xf32, #tpu.memory_space<hbm>>
      %dma_wait3A_550 = tpu.memref_squeeze %dma_wait3A_549 : memref<1x4096xf32, #tpu.memory_space<hbm>> -> memref<4096xf32, #tpu.memory_space<hbm>>
      %dma_wait3A_551 = arith.constant 0 : i32
      %dma_wait3A_552 = tpu.memref_slice %arg2[%select_n3A, %dma_wait3A_551] : memref<8x4096xf32, #tpu.memory_space<hbm>> -> memref<1x4096xf32, #tpu.memory_space<hbm>>
      %dma_wait3A_553 = tpu.memref_squeeze %dma_wait3A_552 : memref<1x4096xf32, #tpu.memory_space<hbm>> -> memref<4096xf32, #tpu.memory_space<hbm>>
      tpu.wait_dma2 semaphore(%run_scoped3A_543 : memref<!tpu.dma_semaphore, #tpu.memory_space<semaphore_mem>>) src(%dma_wait3A_553 : memref<4096xf32, #tpu.memory_space<hbm>>) dst(%arg9 : memref<4096xf32, #tpu.memory_space<vmem>>)
      tpu.yield
    }) : () -> ()
    "tpu.region"() ({
      %run_scoped3A_543 = tpu.sem_alloc : memref<!tpu.dma_semaphore, #tpu.memory_space<semaphore_mem>>
      %dma_start3A = arith.constant 0 : i32
      %dma_start3A_544 = tpu.memref_slice %arg3[%select_n3A, %dma_start3A] : memref<8x4096xf32, #tpu.memory_space<hbm>> -> memref<1x4096xf32, #tpu.memory_space<hbm>>
      %dma_start3A_545 = tpu.memref_squeeze %dma_start3A_544 : memref<1x4096xf32, #tpu.memory_space<hbm>> -> memref<4096xf32, #tpu.memory_space<hbm>>
      %dma_start3A_546 = arith.constant 0 : i32
      %dma_start3A_547 = tpu.memref_slice %arg3[%select_n3A, %dma_start3A_546] : memref<8x4096xf32, #tpu.memory_space<hbm>> -> memref<1x4096xf32, #tpu.memory_space<hbm>>
      %dma_start3A_548 = tpu.memref_squeeze %dma_start3A_547 : memref<1x4096xf32, #tpu.memory_space<hbm>> -> memref<4096xf32, #tpu.memory_space<hbm>>
      tpu.enqueue_dma source(%dma_start3A_548 : memref<4096xf32, #tpu.memory_space<hbm>>) target(%arg10 : memref<4096xf32, #tpu.memory_space<vmem>>) target_semaphore(%run_scoped3A_543 : memref<!tpu.dma_semaphore, #tpu.memory_space<semaphore_mem>>)
      %dma_wait3A = arith.constant 0 : i32
      %dma_wait3A_549 = tpu.memref_slice %arg3[%select_n3A, %dma_wait3A] : memref<8x4096xf32, #tpu.memory_space<hbm>> -> memref<1x4096xf32, #tpu.memory_space<hbm>>
      %dma_wait3A_550 = tpu.memref_squeeze %dma_wait3A_549 : memref<1x4096xf32, #tpu.memory_space<hbm>> -> memref<4096xf32, #tpu.memory_space<hbm>>
      %dma_wait3A_551 = arith.constant 0 : i32
      %dma_wait3A_552 = tpu.memref_slice %arg3[%select_n3A, %dma_wait3A_551] : memref<8x4096xf32, #tpu.memory_space<hbm>> -> memref<1x4096xf32, #tpu.memory_space<hbm>>
      %dma_wait3A_553 = tpu.memref_squeeze %dma_wait3A_552 : memref<1x4096xf32, #tpu.memory_space<hbm>> -> memref<4096xf32, #tpu.memory_space<hbm>>
      tpu.wait_dma2 semaphore(%run_scoped3A_543 : memref<!tpu.dma_semaphore, #tpu.memory_space<semaphore_mem>>) src(%dma_wait3A_553 : memref<4096xf32, #tpu.memory_space<hbm>>) dst(%arg10 : memref<4096xf32, #tpu.memory_space<vmem>>)
      tpu.yield
    }) : () -> ()
    %jit3A_18 = arith.constant 4 : i32
    %eq3A = arith.constant 0 : i32
    %eq3A_19 = arith.cmpi eq, %jit3A_18, %eq3A : i32
    %jit3A_20 = arith.constant 1 : i32
    %select_n3A_21 = arith.select %eq3A_19, %jit3A_20, %jit3A_18 : i32
    %rem3A_22 = arith.remsi %add3A, %select_n3A_21 : i32
    %ne3A_23 = arith.constant 0 : i32
    %ne3A_24 = arith.cmpi ne, %rem3A_22, %ne3A_23 : i32
    %lt3A = arith.constant 0 : i32
    %lt3A_25 = arith.cmpi slt, %rem3A_22, %lt3A : i32
    %lt3A_26 = arith.constant 0 : i32
    %lt3A_27 = arith.cmpi slt, %select_n3A_21, %lt3A_26 : i32
    %ne3A_28 = arith.xori %lt3A_25, %lt3A_27 : i1
    %and3A_29 = arith.andi %ne3A_28, %ne3A_24 : i1
    %add3A_30 = arith.addi %rem3A_22, %select_n3A_21 : i32
    %select_n3A_31 = arith.select %and3A_29, %add3A_30, %rem3A_22 : i32
    %mul3A_32 = arith.constant 8 : i32
    %mul3A_33 = arith.muli %select_n3A_31, %mul3A_32 : i32
    %add3A_34 = arith.constant 0 : i32
    %add3A_35 = arith.addi %mul3A_33, %add3A_34 : i32
    %jit3A_36 = arith.constant 4 : i32
    %div3A_37 = arith.divsi %add3A_35, %jit3A_36 : i32
    %sign3A_38 = arith.constant 0 : i32
    %sign3A_39 = arith.cmpi sgt, %add3A_35, %sign3A_38 : i32
    %sign3A_40 = arith.extui %sign3A_39 : i1 to i32
    %sign3A_41 = arith.constant 0 : i32
    %sign3A_42 = arith.cmpi slt, %add3A_35, %sign3A_41 : i32
    %sign3A_43 = arith.extui %sign3A_42 : i1 to i32
    %sign3A_44 = arith.subi %sign3A_40, %sign3A_43 : i32
    %sign3A_45 = arith.constant 0 : i32
    %sign3A_46 = arith.cmpi sgt, %jit3A_36, %sign3A_45 : i32
    %sign3A_47 = arith.extui %sign3A_46 : i1 to i32
    %sign3A_48 = arith.constant 0 : i32
    %sign3A_49 = arith.cmpi slt, %jit3A_36, %sign3A_48 : i32
    %sign3A_50 = arith.extui %sign3A_49 : i1 to i32
    %sign3A_51 = arith.subi %sign3A_47, %sign3A_50 : i32
    %ne3A_52 = arith.cmpi ne, %sign3A_44, %sign3A_51 : i32
    %rem3A_53 = arith.remsi %add3A_35, %jit3A_36 : i32
    %ne3A_54 = arith.constant 0 : i32
    %ne3A_55 = arith.cmpi ne, %rem3A_53, %ne3A_54 : i32
    %and3A_56 = arith.andi %ne3A_52, %ne3A_55 : i1
    %sub3A_57 = arith.constant 1 : i32
    %sub3A_58 = arith.subi %div3A_37, %sub3A_57 : i32
    %select_n3A_59 = arith.select %and3A_56, %sub3A_58, %div3A_37 : i32
    %jit3A_60 = arith.constant 4 : i32
    %eq3A_61 = arith.constant 0 : i32
    %eq3A_62 = arith.cmpi eq, %jit3A_60, %eq3A_61 : i32
    %jit3A_63 = arith.constant 1 : i32
    %select_n3A_64 = arith.select %eq3A_62, %jit3A_63, %jit3A_60 : i32
    %rem3A_65 = arith.remsi %add3A_35, %select_n3A_64 : i32
    %ne3A_66 = arith.constant 0 : i32
    %ne3A_67 = arith.cmpi ne, %rem3A_65, %ne3A_66 : i32
    %lt3A_68 = arith.constant 0 : i32
    %lt3A_69 = arith.cmpi slt, %rem3A_65, %lt3A_68 : i32
    %lt3A_70 = arith.constant 0 : i32
    %lt3A_71 = arith.cmpi slt, %select_n3A_64, %lt3A_70 : i32
    %ne3A_72 = arith.xori %lt3A_69, %lt3A_71 : i1
    %and3A_73 = arith.andi %ne3A_72, %ne3A_67 : i1
    %add3A_74 = arith.addi %rem3A_65, %select_n3A_64 : i32
    %select_n3A_75 = arith.select %and3A_73, %add3A_74, %rem3A_65 : i32
    "tpu.region"() ({
      %run_scoped3A_543 = tpu.sem_alloc : memref<!tpu.dma_semaphore, #tpu.memory_space<semaphore_mem>>
      tpu.enqueue_dma source(%arg5 : memref<65536xf32, #tpu.memory_space<hbm>>) target(%arg11 : memref<65536xf32, #tpu.memory_space<vmem>>) target_semaphore(%run_scoped3A_543 : memref<!tpu.dma_semaphore, #tpu.memory_space<semaphore_mem>>)
      tpu.wait_dma2 semaphore(%run_scoped3A_543 : memref<!tpu.dma_semaphore, #tpu.memory_space<semaphore_mem>>) src(%arg5 : memref<65536xf32, #tpu.memory_space<hbm>>) dst(%arg11 : memref<65536xf32, #tpu.memory_space<vmem>>)
      tpu.yield
    }) : () -> ()
    %scan3A = arith.constant 0 : i32
    %scan3A_76 = arith.constant 0 : i32
    %scan3A_77 = arith.constant 125 : i32
    %scan3A_78 = arith.addi %scan3A_76, %scan3A_77 : i32
    %scan3A_79 = arith.constant 1 : i32
    scf.for %scan3A_543 = %scan3A_76 to %scan3A_78 step %scan3A_79  : i32 {
      %mul3A_544 = arith.constant 16 : i32
      %mul3A_545 = arith.muli %scan3A_543, %mul3A_544 : i32
      %get3A = arith.index_cast %mul3A_545 : i32 to index
      %get3A_546 = tpu.vector_load %arg7[%get3A] {strides = array<i32>} : memref<2000xi32, #tpu.memory_space<vmem>>, vector<16xi32>,
      %mul3A_547 = arith.constant 16 : i32
      %mul3A_548 = arith.muli %scan3A_543, %mul3A_547 : i32
      %get3A_549 = arith.index_cast %mul3A_548 : i32 to index
      %get3A_550 = tpu.vector_load %arg8[%get3A_549] {strides = array<i32>} : memref<2000xi32, #tpu.memory_space<vmem>>, vector<16xi32>,
      %mul3A_551 = arith.constant 8 : i32
      %mul3A_552 = vector.broadcast %mul3A_551 : i32 to vector<16xi32>
      %mul3A_553 = arith.muli %get3A_546, %mul3A_552 : vector<16xi32>
      %add3A_554 = vector.broadcast %select_n3A_59 : i32 to vector<16xi32>
      %add3A_555 = arith.addi %mul3A_553, %add3A_554 : vector<16xi32>
      %gather3A = tpu.vector_load_idx %arg9[%add3A_555] : memref<4096xf32, #tpu.memory_space<vmem>>[vector<16xi32>], vector<16xf32>,
      %mul3A_556 = arith.constant 8 : i32
      %mul3A_557 = vector.broadcast %mul3A_556 : i32 to vector<16xi32>
      %mul3A_558 = arith.muli %get3A_550, %mul3A_557 : vector<16xi32>
      %add3A_559 = vector.broadcast %select_n3A_59 : i32 to vector<16xi32>
      %add3A_560 = arith.addi %mul3A_558, %add3A_559 : vector<16xi32>
      %gather3A_561 = tpu.vector_load_idx %arg10[%add3A_560] : memref<4096xf32, #tpu.memory_space<vmem>>[vector<16xi32>], vector<16xf32>,
      %add3A_562 = arith.addf %gather3A, %gather3A_561 : vector<16xf32>
      %gt3A = arith.constant 0.000000e+00 : f32
      %gt3A_563 = vector.broadcast %gt3A : f32 to vector<16xf32>
      %gt3A_564 = arith.cmpf ogt, %add3A_562, %gt3A_563 : vector<16xf32>
      %mul3A_565 = arith.constant 2.000000e-01 : f32
      %mul3A_566 = vector.broadcast %mul3A_565 : f32 to vector<16xf32>
      %mul3A_567 = arith.mulf %mul3A_566, %add3A_562 : vector<16xf32>
      %select_n3A_568 = arith.select %gt3A_564, %add3A_562, %mul3A_567 : vector<16xi1>, vector<16xf32>
      %exp3A = math.exp %select_n3A_568 : vector<16xf32>
      %mul3A_569 = arith.constant 128 : i32
      %mul3A_570 = arith.muli %select_n3A_75, %mul3A_569 : i32
      %sub3A_571 = vector.broadcast %mul3A_570 : i32 to vector<16xi32>
      %sub3A_572 = arith.subi %get3A_546, %sub3A_571 : vector<16xi32>
      %ge3A = arith.constant 0 : i32
      %ge3A_573 = vector.broadcast %ge3A : i32 to vector<16xi32>
      %ge3A_574 = arith.cmpi sge, %sub3A_572, %ge3A_573 : vector<16xi32>
      %lt3A_575 = arith.constant 128 : i32
      %lt3A_576 = vector.broadcast %lt3A_575 : i32 to vector<16xi32>
      %lt3A_577 = arith.cmpi slt, %sub3A_572, %lt3A_576 : vector<16xi32>
      %and3A_578 = arith.andi %ge3A_574, %lt3A_577 : vector<16xi1>
      %mul3A_579 = arith.constant 128 : i32
      %mul3A_580 = vector.broadcast %mul3A_579 : i32 to vector<16xi32>
      %mul3A_581 = arith.muli %get3A_550, %mul3A_580 : vector<16xi32>
      %add3A_582 = arith.addi %mul3A_581, %sub3A_572 : vector<16xi32>
      %jit3A_583 = arith.constant 0 : i32
      %broadcast_in_dim3A = vector.broadcast %jit3A_583 : i32 to vector<16xi32>
      %select_n3A_584 = arith.select %and3A_578, %add3A_582, %broadcast_in_dim3A : vector<16xi1>, vector<16xi32>
      tpu.vector_store_idx %arg11[%select_n3A_584], %exp3A masked %and3A_578 {add = true} : memref<65536xf32, #tpu.memory_space<vmem>>[vector<16xi32>], vector<16xf32>, vector<16xi1>
    }
    %scan3A_80 = arith.constant 125 : i32
    "tpu.region"() ({
      %run_scoped3A_543 = tpu.sem_alloc : memref<!tpu.dma_semaphore, #tpu.memory_space<semaphore_mem>>
      %dma_start3A = arith.constant 0 : i32
      %dma_start3A_544 = tpu.memref_slice %arg6[%select_n3A, %select_n3A_59, %select_n3A_75, %dma_start3A] : memref<8x8x4x65536xf32, #tpu.memory_space<hbm>> -> memref<1x1x1x65536xf32, #tpu.memory_space<hbm>>
      %dma_start3A_545 = tpu.memref_squeeze %dma_start3A_544 : memref<1x1x1x65536xf32, #tpu.memory_space<hbm>> -> memref<65536xf32, #tpu.memory_space<hbm>>
      %dma_start3A_546 = arith.constant 0 : i32
      %dma_start3A_547 = tpu.memref_slice %arg6[%select_n3A, %select_n3A_59, %select_n3A_75, %dma_start3A_546] : memref<8x8x4x65536xf32, #tpu.memory_space<hbm>> -> memref<1x1x1x65536xf32, #tpu.memory_space<hbm>>
      %dma_start3A_548 = tpu.memref_squeeze %dma_start3A_547 : memref<1x1x1x65536xf32, #tpu.memory_space<hbm>> -> memref<65536xf32, #tpu.memory_space<hbm>>
      tpu.enqueue_dma source(%arg11 : memref<65536xf32, #tpu.memory_space<vmem>>) target(%dma_start3A_548 : memref<65536xf32, #tpu.memory_space<hbm>>) target_semaphore(%run_scoped3A_543 : memref<!tpu.dma_semaphore, #tpu.memory_space<semaphore_mem>>)
      %dma_wait3A = arith.constant 0 : i32
      %dma_wait3A_549 = tpu.memref_slice %arg6[%select_n3A, %select_n3A_59, %select_n3A_75, %dma_wait3A] : memref<8x8x4x65536xf32, #tpu.memory_space<hbm>> -> memref<1x1x1x65536xf32, #tpu.memory_space<hbm>>
      %dma_wait3A_550 = tpu.memref_squeeze %dma_wait3A_549 : memref<1x1x1x65536xf32, #tpu.memory_space<hbm>> -> memref<65536xf32, #tpu.memory_space<hbm>>
      %dma_wait3A_551 = arith.constant 0 : i32
      %dma_wait3A_552 = tpu.memref_slice %arg6[%select_n3A, %select_n3A_59, %select_n3A_75, %dma_wait3A_551] : memref<8x8x4x65536xf32, #tpu.memory_space<hbm>> -> memref<1x1x1x65536xf32, #tpu.memory_space<hbm>>
      %dma_wait3A_553 = tpu.memref_squeeze %dma_wait3A_552 : memref<1x1x1x65536xf32, #tpu.memory_space<hbm>> -> memref<65536xf32, #tpu.memory_space<hbm>>
      tpu.wait_dma2 semaphore(%run_scoped3A_543 : memref<!tpu.dma_semaphore, #tpu.memory_space<semaphore_mem>>) src(%arg11 : memref<65536xf32, #tpu.memory_space<vmem>>) dst(%dma_wait3A_553 : memref<65536xf32, #tpu.memory_space<hbm>>)
      tpu.yield
    }) : () -> ()
    %jit3A_81 = arith.constant 4 : i32
    %eq3A_82 = arith.constant 0 : i32
    %eq3A_83 = arith.cmpi eq, %jit3A_81, %eq3A_82 : i32
    %jit3A_84 = arith.constant 1 : i32
    %select_n3A_85 = arith.select %eq3A_83, %jit3A_84, %jit3A_81 : i32
    %rem3A_86 = arith.remsi %add3A, %select_n3A_85 : i32
    %ne3A_87 = arith.constant 0 : i32
    %ne3A_88 = arith.cmpi ne, %rem3A_86, %ne3A_87 : i32
    %lt3A_89 = arith.constant 0 : i32
    %lt3A_90 = arith.cmpi slt, %rem3A_86, %lt3A_89 : i32
    %lt3A_91 = arith.constant 0 : i32
    %lt3A_92 = arith.cmpi slt, %select_n3A_85, %lt3A_91 : i32
    %ne3A_93 = arith.xori %lt3A_90, %lt3A_92 : i1
    %and3A_94 = arith.andi %ne3A_93, %ne3A_88 : i1
    %add3A_95 = arith.addi %rem3A_86, %select_n3A_85 : i32
    %select_n3A_96 = arith.select %and3A_94, %add3A_95, %rem3A_86 : i32
    %mul3A_97 = arith.constant 8 : i32
    %mul3A_98 = arith.muli %select_n3A_96, %mul3A_97 : i32
    %add3A_99 = arith.constant 1 : i32
    %add3A_100 = arith.addi %mul3A_98, %add3A_99 : i32
    %jit3A_101 = arith.constant 4 : i32
    %div3A_102 = arith.divsi %add3A_100, %jit3A_101 : i32
    %sign3A_103 = arith.constant 0 : i32
    %sign3A_104 = arith.cmpi sgt, %add3A_100, %sign3A_103 : i32
    %sign3A_105 = arith.extui %sign3A_104 : i1 to i32
    %sign3A_106 = arith.constant 0 : i32
    %sign3A_107 = arith.cmpi slt, %add3A_100, %sign3A_106 : i32
    %sign3A_108 = arith.extui %sign3A_107 : i1 to i32
    %sign3A_109 = arith.subi %sign3A_105, %sign3A_108 : i32
    %sign3A_110 = arith.constant 0 : i32
    %sign3A_111 = arith.cmpi sgt, %jit3A_101, %sign3A_110 : i32
    %sign3A_112 = arith.extui %sign3A_111 : i1 to i32
    %sign3A_113 = arith.constant 0 : i32
    %sign3A_114 = arith.cmpi slt, %jit3A_101, %sign3A_113 : i32
    %sign3A_115 = arith.extui %sign3A_114 : i1 to i32
    %sign3A_116 = arith.subi %sign3A_112, %sign3A_115 : i32
    %ne3A_117 = arith.cmpi ne, %sign3A_109, %sign3A_116 : i32
    %rem3A_118 = arith.remsi %add3A_100, %jit3A_101 : i32
    %ne3A_119 = arith.constant 0 : i32
    %ne3A_120 = arith.cmpi ne, %rem3A_118, %ne3A_119 : i32
    %and3A_121 = arith.andi %ne3A_117, %ne3A_120 : i1
    %sub3A_122 = arith.constant 1 : i32
    %sub3A_123 = arith.subi %div3A_102, %sub3A_122 : i32
    %select_n3A_124 = arith.select %and3A_121, %sub3A_123, %div3A_102 : i32
    %jit3A_125 = arith.constant 4 : i32
    %eq3A_126 = arith.constant 0 : i32
    %eq3A_127 = arith.cmpi eq, %jit3A_125, %eq3A_126 : i32
    %jit3A_128 = arith.constant 1 : i32
    %select_n3A_129 = arith.select %eq3A_127, %jit3A_128, %jit3A_125 : i32
    %rem3A_130 = arith.remsi %add3A_100, %select_n3A_129 : i32
    %ne3A_131 = arith.constant 0 : i32
    %ne3A_132 = arith.cmpi ne, %rem3A_130, %ne3A_131 : i32
    %lt3A_133 = arith.constant 0 : i32
    %lt3A_134 = arith.cmpi slt, %rem3A_130, %lt3A_133 : i32
    %lt3A_135 = arith.constant 0 : i32
    %lt3A_136 = arith.cmpi slt, %select_n3A_129, %lt3A_135 : i32
    %ne3A_137 = arith.xori %lt3A_134, %lt3A_136 : i1
    %and3A_138 = arith.andi %ne3A_137, %ne3A_132 : i1
    %add3A_139 = arith.addi %rem3A_130, %select_n3A_129 : i32
    %select_n3A_140 = arith.select %and3A_138, %add3A_139, %rem3A_130 : i32
    "tpu.region"() ({
      %run_scoped3A_543 = tpu.sem_alloc : memref<!tpu.dma_semaphore, #tpu.memory_space<semaphore_mem>>
      tpu.enqueue_dma source(%arg5 : memref<65536xf32, #tpu.memory_space<hbm>>) target(%arg11 : memref<65536xf32, #tpu.memory_space<vmem>>) target_semaphore(%run_scoped3A_543 : memref<!tpu.dma_semaphore, #tpu.memory_space<semaphore_mem>>)
      tpu.wait_dma2 semaphore(%run_scoped3A_543 : memref<!tpu.dma_semaphore, #tpu.memory_space<semaphore_mem>>) src(%arg5 : memref<65536xf32, #tpu.memory_space<hbm>>) dst(%arg11 : memref<65536xf32, #tpu.memory_space<vmem>>)
      tpu.yield
    }) : () -> ()
    %scan3A_141 = arith.constant 0 : i32
    %scan3A_142 = arith.constant 0 : i32
    %scan3A_143 = arith.constant 125 : i32
    %scan3A_144 = arith.addi %scan3A_142, %scan3A_143 : i32
    %scan3A_145 = arith.constant 1 : i32
    scf.for %scan3A_543 = %scan3A_142 to %scan3A_144 step %scan3A_145  : i32 {
      %mul3A_544 = arith.constant 16 : i32
      %mul3A_545 = arith.muli %scan3A_543, %mul3A_544 : i32
      %get3A = arith.index_cast %mul3A_545 : i32 to index
      %get3A_546 = tpu.vector_load %arg7[%get3A] {strides = array<i32>} : memref<2000xi32, #tpu.memory_space<vmem>>, vector<16xi32>,
      %mul3A_547 = arith.constant 16 : i32
      %mul3A_548 = arith.muli %scan3A_543, %mul3A_547 : i32
      %get3A_549 = arith.index_cast %mul3A_548 : i32 to index
      %get3A_550 = tpu.vector_load %arg8[%get3A_549] {strides = array<i32>} : memref<2000xi32, #tpu.memory_space<vmem>>, vector<16xi32>,
      %mul3A_551 = arith.constant 8 : i32
      %mul3A_552 = vector.broadcast %mul3A_551 : i32 to vector<16xi32>
      %mul3A_553 = arith.muli %get3A_546, %mul3A_552 : vector<16xi32>
      %add3A_554 = vector.broadcast %select_n3A_124 : i32 to vector<16xi32>
      %add3A_555 = arith.addi %mul3A_553, %add3A_554 : vector<16xi32>
      %gather3A = tpu.vector_load_idx %arg9[%add3A_555] : memref<4096xf32, #tpu.memory_space<vmem>>[vector<16xi32>], vector<16xf32>,
      %mul3A_556 = arith.constant 8 : i32
      %mul3A_557 = vector.broadcast %mul3A_556 : i32 to vector<16xi32>
      %mul3A_558 = arith.muli %get3A_550, %mul3A_557 : vector<16xi32>
      %add3A_559 = vector.broadcast %select_n3A_124 : i32 to vector<16xi32>
      %add3A_560 = arith.addi %mul3A_558, %add3A_559 : vector<16xi32>
      %gather3A_561 = tpu.vector_load_idx %arg10[%add3A_560] : memref<4096xf32, #tpu.memory_space<vmem>>[vector<16xi32>], vector<16xf32>,
      %add3A_562 = arith.addf %gather3A, %gather3A_561 : vector<16xf32>
      %gt3A = arith.constant 0.000000e+00 : f32
      %gt3A_563 = vector.broadcast %gt3A : f32 to vector<16xf32>
      %gt3A_564 = arith.cmpf ogt, %add3A_562, %gt3A_563 : vector<16xf32>
      %mul3A_565 = arith.constant 2.000000e-01 : f32
      %mul3A_566 = vector.broadcast %mul3A_565 : f32 to vector<16xf32>
      %mul3A_567 = arith.mulf %mul3A_566, %add3A_562 : vector<16xf32>
      %select_n3A_568 = arith.select %gt3A_564, %add3A_562, %mul3A_567 : vector<16xi1>, vector<16xf32>
      %exp3A = math.exp %select_n3A_568 : vector<16xf32>
      %mul3A_569 = arith.constant 128 : i32
      %mul3A_570 = arith.muli %select_n3A_140, %mul3A_569 : i32
      %sub3A_571 = vector.broadcast %mul3A_570 : i32 to vector<16xi32>
      %sub3A_572 = arith.subi %get3A_546, %sub3A_571 : vector<16xi32>
      %ge3A = arith.constant 0 : i32
      %ge3A_573 = vector.broadcast %ge3A : i32 to vector<16xi32>
      %ge3A_574 = arith.cmpi sge, %sub3A_572, %ge3A_573 : vector<16xi32>
      %lt3A_575 = arith.constant 128 : i32
      %lt3A_576 = vector.broadcast %lt3A_575 : i32 to vector<16xi32>
      %lt3A_577 = arith.cmpi slt, %sub3A_572, %lt3A_576 : vector<16xi32>
      %and3A_578 = arith.andi %ge3A_574, %lt3A_577 : vector<16xi1>
      %mul3A_579 = arith.constant 128 : i32
      %mul3A_580 = vector.broadcast %mul3A_579 : i32 to vector<16xi32>
      %mul3A_581 = arith.muli %get3A_550, %mul3A_580 : vector<16xi32>
      %add3A_582 = arith.addi %mul3A_581, %sub3A_572 : vector<16xi32>
      %jit3A_583 = arith.constant 0 : i32
      %broadcast_in_dim3A = vector.broadcast %jit3A_583 : i32 to vector<16xi32>
      %select_n3A_584 = arith.select %and3A_578, %add3A_582, %broadcast_in_dim3A : vector<16xi1>, vector<16xi32>
      tpu.vector_store_idx %arg11[%select_n3A_584], %exp3A masked %and3A_578 {add = true} : memref<65536xf32, #tpu.memory_space<vmem>>[vector<16xi32>], vector<16xf32>, vector<16xi1>
    }
    %scan3A_146 = arith.constant 125 : i32
    "tpu.region"() ({
      %run_scoped3A_543 = tpu.sem_alloc : memref<!tpu.dma_semaphore, #tpu.memory_space<semaphore_mem>>
      %dma_start3A = arith.constant 0 : i32
      %dma_start3A_544 = tpu.memref_slice %arg6[%select_n3A, %select_n3A_124, %select_n3A_140, %dma_start3A] : memref<8x8x4x65536xf32, #tpu.memory_space<hbm>> -> memref<1x1x1x65536xf32, #tpu.memory_space<hbm>>
      %dma_start3A_545 = tpu.memref_squeeze %dma_start3A_544 : memref<1x1x1x65536xf32, #tpu.memory_space<hbm>> -> memref<65536xf32, #tpu.memory_space<hbm>>
      %dma_start3A_546 = arith.constant 0 : i32
      %dma_start3A_547 = tpu.memref_slice %arg6[%select_n3A, %select_n3A_124, %select_n3A_140, %dma_start3A_546] : memref<8x8x4x65536xf32, #tpu.memory_space<hbm>> -> memref<1x1x1x65536xf32, #tpu.memory_space<hbm>>
      %dma_start3A_548 = tpu.memref_squeeze %dma_start3A_547 : memref<1x1x1x65536xf32, #tpu.memory_space<hbm>> -> memref<65536xf32, #tpu.memory_space<hbm>>
      tpu.enqueue_dma source(%arg11 : memref<65536xf32, #tpu.memory_space<vmem>>) target(%dma_start3A_548 : memref<65536xf32, #tpu.memory_space<hbm>>) target_semaphore(%run_scoped3A_543 : memref<!tpu.dma_semaphore, #tpu.memory_space<semaphore_mem>>)
      %dma_wait3A = arith.constant 0 : i32
      %dma_wait3A_549 = tpu.memref_slice %arg6[%select_n3A, %select_n3A_124, %select_n3A_140, %dma_wait3A] : memref<8x8x4x65536xf32, #tpu.memory_space<hbm>> -> memref<1x1x1x65536xf32, #tpu.memory_space<hbm>>
      %dma_wait3A_550 = tpu.memref_squeeze %dma_wait3A_549 : memref<1x1x1x65536xf32, #tpu.memory_space<hbm>> -> memref<65536xf32, #tpu.memory_space<hbm>>
      %dma_wait3A_551 = arith.constant 0 : i32
      %dma_wait3A_552 = tpu.memref_slice %arg6[%select_n3A, %select_n3A_124, %select_n3A_140, %dma_wait3A_551] : memref<8x8x4x65536xf32, #tpu.memory_space<hbm>> -> memref<1x1x1x65536xf32, #tpu.memory_space<hbm>>
      %dma_wait3A_553 = tpu.memref_squeeze %dma_wait3A_552 : memref<1x1x1x65536xf32, #tpu.memory_space<hbm>> -> memref<65536xf32, #tpu.memory_space<hbm>>
      tpu.wait_dma2 semaphore(%run_scoped3A_543 : memref<!tpu.dma_semaphore, #tpu.memory_space<semaphore_mem>>) src(%arg11 : memref<65536xf32, #tpu.memory_space<vmem>>) dst(%dma_wait3A_553 : memref<65536xf32, #tpu.memory_space<hbm>>)
      tpu.yield
    }) : () -> ()
    %jit3A_147 = arith.constant 4 : i32
    %eq3A_148 = arith.constant 0 : i32
    %eq3A_149 = arith.cmpi eq, %jit3A_147, %eq3A_148 : i32
    %jit3A_150 = arith.constant 1 : i32
    %select_n3A_151 = arith.select %eq3A_149, %jit3A_150, %jit3A_147 : i32
    %rem3A_152 = arith.remsi %add3A, %select_n3A_151 : i32
    %ne3A_153 = arith.constant 0 : i32
    %ne3A_154 = arith.cmpi ne, %rem3A_152, %ne3A_153 : i32
    %lt3A_155 = arith.constant 0 : i32
    %lt3A_156 = arith.cmpi slt, %rem3A_152, %lt3A_155 : i32
    %lt3A_157 = arith.constant 0 : i32
    %lt3A_158 = arith.cmpi slt, %select_n3A_151, %lt3A_157 : i32
    %ne3A_159 = arith.xori %lt3A_156, %lt3A_158 : i1
    %and3A_160 = arith.andi %ne3A_159, %ne3A_154 : i1
    %add3A_161 = arith.addi %rem3A_152, %select_n3A_151 : i32
    %select_n3A_162 = arith.select %and3A_160, %add3A_161, %rem3A_152 : i32
    %mul3A_163 = arith.constant 8 : i32
    %mul3A_164 = arith.muli %select_n3A_162, %mul3A_163 : i32
    %add3A_165 = arith.constant 2 : i32
    %add3A_166 = arith.addi %mul3A_164, %add3A_165 : i32
    %jit3A_167 = arith.constant 4 : i32
    %div3A_168 = arith.divsi %add3A_166, %jit3A_167 : i32
    %sign3A_169 = arith.constant 0 : i32
    %sign3A_170 = arith.cmpi sgt, %add3A_166, %sign3A_169 : i32
    %sign3A_171 = arith.extui %sign3A_170 : i1 to i32
    %sign3A_172 = arith.constant 0 : i32
    %sign3A_173 = arith.cmpi slt, %add3A_166, %sign3A_172 : i32
    %sign3A_174 = arith.extui %sign3A_173 : i1 to i32
    %sign3A_175 = arith.subi %sign3A_171, %sign3A_174 : i32
    %sign3A_176 = arith.constant 0 : i32
    %sign3A_177 = arith.cmpi sgt, %jit3A_167, %sign3A_176 : i32
    %sign3A_178 = arith.extui %sign3A_177 : i1 to i32
    %sign3A_179 = arith.constant 0 : i32
    %sign3A_180 = arith.cmpi slt, %jit3A_167, %sign3A_179 : i32
    %sign3A_181 = arith.extui %sign3A_180 : i1 to i32
    %sign3A_182 = arith.subi %sign3A_178, %sign3A_181 : i32
    %ne3A_183 = arith.cmpi ne, %sign3A_175, %sign3A_182 : i32
    %rem3A_184 = arith.remsi %add3A_166, %jit3A_167 : i32
    %ne3A_185 = arith.constant 0 : i32
    %ne3A_186 = arith.cmpi ne, %rem3A_184, %ne3A_185 : i32
    %and3A_187 = arith.andi %ne3A_183, %ne3A_186 : i1
    %sub3A_188 = arith.constant 1 : i32
    %sub3A_189 = arith.subi %div3A_168, %sub3A_188 : i32
    %select_n3A_190 = arith.select %and3A_187, %sub3A_189, %div3A_168 : i32
    %jit3A_191 = arith.constant 4 : i32
    %eq3A_192 = arith.constant 0 : i32
    %eq3A_193 = arith.cmpi eq, %jit3A_191, %eq3A_192 : i32
    %jit3A_194 = arith.constant 1 : i32
    %select_n3A_195 = arith.select %eq3A_193, %jit3A_194, %jit3A_191 : i32
    %rem3A_196 = arith.remsi %add3A_166, %select_n3A_195 : i32
    %ne3A_197 = arith.constant 0 : i32
    %ne3A_198 = arith.cmpi ne, %rem3A_196, %ne3A_197 : i32
    %lt3A_199 = arith.constant 0 : i32
    %lt3A_200 = arith.cmpi slt, %rem3A_196, %lt3A_199 : i32
    %lt3A_201 = arith.constant 0 : i32
    %lt3A_202 = arith.cmpi slt, %select_n3A_195, %lt3A_201 : i32
    %ne3A_203 = arith.xori %lt3A_200, %lt3A_202 : i1
    %and3A_204 = arith.andi %ne3A_203, %ne3A_198 : i1
    %add3A_205 = arith.addi %rem3A_196, %select_n3A_195 : i32
    %select_n3A_206 = arith.select %and3A_204, %add3A_205, %rem3A_196 : i32
    "tpu.region"() ({
      %run_scoped3A_543 = tpu.sem_alloc : memref<!tpu.dma_semaphore, #tpu.memory_space<semaphore_mem>>
      tpu.enqueue_dma source(%arg5 : memref<65536xf32, #tpu.memory_space<hbm>>) target(%arg11 : memref<65536xf32, #tpu.memory_space<vmem>>) target_semaphore(%run_scoped3A_543 : memref<!tpu.dma_semaphore, #tpu.memory_space<semaphore_mem>>)
      tpu.wait_dma2 semaphore(%run_scoped3A_543 : memref<!tpu.dma_semaphore, #tpu.memory_space<semaphore_mem>>) src(%arg5 : memref<65536xf32, #tpu.memory_space<hbm>>) dst(%arg11 : memref<65536xf32, #tpu.memory_space<vmem>>)
      tpu.yield
    }) : () -> ()
    %scan3A_207 = arith.constant 0 : i32
    %scan3A_208 = arith.constant 0 : i32
    %scan3A_209 = arith.constant 125 : i32
    %scan3A_210 = arith.addi %scan3A_208, %scan3A_209 : i32
    %scan3A_211 = arith.constant 1 : i32
    scf.for %scan3A_543 = %scan3A_208 to %scan3A_210 step %scan3A_211  : i32 {
      %mul3A_544 = arith.constant 16 : i32
      %mul3A_545 = arith.muli %scan3A_543, %mul3A_544 : i32
      %get3A = arith.index_cast %mul3A_545 : i32 to index
      %get3A_546 = tpu.vector_load %arg7[%get3A] {strides = array<i32>} : memref<2000xi32, #tpu.memory_space<vmem>>, vector<16xi32>,
      %mul3A_547 = arith.constant 16 : i32
      %mul3A_548 = arith.muli %scan3A_543, %mul3A_547 : i32
      %get3A_549 = arith.index_cast %mul3A_548 : i32 to index
      %get3A_550 = tpu.vector_load %arg8[%get3A_549] {strides = array<i32>} : memref<2000xi32, #tpu.memory_space<vmem>>, vector<16xi32>,
      %mul3A_551 = arith.constant 8 : i32
      %mul3A_552 = vector.broadcast %mul3A_551 : i32 to vector<16xi32>
      %mul3A_553 = arith.muli %get3A_546, %mul3A_552 : vector<16xi32>
      %add3A_554 = vector.broadcast %select_n3A_190 : i32 to vector<16xi32>
      %add3A_555 = arith.addi %mul3A_553, %add3A_554 : vector<16xi32>
      %gather3A = tpu.vector_load_idx %arg9[%add3A_555] : memref<4096xf32, #tpu.memory_space<vmem>>[vector<16xi32>], vector<16xf32>,
      %mul3A_556 = arith.constant 8 : i32
      %mul3A_557 = vector.broadcast %mul3A_556 : i32 to vector<16xi32>
      %mul3A_558 = arith.muli %get3A_550, %mul3A_557 : vector<16xi32>
      %add3A_559 = vector.broadcast %select_n3A_190 : i32 to vector<16xi32>
      %add3A_560 = arith.addi %mul3A_558, %add3A_559 : vector<16xi32>
      %gather3A_561 = tpu.vector_load_idx %arg10[%add3A_560] : memref<4096xf32, #tpu.memory_space<vmem>>[vector<16xi32>], vector<16xf32>,
      %add3A_562 = arith.addf %gather3A, %gather3A_561 : vector<16xf32>
      %gt3A = arith.constant 0.000000e+00 : f32
      %gt3A_563 = vector.broadcast %gt3A : f32 to vector<16xf32>
      %gt3A_564 = arith.cmpf ogt, %add3A_562, %gt3A_563 : vector<16xf32>
      %mul3A_565 = arith.constant 2.000000e-01 : f32
      %mul3A_566 = vector.broadcast %mul3A_565 : f32 to vector<16xf32>
      %mul3A_567 = arith.mulf %mul3A_566, %add3A_562 : vector<16xf32>
      %select_n3A_568 = arith.select %gt3A_564, %add3A_562, %mul3A_567 : vector<16xi1>, vector<16xf32>
      %exp3A = math.exp %select_n3A_568 : vector<16xf32>
      %mul3A_569 = arith.constant 128 : i32
      %mul3A_570 = arith.muli %select_n3A_206, %mul3A_569 : i32
      %sub3A_571 = vector.broadcast %mul3A_570 : i32 to vector<16xi32>
      %sub3A_572 = arith.subi %get3A_546, %sub3A_571 : vector<16xi32>
      %ge3A = arith.constant 0 : i32
      %ge3A_573 = vector.broadcast %ge3A : i32 to vector<16xi32>
      %ge3A_574 = arith.cmpi sge, %sub3A_572, %ge3A_573 : vector<16xi32>
      %lt3A_575 = arith.constant 128 : i32
      %lt3A_576 = vector.broadcast %lt3A_575 : i32 to vector<16xi32>
      %lt3A_577 = arith.cmpi slt, %sub3A_572, %lt3A_576 : vector<16xi32>
      %and3A_578 = arith.andi %ge3A_574, %lt3A_577 : vector<16xi1>
      %mul3A_579 = arith.constant 128 : i32
      %mul3A_580 = vector.broadcast %mul3A_579 : i32 to vector<16xi32>
      %mul3A_581 = arith.muli %get3A_550, %mul3A_580 : vector<16xi32>
      %add3A_582 = arith.addi %mul3A_581, %sub3A_572 : vector<16xi32>
      %jit3A_583 = arith.constant 0 : i32
      %broadcast_in_dim3A = vector.broadcast %jit3A_583 : i32 to vector<16xi32>
      %select_n3A_584 = arith.select %and3A_578, %add3A_582, %broadcast_in_dim3A : vector<16xi1>, vector<16xi32>
      tpu.vector_store_idx %arg11[%select_n3A_584], %exp3A masked %and3A_578 {add = true} : memref<65536xf32, #tpu.memory_space<vmem>>[vector<16xi32>], vector<16xf32>, vector<16xi1>
    }
    %scan3A_212 = arith.constant 125 : i32
    "tpu.region"() ({
      %run_scoped3A_543 = tpu.sem_alloc : memref<!tpu.dma_semaphore, #tpu.memory_space<semaphore_mem>>
      %dma_start3A = arith.constant 0 : i32
      %dma_start3A_544 = tpu.memref_slice %arg6[%select_n3A, %select_n3A_190, %select_n3A_206, %dma_start3A] : memref<8x8x4x65536xf32, #tpu.memory_space<hbm>> -> memref<1x1x1x65536xf32, #tpu.memory_space<hbm>>
      %dma_start3A_545 = tpu.memref_squeeze %dma_start3A_544 : memref<1x1x1x65536xf32, #tpu.memory_space<hbm>> -> memref<65536xf32, #tpu.memory_space<hbm>>
      %dma_start3A_546 = arith.constant 0 : i32
      %dma_start3A_547 = tpu.memref_slice %arg6[%select_n3A, %select_n3A_190, %select_n3A_206, %dma_start3A_546] : memref<8x8x4x65536xf32, #tpu.memory_space<hbm>> -> memref<1x1x1x65536xf32, #tpu.memory_space<hbm>>
      %dma_start3A_548 = tpu.memref_squeeze %dma_start3A_547 : memref<1x1x1x65536xf32, #tpu.memory_space<hbm>> -> memref<65536xf32, #tpu.memory_space<hbm>>
      tpu.enqueue_dma source(%arg11 : memref<65536xf32, #tpu.memory_space<vmem>>) target(%dma_start3A_548 : memref<65536xf32, #tpu.memory_space<hbm>>) target_semaphore(%run_scoped3A_543 : memref<!tpu.dma_semaphore, #tpu.memory_space<semaphore_mem>>)
      %dma_wait3A = arith.constant 0 : i32
      %dma_wait3A_549 = tpu.memref_slice %arg6[%select_n3A, %select_n3A_190, %select_n3A_206, %dma_wait3A] : memref<8x8x4x65536xf32, #tpu.memory_space<hbm>> -> memref<1x1x1x65536xf32, #tpu.memory_space<hbm>>
      %dma_wait3A_550 = tpu.memref_squeeze %dma_wait3A_549 : memref<1x1x1x65536xf32, #tpu.memory_space<hbm>> -> memref<65536xf32, #tpu.memory_space<hbm>>
      %dma_wait3A_551 = arith.constant 0 : i32
      %dma_wait3A_552 = tpu.memref_slice %arg6[%select_n3A, %select_n3A_190, %select_n3A_206, %dma_wait3A_551] : memref<8x8x4x65536xf32, #tpu.memory_space<hbm>> -> memref<1x1x1x65536xf32, #tpu.memory_space<hbm>>
      %dma_wait3A_553 = tpu.memref_squeeze %dma_wait3A_552 : memref<1x1x1x65536xf32, #tpu.memory_space<hbm>> -> memref<65536xf32, #tpu.memory_space<hbm>>
      tpu.wait_dma2 semaphore(%run_scoped3A_543 : memref<!tpu.dma_semaphore, #tpu.memory_space<semaphore_mem>>) src(%arg11 : memref<65536xf32, #tpu.memory_space<vmem>>) dst(%dma_wait3A_553 : memref<65536xf32, #tpu.memory_space<hbm>>)
      tpu.yield
    }) : () -> ()
    %jit3A_213 = arith.constant 4 : i32
    %eq3A_214 = arith.constant 0 : i32
    %eq3A_215 = arith.cmpi eq, %jit3A_213, %eq3A_214 : i32
    %jit3A_216 = arith.constant 1 : i32
    %select_n3A_217 = arith.select %eq3A_215, %jit3A_216, %jit3A_213 : i32
    %rem3A_218 = arith.remsi %add3A, %select_n3A_217 : i32
    %ne3A_219 = arith.constant 0 : i32
    %ne3A_220 = arith.cmpi ne, %rem3A_218, %ne3A_219 : i32
    %lt3A_221 = arith.constant 0 : i32
    %lt3A_222 = arith.cmpi slt, %rem3A_218, %lt3A_221 : i32
    %lt3A_223 = arith.constant 0 : i32
    %lt3A_224 = arith.cmpi slt, %select_n3A_217, %lt3A_223 : i32
    %ne3A_225 = arith.xori %lt3A_222, %lt3A_224 : i1
    %and3A_226 = arith.andi %ne3A_225, %ne3A_220 : i1
    %add3A_227 = arith.addi %rem3A_218, %select_n3A_217 : i32
    %select_n3A_228 = arith.select %and3A_226, %add3A_227, %rem3A_218 : i32
    %mul3A_229 = arith.constant 8 : i32
    %mul3A_230 = arith.muli %select_n3A_228, %mul3A_229 : i32
    %add3A_231 = arith.constant 3 : i32
    %add3A_232 = arith.addi %mul3A_230, %add3A_231 : i32
    %jit3A_233 = arith.constant 4 : i32
    %div3A_234 = arith.divsi %add3A_232, %jit3A_233 : i32
    %sign3A_235 = arith.constant 0 : i32
    %sign3A_236 = arith.cmpi sgt, %add3A_232, %sign3A_235 : i32
    %sign3A_237 = arith.extui %sign3A_236 : i1 to i32
    %sign3A_238 = arith.constant 0 : i32
    %sign3A_239 = arith.cmpi slt, %add3A_232, %sign3A_238 : i32
    %sign3A_240 = arith.extui %sign3A_239 : i1 to i32
    %sign3A_241 = arith.subi %sign3A_237, %sign3A_240 : i32
    %sign3A_242 = arith.constant 0 : i32
    %sign3A_243 = arith.cmpi sgt, %jit3A_233, %sign3A_242 : i32
    %sign3A_244 = arith.extui %sign3A_243 : i1 to i32
    %sign3A_245 = arith.constant 0 : i32
    %sign3A_246 = arith.cmpi slt, %jit3A_233, %sign3A_245 : i32
    %sign3A_247 = arith.extui %sign3A_246 : i1 to i32
    %sign3A_248 = arith.subi %sign3A_244, %sign3A_247 : i32
    %ne3A_249 = arith.cmpi ne, %sign3A_241, %sign3A_248 : i32
    %rem3A_250 = arith.remsi %add3A_232, %jit3A_233 : i32
    %ne3A_251 = arith.constant 0 : i32
    %ne3A_252 = arith.cmpi ne, %rem3A_250, %ne3A_251 : i32
    %and3A_253 = arith.andi %ne3A_249, %ne3A_252 : i1
    %sub3A_254 = arith.constant 1 : i32
    %sub3A_255 = arith.subi %div3A_234, %sub3A_254 : i32
    %select_n3A_256 = arith.select %and3A_253, %sub3A_255, %div3A_234 : i32
    %jit3A_257 = arith.constant 4 : i32
    %eq3A_258 = arith.constant 0 : i32
    %eq3A_259 = arith.cmpi eq, %jit3A_257, %eq3A_258 : i32
    %jit3A_260 = arith.constant 1 : i32
    %select_n3A_261 = arith.select %eq3A_259, %jit3A_260, %jit3A_257 : i32
    %rem3A_262 = arith.remsi %add3A_232, %select_n3A_261 : i32
    %ne3A_263 = arith.constant 0 : i32
    %ne3A_264 = arith.cmpi ne, %rem3A_262, %ne3A_263 : i32
    %lt3A_265 = arith.constant 0 : i32
    %lt3A_266 = arith.cmpi slt, %rem3A_262, %lt3A_265 : i32
    %lt3A_267 = arith.constant 0 : i32
    %lt3A_268 = arith.cmpi slt, %select_n3A_261, %lt3A_267 : i32
    %ne3A_269 = arith.xori %lt3A_266, %lt3A_268 : i1
    %and3A_270 = arith.andi %ne3A_269, %ne3A_264 : i1
    %add3A_271 = arith.addi %rem3A_262, %select_n3A_261 : i32
    %select_n3A_272 = arith.select %and3A_270, %add3A_271, %rem3A_262 : i32
    "tpu.region"() ({
      %run_scoped3A_543 = tpu.sem_alloc : memref<!tpu.dma_semaphore, #tpu.memory_space<semaphore_mem>>
      tpu.enqueue_dma source(%arg5 : memref<65536xf32, #tpu.memory_space<hbm>>) target(%arg11 : memref<65536xf32, #tpu.memory_space<vmem>>) target_semaphore(%run_scoped3A_543 : memref<!tpu.dma_semaphore, #tpu.memory_space<semaphore_mem>>)
      tpu.wait_dma2 semaphore(%run_scoped3A_543 : memref<!tpu.dma_semaphore, #tpu.memory_space<semaphore_mem>>) src(%arg5 : memref<65536xf32, #tpu.memory_space<hbm>>) dst(%arg11 : memref<65536xf32, #tpu.memory_space<vmem>>)
      tpu.yield
    }) : () -> ()
    %scan3A_273 = arith.constant 0 : i32
    %scan3A_274 = arith.constant 0 : i32
    %scan3A_275 = arith.constant 125 : i32
    %scan3A_276 = arith.addi %scan3A_274, %scan3A_275 : i32
    %scan3A_277 = arith.constant 1 : i32
    scf.for %scan3A_543 = %scan3A_274 to %scan3A_276 step %scan3A_277  : i32 {
      %mul3A_544 = arith.constant 16 : i32
      %mul3A_545 = arith.muli %scan3A_543, %mul3A_544 : i32
      %get3A = arith.index_cast %mul3A_545 : i32 to index
      %get3A_546 = tpu.vector_load %arg7[%get3A] {strides = array<i32>} : memref<2000xi32, #tpu.memory_space<vmem>>, vector<16xi32>,
      %mul3A_547 = arith.constant 16 : i32
      %mul3A_548 = arith.muli %scan3A_543, %mul3A_547 : i32
      %get3A_549 = arith.index_cast %mul3A_548 : i32 to index
      %get3A_550 = tpu.vector_load %arg8[%get3A_549] {strides = array<i32>} : memref<2000xi32, #tpu.memory_space<vmem>>, vector<16xi32>,
      %mul3A_551 = arith.constant 8 : i32
      %mul3A_552 = vector.broadcast %mul3A_551 : i32 to vector<16xi32>
      %mul3A_553 = arith.muli %get3A_546, %mul3A_552 : vector<16xi32>
      %add3A_554 = vector.broadcast %select_n3A_256 : i32 to vector<16xi32>
      %add3A_555 = arith.addi %mul3A_553, %add3A_554 : vector<16xi32>
      %gather3A = tpu.vector_load_idx %arg9[%add3A_555] : memref<4096xf32, #tpu.memory_space<vmem>>[vector<16xi32>], vector<16xf32>,
      %mul3A_556 = arith.constant 8 : i32
      %mul3A_557 = vector.broadcast %mul3A_556 : i32 to vector<16xi32>
      %mul3A_558 = arith.muli %get3A_550, %mul3A_557 : vector<16xi32>
      %add3A_559 = vector.broadcast %select_n3A_256 : i32 to vector<16xi32>
      %add3A_560 = arith.addi %mul3A_558, %add3A_559 : vector<16xi32>
      %gather3A_561 = tpu.vector_load_idx %arg10[%add3A_560] : memref<4096xf32, #tpu.memory_space<vmem>>[vector<16xi32>], vector<16xf32>,
      %add3A_562 = arith.addf %gather3A, %gather3A_561 : vector<16xf32>
      %gt3A = arith.constant 0.000000e+00 : f32
      %gt3A_563 = vector.broadcast %gt3A : f32 to vector<16xf32>
      %gt3A_564 = arith.cmpf ogt, %add3A_562, %gt3A_563 : vector<16xf32>
      %mul3A_565 = arith.constant 2.000000e-01 : f32
      %mul3A_566 = vector.broadcast %mul3A_565 : f32 to vector<16xf32>
      %mul3A_567 = arith.mulf %mul3A_566, %add3A_562 : vector<16xf32>
      %select_n3A_568 = arith.select %gt3A_564, %add3A_562, %mul3A_567 : vector<16xi1>, vector<16xf32>
      %exp3A = math.exp %select_n3A_568 : vector<16xf32>
      %mul3A_569 = arith.constant 128 : i32
      %mul3A_570 = arith.muli %select_n3A_272, %mul3A_569 : i32
      %sub3A_571 = vector.broadcast %mul3A_570 : i32 to vector<16xi32>
      %sub3A_572 = arith.subi %get3A_546, %sub3A_571 : vector<16xi32>
      %ge3A = arith.constant 0 : i32
      %ge3A_573 = vector.broadcast %ge3A : i32 to vector<16xi32>
      %ge3A_574 = arith.cmpi sge, %sub3A_572, %ge3A_573 : vector<16xi32>
      %lt3A_575 = arith.constant 128 : i32
      %lt3A_576 = vector.broadcast %lt3A_575 : i32 to vector<16xi32>
      %lt3A_577 = arith.cmpi slt, %sub3A_572, %lt3A_576 : vector<16xi32>
      %and3A_578 = arith.andi %ge3A_574, %lt3A_577 : vector<16xi1>
      %mul3A_579 = arith.constant 128 : i32
      %mul3A_580 = vector.broadcast %mul3A_579 : i32 to vector<16xi32>
      %mul3A_581 = arith.muli %get3A_550, %mul3A_580 : vector<16xi32>
      %add3A_582 = arith.addi %mul3A_581, %sub3A_572 : vector<16xi32>
      %jit3A_583 = arith.constant 0 : i32
      %broadcast_in_dim3A = vector.broadcast %jit3A_583 : i32 to vector<16xi32>
      %select_n3A_584 = arith.select %and3A_578, %add3A_582, %broadcast_in_dim3A : vector<16xi1>, vector<16xi32>
      tpu.vector_store_idx %arg11[%select_n3A_584], %exp3A masked %and3A_578 {add = true} : memref<65536xf32, #tpu.memory_space<vmem>>[vector<16xi32>], vector<16xf32>, vector<16xi1>
    }
    %scan3A_278 = arith.constant 125 : i32
    "tpu.region"() ({
      %run_scoped3A_543 = tpu.sem_alloc : memref<!tpu.dma_semaphore, #tpu.memory_space<semaphore_mem>>
      %dma_start3A = arith.constant 0 : i32
      %dma_start3A_544 = tpu.memref_slice %arg6[%select_n3A, %select_n3A_256, %select_n3A_272, %dma_start3A] : memref<8x8x4x65536xf32, #tpu.memory_space<hbm>> -> memref<1x1x1x65536xf32, #tpu.memory_space<hbm>>
      %dma_start3A_545 = tpu.memref_squeeze %dma_start3A_544 : memref<1x1x1x65536xf32, #tpu.memory_space<hbm>> -> memref<65536xf32, #tpu.memory_space<hbm>>
      %dma_start3A_546 = arith.constant 0 : i32
      %dma_start3A_547 = tpu.memref_slice %arg6[%select_n3A, %select_n3A_256, %select_n3A_272, %dma_start3A_546] : memref<8x8x4x65536xf32, #tpu.memory_space<hbm>> -> memref<1x1x1x65536xf32, #tpu.memory_space<hbm>>
      %dma_start3A_548 = tpu.memref_squeeze %dma_start3A_547 : memref<1x1x1x65536xf32, #tpu.memory_space<hbm>> -> memref<65536xf32, #tpu.memory_space<hbm>>
      tpu.enqueue_dma source(%arg11 : memref<65536xf32, #tpu.memory_space<vmem>>) target(%dma_start3A_548 : memref<65536xf32, #tpu.memory_space<hbm>>) target_semaphore(%run_scoped3A_543 : memref<!tpu.dma_semaphore, #tpu.memory_space<semaphore_mem>>)
      %dma_wait3A = arith.constant 0 : i32
      %dma_wait3A_549 = tpu.memref_slice %arg6[%select_n3A, %select_n3A_256, %select_n3A_272, %dma_wait3A] : memref<8x8x4x65536xf32, #tpu.memory_space<hbm>> -> memref<1x1x1x65536xf32, #tpu.memory_space<hbm>>
      %dma_wait3A_550 = tpu.memref_squeeze %dma_wait3A_549 : memref<1x1x1x65536xf32, #tpu.memory_space<hbm>> -> memref<65536xf32, #tpu.memory_space<hbm>>
      %dma_wait3A_551 = arith.constant 0 : i32
      %dma_wait3A_552 = tpu.memref_slice %arg6[%select_n3A, %select_n3A_256, %select_n3A_272, %dma_wait3A_551] : memref<8x8x4x65536xf32, #tpu.memory_space<hbm>> -> memref<1x1x1x65536xf32, #tpu.memory_space<hbm>>
      %dma_wait3A_553 = tpu.memref_squeeze %dma_wait3A_552 : memref<1x1x1x65536xf32, #tpu.memory_space<hbm>> -> memref<65536xf32, #tpu.memory_space<hbm>>
      tpu.wait_dma2 semaphore(%run_scoped3A_543 : memref<!tpu.dma_semaphore, #tpu.memory_space<semaphore_mem>>) src(%arg11 : memref<65536xf32, #tpu.memory_space<vmem>>) dst(%dma_wait3A_553 : memref<65536xf32, #tpu.memory_space<hbm>>)
      tpu.yield
    }) : () -> ()
    %jit3A_279 = arith.constant 4 : i32
    %eq3A_280 = arith.constant 0 : i32
    %eq3A_281 = arith.cmpi eq, %jit3A_279, %eq3A_280 : i32
    %jit3A_282 = arith.constant 1 : i32
    %select_n3A_283 = arith.select %eq3A_281, %jit3A_282, %jit3A_279 : i32
    %rem3A_284 = arith.remsi %add3A, %select_n3A_283 : i32
    %ne3A_285 = arith.constant 0 : i32
    %ne3A_286 = arith.cmpi ne, %rem3A_284, %ne3A_285 : i32
    %lt3A_287 = arith.constant 0 : i32
    %lt3A_288 = arith.cmpi slt, %rem3A_284, %lt3A_287 : i32
    %lt3A_289 = arith.constant 0 : i32
    %lt3A_290 = arith.cmpi slt, %select_n3A_283, %lt3A_289 : i32
    %ne3A_291 = arith.xori %lt3A_288, %lt3A_290 : i1
    %and3A_292 = arith.andi %ne3A_291, %ne3A_286 : i1
    %add3A_293 = arith.addi %rem3A_284, %select_n3A_283 : i32
    %select_n3A_294 = arith.select %and3A_292, %add3A_293, %rem3A_284 : i32
    %mul3A_295 = arith.constant 8 : i32
    %mul3A_296 = arith.muli %select_n3A_294, %mul3A_295 : i32
    %add3A_297 = arith.constant 4 : i32
    %add3A_298 = arith.addi %mul3A_296, %add3A_297 : i32
    %jit3A_299 = arith.constant 4 : i32
    %div3A_300 = arith.divsi %add3A_298, %jit3A_299 : i32
    %sign3A_301 = arith.constant 0 : i32
    %sign3A_302 = arith.cmpi sgt, %add3A_298, %sign3A_301 : i32
    %sign3A_303 = arith.extui %sign3A_302 : i1 to i32
    %sign3A_304 = arith.constant 0 : i32
    %sign3A_305 = arith.cmpi slt, %add3A_298, %sign3A_304 : i32
    %sign3A_306 = arith.extui %sign3A_305 : i1 to i32
    %sign3A_307 = arith.subi %sign3A_303, %sign3A_306 : i32
    %sign3A_308 = arith.constant 0 : i32
    %sign3A_309 = arith.cmpi sgt, %jit3A_299, %sign3A_308 : i32
    %sign3A_310 = arith.extui %sign3A_309 : i1 to i32
    %sign3A_311 = arith.constant 0 : i32
    %sign3A_312 = arith.cmpi slt, %jit3A_299, %sign3A_311 : i32
    %sign3A_313 = arith.extui %sign3A_312 : i1 to i32
    %sign3A_314 = arith.subi %sign3A_310, %sign3A_313 : i32
    %ne3A_315 = arith.cmpi ne, %sign3A_307, %sign3A_314 : i32
    %rem3A_316 = arith.remsi %add3A_298, %jit3A_299 : i32
    %ne3A_317 = arith.constant 0 : i32
    %ne3A_318 = arith.cmpi ne, %rem3A_316, %ne3A_317 : i32
    %and3A_319 = arith.andi %ne3A_315, %ne3A_318 : i1
    %sub3A_320 = arith.constant 1 : i32
    %sub3A_321 = arith.subi %div3A_300, %sub3A_320 : i32
    %select_n3A_322 = arith.select %and3A_319, %sub3A_321, %div3A_300 : i32
    %jit3A_323 = arith.constant 4 : i32
    %eq3A_324 = arith.constant 0 : i32
    %eq3A_325 = arith.cmpi eq, %jit3A_323, %eq3A_324 : i32
    %jit3A_326 = arith.constant 1 : i32
    %select_n3A_327 = arith.select %eq3A_325, %jit3A_326, %jit3A_323 : i32
    %rem3A_328 = arith.remsi %add3A_298, %select_n3A_327 : i32
    %ne3A_329 = arith.constant 0 : i32
    %ne3A_330 = arith.cmpi ne, %rem3A_328, %ne3A_329 : i32
    %lt3A_331 = arith.constant 0 : i32
    %lt3A_332 = arith.cmpi slt, %rem3A_328, %lt3A_331 : i32
    %lt3A_333 = arith.constant 0 : i32
    %lt3A_334 = arith.cmpi slt, %select_n3A_327, %lt3A_333 : i32
    %ne3A_335 = arith.xori %lt3A_332, %lt3A_334 : i1
    %and3A_336 = arith.andi %ne3A_335, %ne3A_330 : i1
    %add3A_337 = arith.addi %rem3A_328, %select_n3A_327 : i32
    %select_n3A_338 = arith.select %and3A_336, %add3A_337, %rem3A_328 : i32
    "tpu.region"() ({
      %run_scoped3A_543 = tpu.sem_alloc : memref<!tpu.dma_semaphore, #tpu.memory_space<semaphore_mem>>
      tpu.enqueue_dma source(%arg5 : memref<65536xf32, #tpu.memory_space<hbm>>) target(%arg11 : memref<65536xf32, #tpu.memory_space<vmem>>) target_semaphore(%run_scoped3A_543 : memref<!tpu.dma_semaphore, #tpu.memory_space<semaphore_mem>>)
      tpu.wait_dma2 semaphore(%run_scoped3A_543 : memref<!tpu.dma_semaphore, #tpu.memory_space<semaphore_mem>>) src(%arg5 : memref<65536xf32, #tpu.memory_space<hbm>>) dst(%arg11 : memref<65536xf32, #tpu.memory_space<vmem>>)
      tpu.yield
    }) : () -> ()
    %scan3A_339 = arith.constant 0 : i32
    %scan3A_340 = arith.constant 0 : i32
    %scan3A_341 = arith.constant 125 : i32
    %scan3A_342 = arith.addi %scan3A_340, %scan3A_341 : i32
    %scan3A_343 = arith.constant 1 : i32
    scf.for %scan3A_543 = %scan3A_340 to %scan3A_342 step %scan3A_343  : i32 {
      %mul3A_544 = arith.constant 16 : i32
      %mul3A_545 = arith.muli %scan3A_543, %mul3A_544 : i32
      %get3A = arith.index_cast %mul3A_545 : i32 to index
      %get3A_546 = tpu.vector_load %arg7[%get3A] {strides = array<i32>} : memref<2000xi32, #tpu.memory_space<vmem>>, vector<16xi32>,
      %mul3A_547 = arith.constant 16 : i32
      %mul3A_548 = arith.muli %scan3A_543, %mul3A_547 : i32
      %get3A_549 = arith.index_cast %mul3A_548 : i32 to index
      %get3A_550 = tpu.vector_load %arg8[%get3A_549] {strides = array<i32>} : memref<2000xi32, #tpu.memory_space<vmem>>, vector<16xi32>,
      %mul3A_551 = arith.constant 8 : i32
      %mul3A_552 = vector.broadcast %mul3A_551 : i32 to vector<16xi32>
      %mul3A_553 = arith.muli %get3A_546, %mul3A_552 : vector<16xi32>
      %add3A_554 = vector.broadcast %select_n3A_322 : i32 to vector<16xi32>
      %add3A_555 = arith.addi %mul3A_553, %add3A_554 : vector<16xi32>
      %gather3A = tpu.vector_load_idx %arg9[%add3A_555] : memref<4096xf32, #tpu.memory_space<vmem>>[vector<16xi32>], vector<16xf32>,
      %mul3A_556 = arith.constant 8 : i32
      %mul3A_557 = vector.broadcast %mul3A_556 : i32 to vector<16xi32>
      %mul3A_558 = arith.muli %get3A_550, %mul3A_557 : vector<16xi32>
      %add3A_559 = vector.broadcast %select_n3A_322 : i32 to vector<16xi32>
      %add3A_560 = arith.addi %mul3A_558, %add3A_559 : vector<16xi32>
      %gather3A_561 = tpu.vector_load_idx %arg10[%add3A_560] : memref<4096xf32, #tpu.memory_space<vmem>>[vector<16xi32>], vector<16xf32>,
      %add3A_562 = arith.addf %gather3A, %gather3A_561 : vector<16xf32>
      %gt3A = arith.constant 0.000000e+00 : f32
      %gt3A_563 = vector.broadcast %gt3A : f32 to vector<16xf32>
      %gt3A_564 = arith.cmpf ogt, %add3A_562, %gt3A_563 : vector<16xf32>
      %mul3A_565 = arith.constant 2.000000e-01 : f32
      %mul3A_566 = vector.broadcast %mul3A_565 : f32 to vector<16xf32>
      %mul3A_567 = arith.mulf %mul3A_566, %add3A_562 : vector<16xf32>
      %select_n3A_568 = arith.select %gt3A_564, %add3A_562, %mul3A_567 : vector<16xi1>, vector<16xf32>
      %exp3A = math.exp %select_n3A_568 : vector<16xf32>
      %mul3A_569 = arith.constant 128 : i32
      %mul3A_570 = arith.muli %select_n3A_338, %mul3A_569 : i32
      %sub3A_571 = vector.broadcast %mul3A_570 : i32 to vector<16xi32>
      %sub3A_572 = arith.subi %get3A_546, %sub3A_571 : vector<16xi32>
      %ge3A = arith.constant 0 : i32
      %ge3A_573 = vector.broadcast %ge3A : i32 to vector<16xi32>
      %ge3A_574 = arith.cmpi sge, %sub3A_572, %ge3A_573 : vector<16xi32>
      %lt3A_575 = arith.constant 128 : i32
      %lt3A_576 = vector.broadcast %lt3A_575 : i32 to vector<16xi32>
      %lt3A_577 = arith.cmpi slt, %sub3A_572, %lt3A_576 : vector<16xi32>
      %and3A_578 = arith.andi %ge3A_574, %lt3A_577 : vector<16xi1>
      %mul3A_579 = arith.constant 128 : i32
      %mul3A_580 = vector.broadcast %mul3A_579 : i32 to vector<16xi32>
      %mul3A_581 = arith.muli %get3A_550, %mul3A_580 : vector<16xi32>
      %add3A_582 = arith.addi %mul3A_581, %sub3A_572 : vector<16xi32>
      %jit3A_583 = arith.constant 0 : i32
      %broadcast_in_dim3A = vector.broadcast %jit3A_583 : i32 to vector<16xi32>
      %select_n3A_584 = arith.select %and3A_578, %add3A_582, %broadcast_in_dim3A : vector<16xi1>, vector<16xi32>
      tpu.vector_store_idx %arg11[%select_n3A_584], %exp3A masked %and3A_578 {add = true} : memref<65536xf32, #tpu.memory_space<vmem>>[vector<16xi32>], vector<16xf32>, vector<16xi1>
    }
    %scan3A_344 = arith.constant 125 : i32
    "tpu.region"() ({
      %run_scoped3A_543 = tpu.sem_alloc : memref<!tpu.dma_semaphore, #tpu.memory_space<semaphore_mem>>
      %dma_start3A = arith.constant 0 : i32
      %dma_start3A_544 = tpu.memref_slice %arg6[%select_n3A, %select_n3A_322, %select_n3A_338, %dma_start3A] : memref<8x8x4x65536xf32, #tpu.memory_space<hbm>> -> memref<1x1x1x65536xf32, #tpu.memory_space<hbm>>
      %dma_start3A_545 = tpu.memref_squeeze %dma_start3A_544 : memref<1x1x1x65536xf32, #tpu.memory_space<hbm>> -> memref<65536xf32, #tpu.memory_space<hbm>>
      %dma_start3A_546 = arith.constant 0 : i32
      %dma_start3A_547 = tpu.memref_slice %arg6[%select_n3A, %select_n3A_322, %select_n3A_338, %dma_start3A_546] : memref<8x8x4x65536xf32, #tpu.memory_space<hbm>> -> memref<1x1x1x65536xf32, #tpu.memory_space<hbm>>
      %dma_start3A_548 = tpu.memref_squeeze %dma_start3A_547 : memref<1x1x1x65536xf32, #tpu.memory_space<hbm>> -> memref<65536xf32, #tpu.memory_space<hbm>>
      tpu.enqueue_dma source(%arg11 : memref<65536xf32, #tpu.memory_space<vmem>>) target(%dma_start3A_548 : memref<65536xf32, #tpu.memory_space<hbm>>) target_semaphore(%run_scoped3A_543 : memref<!tpu.dma_semaphore, #tpu.memory_space<semaphore_mem>>)
      %dma_wait3A = arith.constant 0 : i32
      %dma_wait3A_549 = tpu.memref_slice %arg6[%select_n3A, %select_n3A_322, %select_n3A_338, %dma_wait3A] : memref<8x8x4x65536xf32, #tpu.memory_space<hbm>> -> memref<1x1x1x65536xf32, #tpu.memory_space<hbm>>
      %dma_wait3A_550 = tpu.memref_squeeze %dma_wait3A_549 : memref<1x1x1x65536xf32, #tpu.memory_space<hbm>> -> memref<65536xf32, #tpu.memory_space<hbm>>
      %dma_wait3A_551 = arith.constant 0 : i32
      %dma_wait3A_552 = tpu.memref_slice %arg6[%select_n3A, %select_n3A_322, %select_n3A_338, %dma_wait3A_551] : memref<8x8x4x65536xf32, #tpu.memory_space<hbm>> -> memref<1x1x1x65536xf32, #tpu.memory_space<hbm>>
      %dma_wait3A_553 = tpu.memref_squeeze %dma_wait3A_552 : memref<1x1x1x65536xf32, #tpu.memory_space<hbm>> -> memref<65536xf32, #tpu.memory_space<hbm>>
      tpu.wait_dma2 semaphore(%run_scoped3A_543 : memref<!tpu.dma_semaphore, #tpu.memory_space<semaphore_mem>>) src(%arg11 : memref<65536xf32, #tpu.memory_space<vmem>>) dst(%dma_wait3A_553 : memref<65536xf32, #tpu.memory_space<hbm>>)
      tpu.yield
    }) : () -> ()
    %jit3A_345 = arith.constant 4 : i32
    %eq3A_346 = arith.constant 0 : i32
    %eq3A_347 = arith.cmpi eq, %jit3A_345, %eq3A_346 : i32
    %jit3A_348 = arith.constant 1 : i32
    %select_n3A_349 = arith.select %eq3A_347, %jit3A_348, %jit3A_345 : i32
    %rem3A_350 = arith.remsi %add3A, %select_n3A_349 : i32
    %ne3A_351 = arith.constant 0 : i32
    %ne3A_352 = arith.cmpi ne, %rem3A_350, %ne3A_351 : i32
    %lt3A_353 = arith.constant 0 : i32
    %lt3A_354 = arith.cmpi slt, %rem3A_350, %lt3A_353 : i32
    %lt3A_355 = arith.constant 0 : i32
    %lt3A_356 = arith.cmpi slt, %select_n3A_349, %lt3A_355 : i32
    %ne3A_357 = arith.xori %lt3A_354, %lt3A_356 : i1
    %and3A_358 = arith.andi %ne3A_357, %ne3A_352 : i1
    %add3A_359 = arith.addi %rem3A_350, %select_n3A_349 : i32
    %select_n3A_360 = arith.select %and3A_358, %add3A_359, %rem3A_350 : i32
    %mul3A_361 = arith.constant 8 : i32
    %mul3A_362 = arith.muli %select_n3A_360, %mul3A_361 : i32
    %add3A_363 = arith.constant 5 : i32
    %add3A_364 = arith.addi %mul3A_362, %add3A_363 : i32
    %jit3A_365 = arith.constant 4 : i32
    %div3A_366 = arith.divsi %add3A_364, %jit3A_365 : i32
    %sign3A_367 = arith.constant 0 : i32
    %sign3A_368 = arith.cmpi sgt, %add3A_364, %sign3A_367 : i32
    %sign3A_369 = arith.extui %sign3A_368 : i1 to i32
    %sign3A_370 = arith.constant 0 : i32
    %sign3A_371 = arith.cmpi slt, %add3A_364, %sign3A_370 : i32
    %sign3A_372 = arith.extui %sign3A_371 : i1 to i32
    %sign3A_373 = arith.subi %sign3A_369, %sign3A_372 : i32
    %sign3A_374 = arith.constant 0 : i32
    %sign3A_375 = arith.cmpi sgt, %jit3A_365, %sign3A_374 : i32
    %sign3A_376 = arith.extui %sign3A_375 : i1 to i32
    %sign3A_377 = arith.constant 0 : i32
    %sign3A_378 = arith.cmpi slt, %jit3A_365, %sign3A_377 : i32
    %sign3A_379 = arith.extui %sign3A_378 : i1 to i32
    %sign3A_380 = arith.subi %sign3A_376, %sign3A_379 : i32
    %ne3A_381 = arith.cmpi ne, %sign3A_373, %sign3A_380 : i32
    %rem3A_382 = arith.remsi %add3A_364, %jit3A_365 : i32
    %ne3A_383 = arith.constant 0 : i32
    %ne3A_384 = arith.cmpi ne, %rem3A_382, %ne3A_383 : i32
    %and3A_385 = arith.andi %ne3A_381, %ne3A_384 : i1
    %sub3A_386 = arith.constant 1 : i32
    %sub3A_387 = arith.subi %div3A_366, %sub3A_386 : i32
    %select_n3A_388 = arith.select %and3A_385, %sub3A_387, %div3A_366 : i32
    %jit3A_389 = arith.constant 4 : i32
    %eq3A_390 = arith.constant 0 : i32
    %eq3A_391 = arith.cmpi eq, %jit3A_389, %eq3A_390 : i32
    %jit3A_392 = arith.constant 1 : i32
    %select_n3A_393 = arith.select %eq3A_391, %jit3A_392, %jit3A_389 : i32
    %rem3A_394 = arith.remsi %add3A_364, %select_n3A_393 : i32
    %ne3A_395 = arith.constant 0 : i32
    %ne3A_396 = arith.cmpi ne, %rem3A_394, %ne3A_395 : i32
    %lt3A_397 = arith.constant 0 : i32
    %lt3A_398 = arith.cmpi slt, %rem3A_394, %lt3A_397 : i32
    %lt3A_399 = arith.constant 0 : i32
    %lt3A_400 = arith.cmpi slt, %select_n3A_393, %lt3A_399 : i32
    %ne3A_401 = arith.xori %lt3A_398, %lt3A_400 : i1
    %and3A_402 = arith.andi %ne3A_401, %ne3A_396 : i1
    %add3A_403 = arith.addi %rem3A_394, %select_n3A_393 : i32
    %select_n3A_404 = arith.select %and3A_402, %add3A_403, %rem3A_394 : i32
    "tpu.region"() ({
      %run_scoped3A_543 = tpu.sem_alloc : memref<!tpu.dma_semaphore, #tpu.memory_space<semaphore_mem>>
      tpu.enqueue_dma source(%arg5 : memref<65536xf32, #tpu.memory_space<hbm>>) target(%arg11 : memref<65536xf32, #tpu.memory_space<vmem>>) target_semaphore(%run_scoped3A_543 : memref<!tpu.dma_semaphore, #tpu.memory_space<semaphore_mem>>)
      tpu.wait_dma2 semaphore(%run_scoped3A_543 : memref<!tpu.dma_semaphore, #tpu.memory_space<semaphore_mem>>) src(%arg5 : memref<65536xf32, #tpu.memory_space<hbm>>) dst(%arg11 : memref<65536xf32, #tpu.memory_space<vmem>>)
      tpu.yield
    }) : () -> ()
    %scan3A_405 = arith.constant 0 : i32
    %scan3A_406 = arith.constant 0 : i32
    %scan3A_407 = arith.constant 125 : i32
    %scan3A_408 = arith.addi %scan3A_406, %scan3A_407 : i32
    %scan3A_409 = arith.constant 1 : i32
    scf.for %scan3A_543 = %scan3A_406 to %scan3A_408 step %scan3A_409  : i32 {
      %mul3A_544 = arith.constant 16 : i32
      %mul3A_545 = arith.muli %scan3A_543, %mul3A_544 : i32
      %get3A = arith.index_cast %mul3A_545 : i32 to index
      %get3A_546 = tpu.vector_load %arg7[%get3A] {strides = array<i32>} : memref<2000xi32, #tpu.memory_space<vmem>>, vector<16xi32>,
      %mul3A_547 = arith.constant 16 : i32
      %mul3A_548 = arith.muli %scan3A_543, %mul3A_547 : i32
      %get3A_549 = arith.index_cast %mul3A_548 : i32 to index
      %get3A_550 = tpu.vector_load %arg8[%get3A_549] {strides = array<i32>} : memref<2000xi32, #tpu.memory_space<vmem>>, vector<16xi32>,
      %mul3A_551 = arith.constant 8 : i32
      %mul3A_552 = vector.broadcast %mul3A_551 : i32 to vector<16xi32>
      %mul3A_553 = arith.muli %get3A_546, %mul3A_552 : vector<16xi32>
      %add3A_554 = vector.broadcast %select_n3A_388 : i32 to vector<16xi32>
      %add3A_555 = arith.addi %mul3A_553, %add3A_554 : vector<16xi32>
      %gather3A = tpu.vector_load_idx %arg9[%add3A_555] : memref<4096xf32, #tpu.memory_space<vmem>>[vector<16xi32>], vector<16xf32>,
      %mul3A_556 = arith.constant 8 : i32
      %mul3A_557 = vector.broadcast %mul3A_556 : i32 to vector<16xi32>
      %mul3A_558 = arith.muli %get3A_550, %mul3A_557 : vector<16xi32>
      %add3A_559 = vector.broadcast %select_n3A_388 : i32 to vector<16xi32>
      %add3A_560 = arith.addi %mul3A_558, %add3A_559 : vector<16xi32>
      %gather3A_561 = tpu.vector_load_idx %arg10[%add3A_560] : memref<4096xf32, #tpu.memory_space<vmem>>[vector<16xi32>], vector<16xf32>,
      %add3A_562 = arith.addf %gather3A, %gather3A_561 : vector<16xf32>
      %gt3A = arith.constant 0.000000e+00 : f32
      %gt3A_563 = vector.broadcast %gt3A : f32 to vector<16xf32>
      %gt3A_564 = arith.cmpf ogt, %add3A_562, %gt3A_563 : vector<16xf32>
      %mul3A_565 = arith.constant 2.000000e-01 : f32
      %mul3A_566 = vector.broadcast %mul3A_565 : f32 to vector<16xf32>
      %mul3A_567 = arith.mulf %mul3A_566, %add3A_562 : vector<16xf32>
      %select_n3A_568 = arith.select %gt3A_564, %add3A_562, %mul3A_567 : vector<16xi1>, vector<16xf32>
      %exp3A = math.exp %select_n3A_568 : vector<16xf32>
      %mul3A_569 = arith.constant 128 : i32
      %mul3A_570 = arith.muli %select_n3A_404, %mul3A_569 : i32
      %sub3A_571 = vector.broadcast %mul3A_570 : i32 to vector<16xi32>
      %sub3A_572 = arith.subi %get3A_546, %sub3A_571 : vector<16xi32>
      %ge3A = arith.constant 0 : i32
      %ge3A_573 = vector.broadcast %ge3A : i32 to vector<16xi32>
      %ge3A_574 = arith.cmpi sge, %sub3A_572, %ge3A_573 : vector<16xi32>
      %lt3A_575 = arith.constant 128 : i32
      %lt3A_576 = vector.broadcast %lt3A_575 : i32 to vector<16xi32>
      %lt3A_577 = arith.cmpi slt, %sub3A_572, %lt3A_576 : vector<16xi32>
      %and3A_578 = arith.andi %ge3A_574, %lt3A_577 : vector<16xi1>
      %mul3A_579 = arith.constant 128 : i32
      %mul3A_580 = vector.broadcast %mul3A_579 : i32 to vector<16xi32>
      %mul3A_581 = arith.muli %get3A_550, %mul3A_580 : vector<16xi32>
      %add3A_582 = arith.addi %mul3A_581, %sub3A_572 : vector<16xi32>
      %jit3A_583 = arith.constant 0 : i32
      %broadcast_in_dim3A = vector.broadcast %jit3A_583 : i32 to vector<16xi32>
      %select_n3A_584 = arith.select %and3A_578, %add3A_582, %broadcast_in_dim3A : vector<16xi1>, vector<16xi32>
      tpu.vector_store_idx %arg11[%select_n3A_584], %exp3A masked %and3A_578 {add = true} : memref<65536xf32, #tpu.memory_space<vmem>>[vector<16xi32>], vector<16xf32>, vector<16xi1>
    }
    %scan3A_410 = arith.constant 125 : i32
    "tpu.region"() ({
      %run_scoped3A_543 = tpu.sem_alloc : memref<!tpu.dma_semaphore, #tpu.memory_space<semaphore_mem>>
      %dma_start3A = arith.constant 0 : i32
      %dma_start3A_544 = tpu.memref_slice %arg6[%select_n3A, %select_n3A_388, %select_n3A_404, %dma_start3A] : memref<8x8x4x65536xf32, #tpu.memory_space<hbm>> -> memref<1x1x1x65536xf32, #tpu.memory_space<hbm>>
      %dma_start3A_545 = tpu.memref_squeeze %dma_start3A_544 : memref<1x1x1x65536xf32, #tpu.memory_space<hbm>> -> memref<65536xf32, #tpu.memory_space<hbm>>
      %dma_start3A_546 = arith.constant 0 : i32
      %dma_start3A_547 = tpu.memref_slice %arg6[%select_n3A, %select_n3A_388, %select_n3A_404, %dma_start3A_546] : memref<8x8x4x65536xf32, #tpu.memory_space<hbm>> -> memref<1x1x1x65536xf32, #tpu.memory_space<hbm>>
      %dma_start3A_548 = tpu.memref_squeeze %dma_start3A_547 : memref<1x1x1x65536xf32, #tpu.memory_space<hbm>> -> memref<65536xf32, #tpu.memory_space<hbm>>
      tpu.enqueue_dma source(%arg11 : memref<65536xf32, #tpu.memory_space<vmem>>) target(%dma_start3A_548 : memref<65536xf32, #tpu.memory_space<hbm>>) target_semaphore(%run_scoped3A_543 : memref<!tpu.dma_semaphore, #tpu.memory_space<semaphore_mem>>)
      %dma_wait3A = arith.constant 0 : i32
      %dma_wait3A_549 = tpu.memref_slice %arg6[%select_n3A, %select_n3A_388, %select_n3A_404, %dma_wait3A] : memref<8x8x4x65536xf32, #tpu.memory_space<hbm>> -> memref<1x1x1x65536xf32, #tpu.memory_space<hbm>>
      %dma_wait3A_550 = tpu.memref_squeeze %dma_wait3A_549 : memref<1x1x1x65536xf32, #tpu.memory_space<hbm>> -> memref<65536xf32, #tpu.memory_space<hbm>>
      %dma_wait3A_551 = arith.constant 0 : i32
      %dma_wait3A_552 = tpu.memref_slice %arg6[%select_n3A, %select_n3A_388, %select_n3A_404, %dma_wait3A_551] : memref<8x8x4x65536xf32, #tpu.memory_space<hbm>> -> memref<1x1x1x65536xf32, #tpu.memory_space<hbm>>
      %dma_wait3A_553 = tpu.memref_squeeze %dma_wait3A_552 : memref<1x1x1x65536xf32, #tpu.memory_space<hbm>> -> memref<65536xf32, #tpu.memory_space<hbm>>
      tpu.wait_dma2 semaphore(%run_scoped3A_543 : memref<!tpu.dma_semaphore, #tpu.memory_space<semaphore_mem>>) src(%arg11 : memref<65536xf32, #tpu.memory_space<vmem>>) dst(%dma_wait3A_553 : memref<65536xf32, #tpu.memory_space<hbm>>)
      tpu.yield
    }) : () -> ()
    %jit3A_411 = arith.constant 4 : i32
    %eq3A_412 = arith.constant 0 : i32
    %eq3A_413 = arith.cmpi eq, %jit3A_411, %eq3A_412 : i32
    %jit3A_414 = arith.constant 1 : i32
    %select_n3A_415 = arith.select %eq3A_413, %jit3A_414, %jit3A_411 : i32
    %rem3A_416 = arith.remsi %add3A, %select_n3A_415 : i32
    %ne3A_417 = arith.constant 0 : i32
    %ne3A_418 = arith.cmpi ne, %rem3A_416, %ne3A_417 : i32
    %lt3A_419 = arith.constant 0 : i32
    %lt3A_420 = arith.cmpi slt, %rem3A_416, %lt3A_419 : i32
    %lt3A_421 = arith.constant 0 : i32
    %lt3A_422 = arith.cmpi slt, %select_n3A_415, %lt3A_421 : i32
    %ne3A_423 = arith.xori %lt3A_420, %lt3A_422 : i1
    %and3A_424 = arith.andi %ne3A_423, %ne3A_418 : i1
    %add3A_425 = arith.addi %rem3A_416, %select_n3A_415 : i32
    %select_n3A_426 = arith.select %and3A_424, %add3A_425, %rem3A_416 : i32
    %mul3A_427 = arith.constant 8 : i32
    %mul3A_428 = arith.muli %select_n3A_426, %mul3A_427 : i32
    %add3A_429 = arith.constant 6 : i32
    %add3A_430 = arith.addi %mul3A_428, %add3A_429 : i32
    %jit3A_431 = arith.constant 4 : i32
    %div3A_432 = arith.divsi %add3A_430, %jit3A_431 : i32
    %sign3A_433 = arith.constant 0 : i32
    %sign3A_434 = arith.cmpi sgt, %add3A_430, %sign3A_433 : i32
    %sign3A_435 = arith.extui %sign3A_434 : i1 to i32
    %sign3A_436 = arith.constant 0 : i32
    %sign3A_437 = arith.cmpi slt, %add3A_430, %sign3A_436 : i32
    %sign3A_438 = arith.extui %sign3A_437 : i1 to i32
    %sign3A_439 = arith.subi %sign3A_435, %sign3A_438 : i32
    %sign3A_440 = arith.constant 0 : i32
    %sign3A_441 = arith.cmpi sgt, %jit3A_431, %sign3A_440 : i32
    %sign3A_442 = arith.extui %sign3A_441 : i1 to i32
    %sign3A_443 = arith.constant 0 : i32
    %sign3A_444 = arith.cmpi slt, %jit3A_431, %sign3A_443 : i32
    %sign3A_445 = arith.extui %sign3A_444 : i1 to i32
    %sign3A_446 = arith.subi %sign3A_442, %sign3A_445 : i32
    %ne3A_447 = arith.cmpi ne, %sign3A_439, %sign3A_446 : i32
    %rem3A_448 = arith.remsi %add3A_430, %jit3A_431 : i32
    %ne3A_449 = arith.constant 0 : i32
    %ne3A_450 = arith.cmpi ne, %rem3A_448, %ne3A_449 : i32
    %and3A_451 = arith.andi %ne3A_447, %ne3A_450 : i1
    %sub3A_452 = arith.constant 1 : i32
    %sub3A_453 = arith.subi %div3A_432, %sub3A_452 : i32
    %select_n3A_454 = arith.select %and3A_451, %sub3A_453, %div3A_432 : i32
    %jit3A_455 = arith.constant 4 : i32
    %eq3A_456 = arith.constant 0 : i32
    %eq3A_457 = arith.cmpi eq, %jit3A_455, %eq3A_456 : i32
    %jit3A_458 = arith.constant 1 : i32
    %select_n3A_459 = arith.select %eq3A_457, %jit3A_458, %jit3A_455 : i32
    %rem3A_460 = arith.remsi %add3A_430, %select_n3A_459 : i32
    %ne3A_461 = arith.constant 0 : i32
    %ne3A_462 = arith.cmpi ne, %rem3A_460, %ne3A_461 : i32
    %lt3A_463 = arith.constant 0 : i32
    %lt3A_464 = arith.cmpi slt, %rem3A_460, %lt3A_463 : i32
    %lt3A_465 = arith.constant 0 : i32
    %lt3A_466 = arith.cmpi slt, %select_n3A_459, %lt3A_465 : i32
    %ne3A_467 = arith.xori %lt3A_464, %lt3A_466 : i1
    %and3A_468 = arith.andi %ne3A_467, %ne3A_462 : i1
    %add3A_469 = arith.addi %rem3A_460, %select_n3A_459 : i32
    %select_n3A_470 = arith.select %and3A_468, %add3A_469, %rem3A_460 : i32
    "tpu.region"() ({
      %run_scoped3A_543 = tpu.sem_alloc : memref<!tpu.dma_semaphore, #tpu.memory_space<semaphore_mem>>
      tpu.enqueue_dma source(%arg5 : memref<65536xf32, #tpu.memory_space<hbm>>) target(%arg11 : memref<65536xf32, #tpu.memory_space<vmem>>) target_semaphore(%run_scoped3A_543 : memref<!tpu.dma_semaphore, #tpu.memory_space<semaphore_mem>>)
      tpu.wait_dma2 semaphore(%run_scoped3A_543 : memref<!tpu.dma_semaphore, #tpu.memory_space<semaphore_mem>>) src(%arg5 : memref<65536xf32, #tpu.memory_space<hbm>>) dst(%arg11 : memref<65536xf32, #tpu.memory_space<vmem>>)
      tpu.yield
    }) : () -> ()
    %scan3A_471 = arith.constant 0 : i32
    %scan3A_472 = arith.constant 0 : i32
    %scan3A_473 = arith.constant 125 : i32
    %scan3A_474 = arith.addi %scan3A_472, %scan3A_473 : i32
    %scan3A_475 = arith.constant 1 : i32
    scf.for %scan3A_543 = %scan3A_472 to %scan3A_474 step %scan3A_475  : i32 {
      %mul3A_544 = arith.constant 16 : i32
      %mul3A_545 = arith.muli %scan3A_543, %mul3A_544 : i32
      %get3A = arith.index_cast %mul3A_545 : i32 to index
      %get3A_546 = tpu.vector_load %arg7[%get3A] {strides = array<i32>} : memref<2000xi32, #tpu.memory_space<vmem>>, vector<16xi32>,
      %mul3A_547 = arith.constant 16 : i32
      %mul3A_548 = arith.muli %scan3A_543, %mul3A_547 : i32
      %get3A_549 = arith.index_cast %mul3A_548 : i32 to index
      %get3A_550 = tpu.vector_load %arg8[%get3A_549] {strides = array<i32>} : memref<2000xi32, #tpu.memory_space<vmem>>, vector<16xi32>,
      %mul3A_551 = arith.constant 8 : i32
      %mul3A_552 = vector.broadcast %mul3A_551 : i32 to vector<16xi32>
      %mul3A_553 = arith.muli %get3A_546, %mul3A_552 : vector<16xi32>
      %add3A_554 = vector.broadcast %select_n3A_454 : i32 to vector<16xi32>
      %add3A_555 = arith.addi %mul3A_553, %add3A_554 : vector<16xi32>
      %gather3A = tpu.vector_load_idx %arg9[%add3A_555] : memref<4096xf32, #tpu.memory_space<vmem>>[vector<16xi32>], vector<16xf32>,
      %mul3A_556 = arith.constant 8 : i32
      %mul3A_557 = vector.broadcast %mul3A_556 : i32 to vector<16xi32>
      %mul3A_558 = arith.muli %get3A_550, %mul3A_557 : vector<16xi32>
      %add3A_559 = vector.broadcast %select_n3A_454 : i32 to vector<16xi32>
      %add3A_560 = arith.addi %mul3A_558, %add3A_559 : vector<16xi32>
      %gather3A_561 = tpu.vector_load_idx %arg10[%add3A_560] : memref<4096xf32, #tpu.memory_space<vmem>>[vector<16xi32>], vector<16xf32>,
      %add3A_562 = arith.addf %gather3A, %gather3A_561 : vector<16xf32>
      %gt3A = arith.constant 0.000000e+00 : f32
      %gt3A_563 = vector.broadcast %gt3A : f32 to vector<16xf32>
      %gt3A_564 = arith.cmpf ogt, %add3A_562, %gt3A_563 : vector<16xf32>
      %mul3A_565 = arith.constant 2.000000e-01 : f32
      %mul3A_566 = vector.broadcast %mul3A_565 : f32 to vector<16xf32>
      %mul3A_567 = arith.mulf %mul3A_566, %add3A_562 : vector<16xf32>
      %select_n3A_568 = arith.select %gt3A_564, %add3A_562, %mul3A_567 : vector<16xi1>, vector<16xf32>
      %exp3A = math.exp %select_n3A_568 : vector<16xf32>
      %mul3A_569 = arith.constant 128 : i32
      %mul3A_570 = arith.muli %select_n3A_470, %mul3A_569 : i32
      %sub3A_571 = vector.broadcast %mul3A_570 : i32 to vector<16xi32>
      %sub3A_572 = arith.subi %get3A_546, %sub3A_571 : vector<16xi32>
      %ge3A = arith.constant 0 : i32
      %ge3A_573 = vector.broadcast %ge3A : i32 to vector<16xi32>
      %ge3A_574 = arith.cmpi sge, %sub3A_572, %ge3A_573 : vector<16xi32>
      %lt3A_575 = arith.constant 128 : i32
      %lt3A_576 = vector.broadcast %lt3A_575 : i32 to vector<16xi32>
      %lt3A_577 = arith.cmpi slt, %sub3A_572, %lt3A_576 : vector<16xi32>
      %and3A_578 = arith.andi %ge3A_574, %lt3A_577 : vector<16xi1>
      %mul3A_579 = arith.constant 128 : i32
      %mul3A_580 = vector.broadcast %mul3A_579 : i32 to vector<16xi32>
      %mul3A_581 = arith.muli %get3A_550, %mul3A_580 : vector<16xi32>
      %add3A_582 = arith.addi %mul3A_581, %sub3A_572 : vector<16xi32>
      %jit3A_583 = arith.constant 0 : i32
      %broadcast_in_dim3A = vector.broadcast %jit3A_583 : i32 to vector<16xi32>
      %select_n3A_584 = arith.select %and3A_578, %add3A_582, %broadcast_in_dim3A : vector<16xi1>, vector<16xi32>
      tpu.vector_store_idx %arg11[%select_n3A_584], %exp3A masked %and3A_578 {add = true} : memref<65536xf32, #tpu.memory_space<vmem>>[vector<16xi32>], vector<16xf32>, vector<16xi1>
    }
    %scan3A_476 = arith.constant 125 : i32
    "tpu.region"() ({
      %run_scoped3A_543 = tpu.sem_alloc : memref<!tpu.dma_semaphore, #tpu.memory_space<semaphore_mem>>
      %dma_start3A = arith.constant 0 : i32
      %dma_start3A_544 = tpu.memref_slice %arg6[%select_n3A, %select_n3A_454, %select_n3A_470, %dma_start3A] : memref<8x8x4x65536xf32, #tpu.memory_space<hbm>> -> memref<1x1x1x65536xf32, #tpu.memory_space<hbm>>
      %dma_start3A_545 = tpu.memref_squeeze %dma_start3A_544 : memref<1x1x1x65536xf32, #tpu.memory_space<hbm>> -> memref<65536xf32, #tpu.memory_space<hbm>>
      %dma_start3A_546 = arith.constant 0 : i32
      %dma_start3A_547 = tpu.memref_slice %arg6[%select_n3A, %select_n3A_454, %select_n3A_470, %dma_start3A_546] : memref<8x8x4x65536xf32, #tpu.memory_space<hbm>> -> memref<1x1x1x65536xf32, #tpu.memory_space<hbm>>
      %dma_start3A_548 = tpu.memref_squeeze %dma_start3A_547 : memref<1x1x1x65536xf32, #tpu.memory_space<hbm>> -> memref<65536xf32, #tpu.memory_space<hbm>>
      tpu.enqueue_dma source(%arg11 : memref<65536xf32, #tpu.memory_space<vmem>>) target(%dma_start3A_548 : memref<65536xf32, #tpu.memory_space<hbm>>) target_semaphore(%run_scoped3A_543 : memref<!tpu.dma_semaphore, #tpu.memory_space<semaphore_mem>>)
      %dma_wait3A = arith.constant 0 : i32
      %dma_wait3A_549 = tpu.memref_slice %arg6[%select_n3A, %select_n3A_454, %select_n3A_470, %dma_wait3A] : memref<8x8x4x65536xf32, #tpu.memory_space<hbm>> -> memref<1x1x1x65536xf32, #tpu.memory_space<hbm>>
      %dma_wait3A_550 = tpu.memref_squeeze %dma_wait3A_549 : memref<1x1x1x65536xf32, #tpu.memory_space<hbm>> -> memref<65536xf32, #tpu.memory_space<hbm>>
      %dma_wait3A_551 = arith.constant 0 : i32
      %dma_wait3A_552 = tpu.memref_slice %arg6[%select_n3A, %select_n3A_454, %select_n3A_470, %dma_wait3A_551] : memref<8x8x4x65536xf32, #tpu.memory_space<hbm>> -> memref<1x1x1x65536xf32, #tpu.memory_space<hbm>>
      %dma_wait3A_553 = tpu.memref_squeeze %dma_wait3A_552 : memref<1x1x1x65536xf32, #tpu.memory_space<hbm>> -> memref<65536xf32, #tpu.memory_space<hbm>>
      tpu.wait_dma2 semaphore(%run_scoped3A_543 : memref<!tpu.dma_semaphore, #tpu.memory_space<semaphore_mem>>) src(%arg11 : memref<65536xf32, #tpu.memory_space<vmem>>) dst(%dma_wait3A_553 : memref<65536xf32, #tpu.memory_space<hbm>>)
      tpu.yield
    }) : () -> ()
    %jit3A_477 = arith.constant 4 : i32
    %eq3A_478 = arith.constant 0 : i32
    %eq3A_479 = arith.cmpi eq, %jit3A_477, %eq3A_478 : i32
    %jit3A_480 = arith.constant 1 : i32
    %select_n3A_481 = arith.select %eq3A_479, %jit3A_480, %jit3A_477 : i32
    %rem3A_482 = arith.remsi %add3A, %select_n3A_481 : i32
    %ne3A_483 = arith.constant 0 : i32
    %ne3A_484 = arith.cmpi ne, %rem3A_482, %ne3A_483 : i32
    %lt3A_485 = arith.constant 0 : i32
    %lt3A_486 = arith.cmpi slt, %rem3A_482, %lt3A_485 : i32
    %lt3A_487 = arith.constant 0 : i32
    %lt3A_488 = arith.cmpi slt, %select_n3A_481, %lt3A_487 : i32
    %ne3A_489 = arith.xori %lt3A_486, %lt3A_488 : i1
    %and3A_490 = arith.andi %ne3A_489, %ne3A_484 : i1
    %add3A_491 = arith.addi %rem3A_482, %select_n3A_481 : i32
    %select_n3A_492 = arith.select %and3A_490, %add3A_491, %rem3A_482 : i32
    %mul3A_493 = arith.constant 8 : i32
    %mul3A_494 = arith.muli %select_n3A_492, %mul3A_493 : i32
    %add3A_495 = arith.constant 7 : i32
    %add3A_496 = arith.addi %mul3A_494, %add3A_495 : i32
    %jit3A_497 = arith.constant 4 : i32
    %div3A_498 = arith.divsi %add3A_496, %jit3A_497 : i32
    %sign3A_499 = arith.constant 0 : i32
    %sign3A_500 = arith.cmpi sgt, %add3A_496, %sign3A_499 : i32
    %sign3A_501 = arith.extui %sign3A_500 : i1 to i32
    %sign3A_502 = arith.constant 0 : i32
    %sign3A_503 = arith.cmpi slt, %add3A_496, %sign3A_502 : i32
    %sign3A_504 = arith.extui %sign3A_503 : i1 to i32
    %sign3A_505 = arith.subi %sign3A_501, %sign3A_504 : i32
    %sign3A_506 = arith.constant 0 : i32
    %sign3A_507 = arith.cmpi sgt, %jit3A_497, %sign3A_506 : i32
    %sign3A_508 = arith.extui %sign3A_507 : i1 to i32
    %sign3A_509 = arith.constant 0 : i32
    %sign3A_510 = arith.cmpi slt, %jit3A_497, %sign3A_509 : i32
    %sign3A_511 = arith.extui %sign3A_510 : i1 to i32
    %sign3A_512 = arith.subi %sign3A_508, %sign3A_511 : i32
    %ne3A_513 = arith.cmpi ne, %sign3A_505, %sign3A_512 : i32
    %rem3A_514 = arith.remsi %add3A_496, %jit3A_497 : i32
    %ne3A_515 = arith.constant 0 : i32
    %ne3A_516 = arith.cmpi ne, %rem3A_514, %ne3A_515 : i32
    %and3A_517 = arith.andi %ne3A_513, %ne3A_516 : i1
    %sub3A_518 = arith.constant 1 : i32
    %sub3A_519 = arith.subi %div3A_498, %sub3A_518 : i32
    %select_n3A_520 = arith.select %and3A_517, %sub3A_519, %div3A_498 : i32
    %jit3A_521 = arith.constant 4 : i32
    %eq3A_522 = arith.constant 0 : i32
    %eq3A_523 = arith.cmpi eq, %jit3A_521, %eq3A_522 : i32
    %jit3A_524 = arith.constant 1 : i32
    %select_n3A_525 = arith.select %eq3A_523, %jit3A_524, %jit3A_521 : i32
    %rem3A_526 = arith.remsi %add3A_496, %select_n3A_525 : i32
    %ne3A_527 = arith.constant 0 : i32
    %ne3A_528 = arith.cmpi ne, %rem3A_526, %ne3A_527 : i32
    %lt3A_529 = arith.constant 0 : i32
    %lt3A_530 = arith.cmpi slt, %rem3A_526, %lt3A_529 : i32
    %lt3A_531 = arith.constant 0 : i32
    %lt3A_532 = arith.cmpi slt, %select_n3A_525, %lt3A_531 : i32
    %ne3A_533 = arith.xori %lt3A_530, %lt3A_532 : i1
    %and3A_534 = arith.andi %ne3A_533, %ne3A_528 : i1
    %add3A_535 = arith.addi %rem3A_526, %select_n3A_525 : i32
    %select_n3A_536 = arith.select %and3A_534, %add3A_535, %rem3A_526 : i32
    "tpu.region"() ({
      %run_scoped3A_543 = tpu.sem_alloc : memref<!tpu.dma_semaphore, #tpu.memory_space<semaphore_mem>>
      tpu.enqueue_dma source(%arg5 : memref<65536xf32, #tpu.memory_space<hbm>>) target(%arg11 : memref<65536xf32, #tpu.memory_space<vmem>>) target_semaphore(%run_scoped3A_543 : memref<!tpu.dma_semaphore, #tpu.memory_space<semaphore_mem>>)
      tpu.wait_dma2 semaphore(%run_scoped3A_543 : memref<!tpu.dma_semaphore, #tpu.memory_space<semaphore_mem>>) src(%arg5 : memref<65536xf32, #tpu.memory_space<hbm>>) dst(%arg11 : memref<65536xf32, #tpu.memory_space<vmem>>)
      tpu.yield
    }) : () -> ()
    %scan3A_537 = arith.constant 0 : i32
    %scan3A_538 = arith.constant 0 : i32
    %scan3A_539 = arith.constant 125 : i32
    %scan3A_540 = arith.addi %scan3A_538, %scan3A_539 : i32
    %scan3A_541 = arith.constant 1 : i32
    scf.for %scan3A_543 = %scan3A_538 to %scan3A_540 step %scan3A_541  : i32 {
      %mul3A_544 = arith.constant 16 : i32
      %mul3A_545 = arith.muli %scan3A_543, %mul3A_544 : i32
      %get3A = arith.index_cast %mul3A_545 : i32 to index
      %get3A_546 = tpu.vector_load %arg7[%get3A] {strides = array<i32>} : memref<2000xi32, #tpu.memory_space<vmem>>, vector<16xi32>,
      %mul3A_547 = arith.constant 16 : i32
      %mul3A_548 = arith.muli %scan3A_543, %mul3A_547 : i32
      %get3A_549 = arith.index_cast %mul3A_548 : i32 to index
      %get3A_550 = tpu.vector_load %arg8[%get3A_549] {strides = array<i32>} : memref<2000xi32, #tpu.memory_space<vmem>>, vector<16xi32>,
      %mul3A_551 = arith.constant 8 : i32
      %mul3A_552 = vector.broadcast %mul3A_551 : i32 to vector<16xi32>
      %mul3A_553 = arith.muli %get3A_546, %mul3A_552 : vector<16xi32>
      %add3A_554 = vector.broadcast %select_n3A_520 : i32 to vector<16xi32>
      %add3A_555 = arith.addi %mul3A_553, %add3A_554 : vector<16xi32>
      %gather3A = tpu.vector_load_idx %arg9[%add3A_555] : memref<4096xf32, #tpu.memory_space<vmem>>[vector<16xi32>], vector<16xf32>,
      %mul3A_556 = arith.constant 8 : i32
      %mul3A_557 = vector.broadcast %mul3A_556 : i32 to vector<16xi32>
      %mul3A_558 = arith.muli %get3A_550, %mul3A_557 : vector<16xi32>
      %add3A_559 = vector.broadcast %select_n3A_520 : i32 to vector<16xi32>
      %add3A_560 = arith.addi %mul3A_558, %add3A_559 : vector<16xi32>
      %gather3A_561 = tpu.vector_load_idx %arg10[%add3A_560] : memref<4096xf32, #tpu.memory_space<vmem>>[vector<16xi32>], vector<16xf32>,
      %add3A_562 = arith.addf %gather3A, %gather3A_561 : vector<16xf32>
      %gt3A = arith.constant 0.000000e+00 : f32
      %gt3A_563 = vector.broadcast %gt3A : f32 to vector<16xf32>
      %gt3A_564 = arith.cmpf ogt, %add3A_562, %gt3A_563 : vector<16xf32>
      %mul3A_565 = arith.constant 2.000000e-01 : f32
      %mul3A_566 = vector.broadcast %mul3A_565 : f32 to vector<16xf32>
      %mul3A_567 = arith.mulf %mul3A_566, %add3A_562 : vector<16xf32>
      %select_n3A_568 = arith.select %gt3A_564, %add3A_562, %mul3A_567 : vector<16xi1>, vector<16xf32>
      %exp3A = math.exp %select_n3A_568 : vector<16xf32>
      %mul3A_569 = arith.constant 128 : i32
      %mul3A_570 = arith.muli %select_n3A_536, %mul3A_569 : i32
      %sub3A_571 = vector.broadcast %mul3A_570 : i32 to vector<16xi32>
      %sub3A_572 = arith.subi %get3A_546, %sub3A_571 : vector<16xi32>
      %ge3A = arith.constant 0 : i32
      %ge3A_573 = vector.broadcast %ge3A : i32 to vector<16xi32>
      %ge3A_574 = arith.cmpi sge, %sub3A_572, %ge3A_573 : vector<16xi32>
      %lt3A_575 = arith.constant 128 : i32
      %lt3A_576 = vector.broadcast %lt3A_575 : i32 to vector<16xi32>
      %lt3A_577 = arith.cmpi slt, %sub3A_572, %lt3A_576 : vector<16xi32>
      %and3A_578 = arith.andi %ge3A_574, %lt3A_577 : vector<16xi1>
      %mul3A_579 = arith.constant 128 : i32
      %mul3A_580 = vector.broadcast %mul3A_579 : i32 to vector<16xi32>
      %mul3A_581 = arith.muli %get3A_550, %mul3A_580 : vector<16xi32>
      %add3A_582 = arith.addi %mul3A_581, %sub3A_572 : vector<16xi32>
      %jit3A_583 = arith.constant 0 : i32
      %broadcast_in_dim3A = vector.broadcast %jit3A_583 : i32 to vector<16xi32>
      %select_n3A_584 = arith.select %and3A_578, %add3A_582, %broadcast_in_dim3A : vector<16xi1>, vector<16xi32>
      tpu.vector_store_idx %arg11[%select_n3A_584], %exp3A masked %and3A_578 {add = true} : memref<65536xf32, #tpu.memory_space<vmem>>[vector<16xi32>], vector<16xf32>, vector<16xi1>
    }
    %scan3A_542 = arith.constant 125 : i32
    "tpu.region"() ({
      %run_scoped3A_543 = tpu.sem_alloc : memref<!tpu.dma_semaphore, #tpu.memory_space<semaphore_mem>>
      %dma_start3A = arith.constant 0 : i32
      %dma_start3A_544 = tpu.memref_slice %arg6[%select_n3A, %select_n3A_520, %select_n3A_536, %dma_start3A] : memref<8x8x4x65536xf32, #tpu.memory_space<hbm>> -> memref<1x1x1x65536xf32, #tpu.memory_space<hbm>>
      %dma_start3A_545 = tpu.memref_squeeze %dma_start3A_544 : memref<1x1x1x65536xf32, #tpu.memory_space<hbm>> -> memref<65536xf32, #tpu.memory_space<hbm>>
      %dma_start3A_546 = arith.constant 0 : i32
      %dma_start3A_547 = tpu.memref_slice %arg6[%select_n3A, %select_n3A_520, %select_n3A_536, %dma_start3A_546] : memref<8x8x4x65536xf32, #tpu.memory_space<hbm>> -> memref<1x1x1x65536xf32, #tpu.memory_space<hbm>>
      %dma_start3A_548 = tpu.memref_squeeze %dma_start3A_547 : memref<1x1x1x65536xf32, #tpu.memory_space<hbm>> -> memref<65536xf32, #tpu.memory_space<hbm>>
      tpu.enqueue_dma source(%arg11 : memref<65536xf32, #tpu.memory_space<vmem>>) target(%dma_start3A_548 : memref<65536xf32, #tpu.memory_space<hbm>>) target_semaphore(%run_scoped3A_543 : memref<!tpu.dma_semaphore, #tpu.memory_space<semaphore_mem>>)
      %dma_wait3A = arith.constant 0 : i32
      %dma_wait3A_549 = tpu.memref_slice %arg6[%select_n3A, %select_n3A_520, %select_n3A_536, %dma_wait3A] : memref<8x8x4x65536xf32, #tpu.memory_space<hbm>> -> memref<1x1x1x65536xf32, #tpu.memory_space<hbm>>
      %dma_wait3A_550 = tpu.memref_squeeze %dma_wait3A_549 : memref<1x1x1x65536xf32, #tpu.memory_space<hbm>> -> memref<65536xf32, #tpu.memory_space<hbm>>
      %dma_wait3A_551 = arith.constant 0 : i32
      %dma_wait3A_552 = tpu.memref_slice %arg6[%select_n3A, %select_n3A_520, %select_n3A_536, %dma_wait3A_551] : memref<8x8x4x65536xf32, #tpu.memory_space<hbm>> -> memref<1x1x1x65536xf32, #tpu.memory_space<hbm>>
      %dma_wait3A_553 = tpu.memref_squeeze %dma_wait3A_552 : memref<1x1x1x65536xf32, #tpu.memory_space<hbm>> -> memref<65536xf32, #tpu.memory_space<hbm>>
      tpu.wait_dma2 semaphore(%run_scoped3A_543 : memref<!tpu.dma_semaphore, #tpu.memory_space<semaphore_mem>>) src(%arg11 : memref<65536xf32, #tpu.memory_space<vmem>>) dst(%dma_wait3A_553 : memref<65536xf32, #tpu.memory_space<hbm>>)
      tpu.yield
    }) : () -> ()
    return
  }
}

module attributes {stable_mosaic.version = 14 : i64} {
  func.func @_conv_body(%arg0: i32, %arg1: memref<512x24xf32, #tpu.memory_space<vmem>>, %arg2: memref<24x768xf32, #tpu.memory_space<vmem>>, %arg3: memref<24x768xf32, #tpu.memory_space<vmem>>, %arg4: memref<1x768xf32, #tpu.memory_space<vmem>>, %arg5: memref<1x768xf32, #tpu.memory_space<vmem>>, %arg6: memref<512x768xf32, #tpu.memory_space<vmem>>) attributes {dimension_semantics = [#tpu.dimension_semantics<arbitrary>], iteration_bounds = array<i64: 8>, scalar_prefetch = 0 : i64, scratch_operands = 0 : i64, tpu.core_type = #tpu.core_type<tc>, window_params = [{transform_indices = @transform_0, window_bounds = array<i64: 512, 24>}, {pipeline_mode = #tpu.pipeline_mode<synchronous>, transform_indices = @transform_1, window_bounds = array<i64: 24, 768>}, {pipeline_mode = #tpu.pipeline_mode<synchronous>, transform_indices = @transform_2, window_bounds = array<i64: 24, 768>}, {pipeline_mode = #tpu.pipeline_mode<synchronous>, transform_indices = @transform_3, window_bounds = array<i64: 1, 768>}, {pipeline_mode = #tpu.pipeline_mode<synchronous>, transform_indices = @transform_4, window_bounds = array<i64: 1, 768>}, {transform_indices = @transform_5, window_bounds = array<i64: 512, 768>}]} {
    %get3A = arith.constant 0 : index
    %get3A_0 = arith.constant 0 : index
    %get3A_1 = vector.load %arg1[%get3A, %get3A_0] : memref<512x24xf32, #tpu.memory_space<vmem>>, vector<512x24xf32>
    %get3A_2 = arith.constant 0 : index
    %get3A_3 = arith.constant 0 : index
    %get3A_4 = vector.load %arg2[%get3A_2, %get3A_3] : memref<24x768xf32, #tpu.memory_space<vmem>>, vector<24x768xf32>
    %dot_general3A = arith.constant dense<0.000000e+00> : vector<512x768xf32>
    %dot_general3A_5 = tpu.matmul %get3A_1, %get3A_4, %dot_general3A {dimension_numbers = #tpu.dot_dimension_numbers<[1], [0], [0], [1], [0, 0, 1, 1], [], []>, transpose_lhs_hint = false} : vector<512x24xf32>, vector<24x768xf32>, vector<512x768xf32> -> vector<512x768xf32>
    %get3A_6 = arith.constant 0 : index
    %get3A_7 = arith.constant 0 : index
    %get3A_8 = vector.load %arg4[%get3A_6, %get3A_7] : memref<1x768xf32, #tpu.memory_space<vmem>>, vector<1x768xf32>
    %add3A = vector.broadcast %get3A_8 : vector<1x768xf32> to vector<512x768xf32>
    %add3A_9 = arith.addf %dot_general3A_5, %add3A : vector<512x768xf32>
    %get3A_10 = arith.constant 0 : index
    %get3A_11 = arith.constant 0 : index
    %get3A_12 = vector.load %arg3[%get3A_10, %get3A_11] : memref<24x768xf32, #tpu.memory_space<vmem>>, vector<24x768xf32>
    %dot_general3A_13 = arith.constant dense<0.000000e+00> : vector<512x768xf32>
    %dot_general3A_14 = tpu.matmul %get3A_1, %get3A_12, %dot_general3A_13 {dimension_numbers = #tpu.dot_dimension_numbers<[1], [0], [0], [1], [0, 0, 1, 1], [], []>, transpose_lhs_hint = false} : vector<512x24xf32>, vector<24x768xf32>, vector<512x768xf32> -> vector<512x768xf32>
    %get3A_15 = arith.constant 0 : index
    %get3A_16 = arith.constant 0 : index
    %get3A_17 = vector.load %arg5[%get3A_15, %get3A_16] : memref<1x768xf32, #tpu.memory_space<vmem>>, vector<1x768xf32>
    %add3A_18 = vector.broadcast %get3A_17 : vector<1x768xf32> to vector<512x768xf32>
    %add3A_19 = arith.addf %dot_general3A_14, %add3A_18 : vector<512x768xf32>
    %gt3A = arith.constant 0.000000e+00 : f32
    %gt3A_20 = vector.broadcast %gt3A : f32 to vector<512x768xf32>
    %gt3A_21 = arith.cmpf ogt, %add3A_19, %gt3A_20 : vector<512x768xf32>
    %mul3A = arith.constant 0.00999999977 : f32
    %mul3A_22 = vector.broadcast %mul3A : f32 to vector<512x768xf32>
    %mul3A_23 = arith.mulf %mul3A_22, %add3A_19 : vector<512x768xf32>
    %select_n3A = arith.select %gt3A_21, %add3A_19, %mul3A_23 : vector<512x768xi1>, vector<512x768xf32>
    %add3A_24 = arith.addf %add3A_9, %select_n3A : vector<512x768xf32>
    %swap3A = arith.constant 0 : index
    %swap3A_25 = arith.constant 0 : index
    %swap3A_26 = vector.load %arg6[%swap3A, %swap3A_25] : memref<512x768xf32, #tpu.memory_space<vmem>>, vector<512x768xf32>
    tpu.vector_store %arg6[%swap3A, %swap3A_25], %add3A_24 {strides = array<i32>} : memref<512x768xf32, #tpu.memory_space<vmem>>, vector<512x768xf32>,
    return
  }
  func.func @transform_0(%arg0: i32) -> (i32, i32) {
    %c0_i32 = arith.constant 0 : i32
    %c0_i32_0 = arith.constant 0 : i32
    return %arg0, %c0_i32 : i32, i32
  }
  func.func @transform_1(%arg0: i32) -> (i32, i32) {
    %c0_i32 = arith.constant 0 : i32
    %c0_i32_0 = arith.constant 0 : i32
    %c0_i32_1 = arith.constant 0 : i32
    return %c0_i32, %c0_i32_0 : i32, i32
  }
  func.func @transform_2(%arg0: i32) -> (i32, i32) {
    %c0_i32 = arith.constant 0 : i32
    %c0_i32_0 = arith.constant 0 : i32
    %c0_i32_1 = arith.constant 0 : i32
    return %c0_i32, %c0_i32_0 : i32, i32
  }
  func.func @transform_3(%arg0: i32) -> (i32, i32) {
    %c0_i32 = arith.constant 0 : i32
    %c0_i32_0 = arith.constant 0 : i32
    %c0_i32_1 = arith.constant 0 : i32
    return %c0_i32, %c0_i32_0 : i32, i32
  }
  func.func @transform_4(%arg0: i32) -> (i32, i32) {
    %c0_i32 = arith.constant 0 : i32
    %c0_i32_0 = arith.constant 0 : i32
    %c0_i32_1 = arith.constant 0 : i32
    return %c0_i32, %c0_i32_0 : i32, i32
  }
  func.func @transform_5(%arg0: i32) -> (i32, i32) {
    %c0_i32 = arith.constant 0 : i32
    %c0_i32_0 = arith.constant 0 : i32
    return %arg0, %c0_i32 : i32, i32
  }
}

module attributes {stable_mosaic.version = 14 : i64} {
  func.func @_feat_body(%arg0: i32, %arg1: i32, %arg2: memref<512x768xf32, #tpu.memory_space<vmem>>, %arg3: memref<768x768xf32, #tpu.memory_space<vmem>>, %arg4: memref<8x768xf32, #tpu.memory_space<vmem>>, %arg5: memref<8x768xf32, #tpu.memory_space<vmem>>, %arg6: memref<512x768xf32, #tpu.memory_space<vmem>>, %arg7: memref<512x8xf32, #tpu.memory_space<vmem>>, %arg8: memref<512x8xf32, #tpu.memory_space<vmem>>) attributes {dimension_semantics = [#tpu.dimension_semantics<arbitrary>, #tpu.dimension_semantics<arbitrary>], iteration_bounds = array<i64: 8, 8>, scalar_prefetch = 0 : i64, scratch_operands = 0 : i64, tpu.core_type = #tpu.core_type<tc>, window_params = [{transform_indices = @transform_0, window_bounds = array<i64: 512, 768>}, {transform_indices = @transform_1, window_bounds = array<i64: 768, 768>}, {pipeline_mode = #tpu.pipeline_mode<synchronous>, transform_indices = @transform_2, window_bounds = array<i64: 8, 768>}, {pipeline_mode = #tpu.pipeline_mode<synchronous>, transform_indices = @transform_3, window_bounds = array<i64: 8, 768>}, {transform_indices = @transform_4, window_bounds = array<i64: 512, 768>}, {transform_indices = @transform_5, window_bounds = array<i64: 512, 8>}, {transform_indices = @transform_6, window_bounds = array<i64: 512, 8>}]} {
    %get3A = arith.constant 0 : index
    %get3A_0 = arith.constant 0 : index
    %get3A_1 = vector.load %arg2[%get3A, %get3A_0] : memref<512x768xf32, #tpu.memory_space<vmem>>, vector<512x768xf32>
    %get3A_2 = arith.constant 0 : index
    %get3A_3 = arith.constant 0 : index
    %get3A_4 = vector.load %arg3[%get3A_2, %get3A_3] : memref<768x768xf32, #tpu.memory_space<vmem>>, vector<768x768xf32>
    %dot_general3A = arith.constant dense<0.000000e+00> : vector<512x768xf32>
    %dot_general3A_5 = tpu.matmul %get3A_1, %get3A_4, %dot_general3A {dimension_numbers = #tpu.dot_dimension_numbers<[1], [0], [0], [1], [0, 0, 1, 1], [], []>, transpose_lhs_hint = false} : vector<512x768xf32>, vector<768x768xf32>, vector<512x768xf32> -> vector<512x768xf32>
    %swap3A = arith.constant 0 : index
    %swap3A_6 = arith.constant 0 : index
    %swap3A_7 = vector.load %arg6[%swap3A, %swap3A_6] : memref<512x768xf32, #tpu.memory_space<vmem>>, vector<512x768xf32>
    tpu.vector_store %arg6[%swap3A, %swap3A_6], %dot_general3A_5 {strides = array<i32>} : memref<512x768xf32, #tpu.memory_space<vmem>>, vector<512x768xf32>,
    %get3A_8 = arith.index_cast %arg1 : i32 to index
    %get3A_9 = arith.constant 0 : index
    %get3A_10 = vector.load %arg4[%get3A_8, %get3A_9] : memref<8x768xf32, #tpu.memory_space<vmem>>, vector<1x768xf32>
    %mul3A = vector.broadcast %get3A_10 : vector<1x768xf32> to vector<512x768xf32>
    %mul3A_11 = arith.mulf %dot_general3A_5, %mul3A : vector<512x768xf32>
    %reduce_sum3A = arith.constant dense<0.000000e+00> : vector<512xf32>
    %reduce_sum3A_12 = vector.multi_reduction <add>, %mul3A_11, %reduce_sum3A [1] : vector<512x768xf32> to vector<512xf32>
    %broadcast_in_dim3A = vector.shape_cast %reduce_sum3A_12 : vector<512xf32> to vector<512x1xf32>
    %get3A_13 = arith.index_cast %arg1 : i32 to index
    %get3A_14 = arith.constant 0 : index
    %get3A_15 = vector.load %arg5[%get3A_13, %get3A_14] : memref<8x768xf32, #tpu.memory_space<vmem>>, vector<1x768xf32>
    %mul3A_16 = vector.broadcast %get3A_15 : vector<1x768xf32> to vector<512x768xf32>
    %mul3A_17 = arith.mulf %dot_general3A_5, %mul3A_16 : vector<512x768xf32>
    %reduce_sum3A_18 = arith.constant dense<0.000000e+00> : vector<512xf32>
    %reduce_sum3A_19 = vector.multi_reduction <add>, %mul3A_17, %reduce_sum3A_18 [1] : vector<512x768xf32> to vector<512xf32>
    %broadcast_in_dim3A_20 = vector.shape_cast %reduce_sum3A_19 : vector<512xf32> to vector<512x1xf32>
    %iota3A = tpu.iota {dimensions = array<i32: 1>} : vector<512x8xi32>
    %eq3A = arith.constant 0 : i32
    %eq3A_21 = arith.cmpi eq, %arg1, %eq3A : i32
    %convert_element_type3A = arith.extui %eq3A_21 : i1 to i32
    %cond3A = arith.constant 0 : i32
    %cond3A_22 = arith.cmpi ne, %convert_element_type3A, %cond3A : i32
    scf.if %cond3A_22 {
      %broadcast_in_dim3A_48 = arith.constant 0.000000e+00 : f32
      %broadcast_in_dim3A_49 = vector.broadcast %broadcast_in_dim3A_48 : f32 to vector<512x8xf32>
      %swap3A_50 = arith.constant 0 : index
      %swap3A_51 = arith.constant 0 : index
      %swap3A_52 = vector.load %arg7[%swap3A_50, %swap3A_51] : memref<512x8xf32, #tpu.memory_space<vmem>>, vector<512x8xf32>
      tpu.vector_store %arg7[%swap3A_50, %swap3A_51], %broadcast_in_dim3A_49 {strides = array<i32>} : memref<512x8xf32, #tpu.memory_space<vmem>>, vector<512x8xf32>,
      %broadcast_in_dim3A_53 = arith.constant 0.000000e+00 : f32
      %broadcast_in_dim3A_54 = vector.broadcast %broadcast_in_dim3A_53 : f32 to vector<512x8xf32>
      %swap3A_55 = arith.constant 0 : index
      %swap3A_56 = arith.constant 0 : index
      %swap3A_57 = vector.load %arg8[%swap3A_55, %swap3A_56] : memref<512x8xf32, #tpu.memory_space<vmem>>, vector<512x8xf32>
      tpu.vector_store %arg8[%swap3A_55, %swap3A_56], %broadcast_in_dim3A_54 {strides = array<i32>} : memref<512x8xf32, #tpu.memory_space<vmem>>, vector<512x8xf32>,
    } else {
    }
    %get3A_23 = arith.constant 0 : index
    %get3A_24 = arith.constant 0 : index
    %get3A_25 = vector.load %arg7[%get3A_23, %get3A_24] : memref<512x8xf32, #tpu.memory_space<vmem>>, vector<512x8xf32>
    %eq3A_26 = vector.broadcast %arg1 : i32 to vector<512x8xi32>
    %eq3A_27 = arith.cmpi eq, %iota3A, %eq3A_26 : vector<512x8xi32>
    %jit3A = arith.constant 0.000000e+00 : f32
    %broadcast_in_dim3A_28 = vector.shape_cast %broadcast_in_dim3A : vector<512x1xf32> to vector<512x1xf32>
    %broadcast_in_dim3A_29 = vector.broadcast %broadcast_in_dim3A_28 : vector<512x1xf32> to vector<512x8xf32>
    %broadcast_in_dim3A_30 = vector.broadcast %jit3A : f32 to vector<512x8xf32>
    %select_n3A = arith.select %eq3A_27, %broadcast_in_dim3A_29, %broadcast_in_dim3A_30 : vector<512x8xi1>, vector<512x8xf32>
    %add3A = arith.addf %get3A_25, %select_n3A : vector<512x8xf32>
    %swap3A_31 = arith.constant 0 : index
    %swap3A_32 = arith.constant 0 : index
    %swap3A_33 = vector.load %arg7[%swap3A_31, %swap3A_32] : memref<512x8xf32, #tpu.memory_space<vmem>>, vector<512x8xf32>
    tpu.vector_store %arg7[%swap3A_31, %swap3A_32], %add3A {strides = array<i32>} : memref<512x8xf32, #tpu.memory_space<vmem>>, vector<512x8xf32>,
    %get3A_34 = arith.constant 0 : index
    %get3A_35 = arith.constant 0 : index
    %get3A_36 = vector.load %arg8[%get3A_34, %get3A_35] : memref<512x8xf32, #tpu.memory_space<vmem>>, vector<512x8xf32>
    %eq3A_37 = vector.broadcast %arg1 : i32 to vector<512x8xi32>
    %eq3A_38 = arith.cmpi eq, %iota3A, %eq3A_37 : vector<512x8xi32>
    %jit3A_39 = arith.constant 0.000000e+00 : f32
    %broadcast_in_dim3A_40 = vector.shape_cast %broadcast_in_dim3A_20 : vector<512x1xf32> to vector<512x1xf32>
    %broadcast_in_dim3A_41 = vector.broadcast %broadcast_in_dim3A_40 : vector<512x1xf32> to vector<512x8xf32>
    %broadcast_in_dim3A_42 = vector.broadcast %jit3A_39 : f32 to vector<512x8xf32>
    %select_n3A_43 = arith.select %eq3A_38, %broadcast_in_dim3A_41, %broadcast_in_dim3A_42 : vector<512x8xi1>, vector<512x8xf32>
    %add3A_44 = arith.addf %get3A_36, %select_n3A_43 : vector<512x8xf32>
    %swap3A_45 = arith.constant 0 : index
    %swap3A_46 = arith.constant 0 : index
    %swap3A_47 = vector.load %arg8[%swap3A_45, %swap3A_46] : memref<512x8xf32, #tpu.memory_space<vmem>>, vector<512x8xf32>
    tpu.vector_store %arg8[%swap3A_45, %swap3A_46], %add3A_44 {strides = array<i32>} : memref<512x8xf32, #tpu.memory_space<vmem>>, vector<512x8xf32>,
    return
  }
  func.func @transform_0(%arg0: i32, %arg1: i32) -> (i32, i32) {
    %c0_i32 = arith.constant 0 : i32
    %c0_i32_0 = arith.constant 0 : i32
    return %arg0, %c0_i32 : i32, i32
  }
  func.func @transform_1(%arg0: i32, %arg1: i32) -> (i32, i32) {
    %c0_i32 = arith.constant 0 : i32
    %c0_i32_0 = arith.constant 0 : i32
    return %c0_i32, %arg1 : i32, i32
  }
  func.func @transform_2(%arg0: i32, %arg1: i32) -> (i32, i32) {
    %c0_i32 = arith.constant 0 : i32
    %c0_i32_0 = arith.constant 0 : i32
    %c0_i32_1 = arith.constant 0 : i32
    return %c0_i32, %c0_i32_0 : i32, i32
  }
  func.func @transform_3(%arg0: i32, %arg1: i32) -> (i32, i32) {
    %c0_i32 = arith.constant 0 : i32
    %c0_i32_0 = arith.constant 0 : i32
    %c0_i32_1 = arith.constant 0 : i32
    return %c0_i32, %c0_i32_0 : i32, i32
  }
  func.func @transform_4(%arg0: i32, %arg1: i32) -> (i32, i32) {
    %c0_i32 = arith.constant 0 : i32
    return %arg0, %arg1 : i32, i32
  }
  func.func @transform_5(%arg0: i32, %arg1: i32) -> (i32, i32) {
    %c0_i32 = arith.constant 0 : i32
    %c0_i32_0 = arith.constant 0 : i32
    return %arg0, %c0_i32 : i32, i32
  }
  func.func @transform_6(%arg0: i32, %arg1: i32) -> (i32, i32) {
    %c0_i32 = arith.constant 0 : i32
    %c0_i32_0 = arith.constant 0 : i32
    return %arg0, %c0_i32 : i32, i32
  }
}

module attributes {stable_mosaic.version = 14 : i64} {
  func.func @body(%arg0: i32, %arg1: i32, %arg2: memref<1x1x4x512x128xf32, #tpu.memory_space<vmem>>, %arg3: memref<512x768xf32, #tpu.memory_space<vmem>>, %arg4: memref<8x768xf32, #tpu.memory_space<vmem>>, %arg5: memref<512x768xf32, #tpu.memory_space<vmem>>) attributes {dimension_semantics = [#tpu.dimension_semantics<arbitrary>, #tpu.dimension_semantics<arbitrary>], iteration_bounds = array<i64: 8, 8>, scalar_prefetch = 0 : i64, scratch_operands = 0 : i64, tpu.core_type = #tpu.core_type<tc>, window_params = [{transform_indices = @transform_0, window_bounds = array<i64: 1, 1, 4, 512, 128>}, {transform_indices = @transform_1, window_bounds = array<i64: 512, 768>}, {pipeline_mode = #tpu.pipeline_mode<synchronous>, transform_indices = @transform_2, window_bounds = array<i64: 8, 768>}, {transform_indices = @transform_3, window_bounds = array<i64: 512, 768>}]} {
    %get3A = arith.constant 0 : index
    %get3A_0 = arith.constant 0 : index
    %get3A_1 = arith.constant 0 : index
    %get3A_2 = arith.constant 0 : index
    %get3A_3 = arith.constant 0 : index
    %get3A_4 = vector.load %arg2[%get3A, %get3A_0, %get3A_1, %get3A_2, %get3A_3] : memref<1x1x4x512x128xf32, #tpu.memory_space<vmem>>, vector<1x1x4x512x128xf32>
    %get3A_5 = vector.shape_cast %get3A_4 : vector<1x1x4x512x128xf32> to vector<4x512x128xf32>
    %broadcast_in_dim3A = arith.constant 0.000000e+00 : f32
    %broadcast_in_dim3A_6 = vector.broadcast %broadcast_in_dim3A : f32 to vector<512x768xf32>
    %broadcast_in_dim3A_7 = arith.constant 0.000000e+00 : f32
    %broadcast_in_dim3A_8 = vector.broadcast %broadcast_in_dim3A_7 : f32 to vector<512x1xf32>
    %get3A_9 = arith.constant 0 : index
    %get3A_10 = arith.constant 0 : index
    %get3A_11 = vector.load %arg3[%get3A_9, %get3A_10] : memref<512x768xf32, #tpu.memory_space<vmem>>, vector<512x768xf32>
    %slice3A = vector.extract_strided_slice %get3A_5 {offsets = [0, 0, 0], sizes = [1, 512, 128], strides = [1, 1, 1]} : vector<4x512x128xf32> to vector<1x512x128xf32>
    %squeeze3A = vector.shape_cast %slice3A : vector<1x512x128xf32> to vector<512x128xf32>
    %slice3A_12 = vector.extract_strided_slice %get3A_11 {offsets = [0, 0], sizes = [128, 768], strides = [1, 1]} : vector<512x768xf32> to vector<128x768xf32>
    %dot_general3A = arith.constant dense<0.000000e+00> : vector<512x768xf32>
    %dot_general3A_13 = tpu.matmul %squeeze3A, %slice3A_12, %dot_general3A {dimension_numbers = #tpu.dot_dimension_numbers<[1], [0], [0], [1], [0, 0, 1, 1], [], []>, transpose_lhs_hint = false} : vector<512x128xf32>, vector<128x768xf32>, vector<512x768xf32> -> vector<512x768xf32>
    %add3A = arith.addf %broadcast_in_dim3A_6, %dot_general3A_13 : vector<512x768xf32>
    %reduce_sum3A = arith.constant dense<0.000000e+00> : vector<512xf32>
    %reduce_sum3A_14 = vector.multi_reduction <add>, %squeeze3A, %reduce_sum3A [1] : vector<512x128xf32> to vector<512xf32>
    %broadcast_in_dim3A_15 = vector.shape_cast %reduce_sum3A_14 : vector<512xf32> to vector<512x1xf32>
    %add3A_16 = arith.addf %broadcast_in_dim3A_8, %broadcast_in_dim3A_15 : vector<512x1xf32>
    %slice3A_17 = vector.extract_strided_slice %get3A_5 {offsets = [1, 0, 0], sizes = [1, 512, 128], strides = [1, 1, 1]} : vector<4x512x128xf32> to vector<1x512x128xf32>
    %squeeze3A_18 = vector.shape_cast %slice3A_17 : vector<1x512x128xf32> to vector<512x128xf32>
    %slice3A_19 = vector.extract_strided_slice %get3A_11 {offsets = [128, 0], sizes = [128, 768], strides = [1, 1]} : vector<512x768xf32> to vector<128x768xf32>
    %dot_general3A_20 = arith.constant dense<0.000000e+00> : vector<512x768xf32>
    %dot_general3A_21 = tpu.matmul %squeeze3A_18, %slice3A_19, %dot_general3A_20 {dimension_numbers = #tpu.dot_dimension_numbers<[1], [0], [0], [1], [0, 0, 1, 1], [], []>, transpose_lhs_hint = false} : vector<512x128xf32>, vector<128x768xf32>, vector<512x768xf32> -> vector<512x768xf32>
    %add3A_22 = arith.addf %add3A, %dot_general3A_21 : vector<512x768xf32>
    %reduce_sum3A_23 = arith.constant dense<0.000000e+00> : vector<512xf32>
    %reduce_sum3A_24 = vector.multi_reduction <add>, %squeeze3A_18, %reduce_sum3A_23 [1] : vector<512x128xf32> to vector<512xf32>
    %broadcast_in_dim3A_25 = vector.shape_cast %reduce_sum3A_24 : vector<512xf32> to vector<512x1xf32>
    %add3A_26 = arith.addf %add3A_16, %broadcast_in_dim3A_25 : vector<512x1xf32>
    %slice3A_27 = vector.extract_strided_slice %get3A_5 {offsets = [2, 0, 0], sizes = [1, 512, 128], strides = [1, 1, 1]} : vector<4x512x128xf32> to vector<1x512x128xf32>
    %squeeze3A_28 = vector.shape_cast %slice3A_27 : vector<1x512x128xf32> to vector<512x128xf32>
    %slice3A_29 = vector.extract_strided_slice %get3A_11 {offsets = [256, 0], sizes = [128, 768], strides = [1, 1]} : vector<512x768xf32> to vector<128x768xf32>
    %dot_general3A_30 = arith.constant dense<0.000000e+00> : vector<512x768xf32>
    %dot_general3A_31 = tpu.matmul %squeeze3A_28, %slice3A_29, %dot_general3A_30 {dimension_numbers = #tpu.dot_dimension_numbers<[1], [0], [0], [1], [0, 0, 1, 1], [], []>, transpose_lhs_hint = false} : vector<512x128xf32>, vector<128x768xf32>, vector<512x768xf32> -> vector<512x768xf32>
    %add3A_32 = arith.addf %add3A_22, %dot_general3A_31 : vector<512x768xf32>
    %reduce_sum3A_33 = arith.constant dense<0.000000e+00> : vector<512xf32>
    %reduce_sum3A_34 = vector.multi_reduction <add>, %squeeze3A_28, %reduce_sum3A_33 [1] : vector<512x128xf32> to vector<512xf32>
    %broadcast_in_dim3A_35 = vector.shape_cast %reduce_sum3A_34 : vector<512xf32> to vector<512x1xf32>
    %add3A_36 = arith.addf %add3A_26, %broadcast_in_dim3A_35 : vector<512x1xf32>
    %slice3A_37 = vector.extract_strided_slice %get3A_5 {offsets = [3, 0, 0], sizes = [1, 512, 128], strides = [1, 1, 1]} : vector<4x512x128xf32> to vector<1x512x128xf32>
    %squeeze3A_38 = vector.shape_cast %slice3A_37 : vector<1x512x128xf32> to vector<512x128xf32>
    %slice3A_39 = vector.extract_strided_slice %get3A_11 {offsets = [384, 0], sizes = [128, 768], strides = [1, 1]} : vector<512x768xf32> to vector<128x768xf32>
    %dot_general3A_40 = arith.constant dense<0.000000e+00> : vector<512x768xf32>
    %dot_general3A_41 = tpu.matmul %squeeze3A_38, %slice3A_39, %dot_general3A_40 {dimension_numbers = #tpu.dot_dimension_numbers<[1], [0], [0], [1], [0, 0, 1, 1], [], []>, transpose_lhs_hint = false} : vector<512x128xf32>, vector<128x768xf32>, vector<512x768xf32> -> vector<512x768xf32>
    %add3A_42 = arith.addf %add3A_32, %dot_general3A_41 : vector<512x768xf32>
    %reduce_sum3A_43 = arith.constant dense<0.000000e+00> : vector<512xf32>
    %reduce_sum3A_44 = vector.multi_reduction <add>, %squeeze3A_38, %reduce_sum3A_43 [1] : vector<512x128xf32> to vector<512xf32>
    %broadcast_in_dim3A_45 = vector.shape_cast %reduce_sum3A_44 : vector<512xf32> to vector<512x1xf32>
    %add3A_46 = arith.addf %add3A_36, %broadcast_in_dim3A_45 : vector<512x1xf32>
    %add3A_47 = arith.constant 9.99999971E-10 : f32
    %add3A_48 = vector.broadcast %add3A_47 : f32 to vector<512x1xf32>
    %add3A_49 = arith.addf %add3A_46, %add3A_48 : vector<512x1xf32>
    %div3A = vector.broadcast %add3A_49 : vector<512x1xf32> to vector<512x768xf32>
    %div3A_50 = arith.divf %add3A_42, %div3A : vector<512x768xf32>
    %get3A_51 = arith.index_cast %arg1 : i32 to index
    %get3A_52 = arith.constant 0 : index
    %get3A_53 = vector.load %arg4[%get3A_51, %get3A_52] : memref<8x768xf32, #tpu.memory_space<vmem>>, vector<1x768xf32>
    %add3A_54 = vector.broadcast %get3A_53 : vector<1x768xf32> to vector<512x768xf32>
    %add3A_55 = arith.addf %div3A_50, %add3A_54 : vector<512x768xf32>
    %gt3A = arith.constant 0.000000e+00 : f32
    %gt3A_56 = vector.broadcast %gt3A : f32 to vector<512x768xf32>
    %gt3A_57 = arith.cmpf ogt, %add3A_55, %gt3A_56 : vector<512x768xf32>
    %exp3A = math.exp %add3A_55 : vector<512x768xf32>
    %sub3A = arith.constant 1.000000e+00 : f32
    %sub3A_58 = vector.broadcast %sub3A : f32 to vector<512x768xf32>
    %sub3A_59 = arith.subf %exp3A, %sub3A_58 : vector<512x768xf32>
    %select_n3A = arith.select %gt3A_57, %add3A_55, %sub3A_59 : vector<512x768xi1>, vector<512x768xf32>
    %mul3A = arith.constant 1.250000e-01 : f32
    %mul3A_60 = vector.broadcast %mul3A : f32 to vector<512x768xf32>
    %mul3A_61 = arith.mulf %select_n3A, %mul3A_60 : vector<512x768xf32>
    %eq3A = arith.constant 0 : i32
    %eq3A_62 = arith.cmpi eq, %arg1, %eq3A : i32
    %convert_element_type3A = arith.extui %eq3A_62 : i1 to i32
    %cond3A = arith.constant 0 : i32
    %cond3A_63 = arith.cmpi ne, %convert_element_type3A, %cond3A : i32
    scf.if %cond3A_63 {
      %swap3A = arith.constant 0 : index
      %swap3A_68 = arith.constant 0 : index
      %swap3A_69 = vector.load %arg5[%swap3A, %swap3A_68] : memref<512x768xf32, #tpu.memory_space<vmem>>, vector<512x768xf32>
      tpu.vector_store %arg5[%swap3A, %swap3A_68], %mul3A_61 {strides = array<i32>} : memref<512x768xf32, #tpu.memory_space<vmem>>, vector<512x768xf32>,
    } else {
    }
    %ne3A = arith.constant 0 : i32
    %ne3A_64 = arith.cmpi ne, %arg1, %ne3A : i32
    %convert_element_type3A_65 = arith.extui %ne3A_64 : i1 to i32
    %cond3A_66 = arith.constant 0 : i32
    %cond3A_67 = arith.cmpi ne, %convert_element_type3A_65, %cond3A_66 : i32
    scf.if %cond3A_67 {
      %get3A_68 = arith.constant 0 : index
      %get3A_69 = arith.constant 0 : index
      %get3A_70 = vector.load %arg5[%get3A_68, %get3A_69] : memref<512x768xf32, #tpu.memory_space<vmem>>, vector<512x768xf32>
      %add3A_71 = arith.addf %get3A_70, %mul3A_61 : vector<512x768xf32>
      %swap3A = arith.constant 0 : index
      %swap3A_72 = arith.constant 0 : index
      %swap3A_73 = vector.load %arg5[%swap3A, %swap3A_72] : memref<512x768xf32, #tpu.memory_space<vmem>>, vector<512x768xf32>
      tpu.vector_store %arg5[%swap3A, %swap3A_72], %add3A_71 {strides = array<i32>} : memref<512x768xf32, #tpu.memory_space<vmem>>, vector<512x768xf32>,
    } else {
    }
    return
  }
  func.func @transform_0(%arg0: i32, %arg1: i32) -> (i32, i32, i32, i32, i32) {
    %c0_i32 = arith.constant 0 : i32
    %c0_i32_0 = arith.constant 0 : i32
    %c0_i32_1 = arith.constant 0 : i32
    %c0_i32_2 = arith.constant 0 : i32
    return %arg0, %arg1, %c0_i32, %c0_i32_0, %c0_i32_1 : i32, i32, i32, i32, i32
  }
  func.func @transform_1(%arg0: i32, %arg1: i32) -> (i32, i32) {
    %c0_i32 = arith.constant 0 : i32
    return %arg0, %arg1 : i32, i32
  }
  func.func @transform_2(%arg0: i32, %arg1: i32) -> (i32, i32) {
    %c0_i32 = arith.constant 0 : i32
    %c0_i32_0 = arith.constant 0 : i32
    %c0_i32_1 = arith.constant 0 : i32
    return %c0_i32, %c0_i32_0 : i32, i32
  }
  func.func @transform_3(%arg0: i32, %arg1: i32) -> (i32, i32) {
    %c0_i32 = arith.constant 0 : i32
    %c0_i32_0 = arith.constant 0 : i32
    return %arg0, %c0_i32 : i32, i32
  }
}

module attributes {stable_mosaic.version = 14 : i64} {
  func.func @_agg_body(%arg0: i32, %arg1: i32, %arg2: memref<1x1x4x512x128xf32, #tpu.memory_space<vmem>>, %arg3: memref<512x768xf32, #tpu.memory_space<vmem>>, %arg4: memref<8x768xf32, #tpu.memory_space<vmem>>, %arg5: memref<512x768xf32, #tpu.memory_space<vmem>>, %arg6: memref<512x768xf32, #tpu.memory_space<vmem>>) attributes {dimension_semantics = [#tpu.dimension_semantics<arbitrary>, #tpu.dimension_semantics<arbitrary>], iteration_bounds = array<i64: 8, 8>, scalar_prefetch = 0 : i64, scratch_operands = 0 : i64, tpu.core_type = #tpu.core_type<tc>, window_params = [{transform_indices = @transform_0, window_bounds = array<i64: 1, 1, 4, 512, 128>}, {transform_indices = @transform_1, window_bounds = array<i64: 512, 768>}, {pipeline_mode = #tpu.pipeline_mode<synchronous>, transform_indices = @transform_2, window_bounds = array<i64: 8, 768>}, {transform_indices = @transform_3, window_bounds = array<i64: 512, 768>}, {transform_indices = @transform_4, window_bounds = array<i64: 512, 768>}]} {
    %get3A = arith.constant 0 : index
    %get3A_0 = arith.constant 0 : index
    %get3A_1 = arith.constant 0 : index
    %get3A_2 = arith.constant 0 : index
    %get3A_3 = arith.constant 0 : index
    %get3A_4 = vector.load %arg2[%get3A, %get3A_0, %get3A_1, %get3A_2, %get3A_3] : memref<1x1x4x512x128xf32, #tpu.memory_space<vmem>>, vector<1x1x4x512x128xf32>
    %get3A_5 = vector.shape_cast %get3A_4 : vector<1x1x4x512x128xf32> to vector<4x512x128xf32>
    %broadcast_in_dim3A = arith.constant 0.000000e+00 : f32
    %broadcast_in_dim3A_6 = vector.broadcast %broadcast_in_dim3A : f32 to vector<512x768xf32>
    %broadcast_in_dim3A_7 = arith.constant 0.000000e+00 : f32
    %broadcast_in_dim3A_8 = vector.broadcast %broadcast_in_dim3A_7 : f32 to vector<512x1xf32>
    %get3A_9 = arith.constant 0 : index
    %get3A_10 = arith.constant 0 : index
    %get3A_11 = vector.load %arg3[%get3A_9, %get3A_10] : memref<512x768xf32, #tpu.memory_space<vmem>>, vector<512x768xf32>
    %slice3A = vector.extract_strided_slice %get3A_5 {offsets = [0, 0, 0], sizes = [1, 512, 128], strides = [1, 1, 1]} : vector<4x512x128xf32> to vector<1x512x128xf32>
    %squeeze3A = vector.shape_cast %slice3A : vector<1x512x128xf32> to vector<512x128xf32>
    %slice3A_12 = vector.extract_strided_slice %get3A_11 {offsets = [0, 0], sizes = [128, 768], strides = [1, 1]} : vector<512x768xf32> to vector<128x768xf32>
    %dot_general3A = arith.constant dense<0.000000e+00> : vector<512x768xf32>
    %dot_general3A_13 = tpu.matmul %squeeze3A, %slice3A_12, %dot_general3A {dimension_numbers = #tpu.dot_dimension_numbers<[1], [0], [0], [1], [0, 0, 1, 1], [], []>, transpose_lhs_hint = false} : vector<512x128xf32>, vector<128x768xf32>, vector<512x768xf32> -> vector<512x768xf32>
    %add3A = arith.addf %broadcast_in_dim3A_6, %dot_general3A_13 : vector<512x768xf32>
    %reduce_sum3A = arith.constant dense<0.000000e+00> : vector<512xf32>
    %reduce_sum3A_14 = vector.multi_reduction <add>, %squeeze3A, %reduce_sum3A [1] : vector<512x128xf32> to vector<512xf32>
    %broadcast_in_dim3A_15 = vector.shape_cast %reduce_sum3A_14 : vector<512xf32> to vector<512x1xf32>
    %add3A_16 = arith.addf %broadcast_in_dim3A_8, %broadcast_in_dim3A_15 : vector<512x1xf32>
    %slice3A_17 = vector.extract_strided_slice %get3A_5 {offsets = [1, 0, 0], sizes = [1, 512, 128], strides = [1, 1, 1]} : vector<4x512x128xf32> to vector<1x512x128xf32>
    %squeeze3A_18 = vector.shape_cast %slice3A_17 : vector<1x512x128xf32> to vector<512x128xf32>
    %slice3A_19 = vector.extract_strided_slice %get3A_11 {offsets = [128, 0], sizes = [128, 768], strides = [1, 1]} : vector<512x768xf32> to vector<128x768xf32>
    %dot_general3A_20 = arith.constant dense<0.000000e+00> : vector<512x768xf32>
    %dot_general3A_21 = tpu.matmul %squeeze3A_18, %slice3A_19, %dot_general3A_20 {dimension_numbers = #tpu.dot_dimension_numbers<[1], [0], [0], [1], [0, 0, 1, 1], [], []>, transpose_lhs_hint = false} : vector<512x128xf32>, vector<128x768xf32>, vector<512x768xf32> -> vector<512x768xf32>
    %add3A_22 = arith.addf %add3A, %dot_general3A_21 : vector<512x768xf32>
    %reduce_sum3A_23 = arith.constant dense<0.000000e+00> : vector<512xf32>
    %reduce_sum3A_24 = vector.multi_reduction <add>, %squeeze3A_18, %reduce_sum3A_23 [1] : vector<512x128xf32> to vector<512xf32>
    %broadcast_in_dim3A_25 = vector.shape_cast %reduce_sum3A_24 : vector<512xf32> to vector<512x1xf32>
    %add3A_26 = arith.addf %add3A_16, %broadcast_in_dim3A_25 : vector<512x1xf32>
    %slice3A_27 = vector.extract_strided_slice %get3A_5 {offsets = [2, 0, 0], sizes = [1, 512, 128], strides = [1, 1, 1]} : vector<4x512x128xf32> to vector<1x512x128xf32>
    %squeeze3A_28 = vector.shape_cast %slice3A_27 : vector<1x512x128xf32> to vector<512x128xf32>
    %slice3A_29 = vector.extract_strided_slice %get3A_11 {offsets = [256, 0], sizes = [128, 768], strides = [1, 1]} : vector<512x768xf32> to vector<128x768xf32>
    %dot_general3A_30 = arith.constant dense<0.000000e+00> : vector<512x768xf32>
    %dot_general3A_31 = tpu.matmul %squeeze3A_28, %slice3A_29, %dot_general3A_30 {dimension_numbers = #tpu.dot_dimension_numbers<[1], [0], [0], [1], [0, 0, 1, 1], [], []>, transpose_lhs_hint = false} : vector<512x128xf32>, vector<128x768xf32>, vector<512x768xf32> -> vector<512x768xf32>
    %add3A_32 = arith.addf %add3A_22, %dot_general3A_31 : vector<512x768xf32>
    %reduce_sum3A_33 = arith.constant dense<0.000000e+00> : vector<512xf32>
    %reduce_sum3A_34 = vector.multi_reduction <add>, %squeeze3A_28, %reduce_sum3A_33 [1] : vector<512x128xf32> to vector<512xf32>
    %broadcast_in_dim3A_35 = vector.shape_cast %reduce_sum3A_34 : vector<512xf32> to vector<512x1xf32>
    %add3A_36 = arith.addf %add3A_26, %broadcast_in_dim3A_35 : vector<512x1xf32>
    %slice3A_37 = vector.extract_strided_slice %get3A_5 {offsets = [3, 0, 0], sizes = [1, 512, 128], strides = [1, 1, 1]} : vector<4x512x128xf32> to vector<1x512x128xf32>
    %squeeze3A_38 = vector.shape_cast %slice3A_37 : vector<1x512x128xf32> to vector<512x128xf32>
    %slice3A_39 = vector.extract_strided_slice %get3A_11 {offsets = [384, 0], sizes = [128, 768], strides = [1, 1]} : vector<512x768xf32> to vector<128x768xf32>
    %dot_general3A_40 = arith.constant dense<0.000000e+00> : vector<512x768xf32>
    %dot_general3A_41 = tpu.matmul %squeeze3A_38, %slice3A_39, %dot_general3A_40 {dimension_numbers = #tpu.dot_dimension_numbers<[1], [0], [0], [1], [0, 0, 1, 1], [], []>, transpose_lhs_hint = false} : vector<512x128xf32>, vector<128x768xf32>, vector<512x768xf32> -> vector<512x768xf32>
    %add3A_42 = arith.addf %add3A_32, %dot_general3A_41 : vector<512x768xf32>
    %reduce_sum3A_43 = arith.constant dense<0.000000e+00> : vector<512xf32>
    %reduce_sum3A_44 = vector.multi_reduction <add>, %squeeze3A_38, %reduce_sum3A_43 [1] : vector<512x128xf32> to vector<512xf32>
    %broadcast_in_dim3A_45 = vector.shape_cast %reduce_sum3A_44 : vector<512xf32> to vector<512x1xf32>
    %add3A_46 = arith.addf %add3A_36, %broadcast_in_dim3A_45 : vector<512x1xf32>
    %add3A_47 = arith.constant 9.99999971E-10 : f32
    %add3A_48 = vector.broadcast %add3A_47 : f32 to vector<512x1xf32>
    %add3A_49 = arith.addf %add3A_46, %add3A_48 : vector<512x1xf32>
    %div3A = vector.broadcast %add3A_49 : vector<512x1xf32> to vector<512x768xf32>
    %div3A_50 = arith.divf %add3A_42, %div3A : vector<512x768xf32>
    %get3A_51 = arith.index_cast %arg1 : i32 to index
    %get3A_52 = arith.constant 0 : index
    %get3A_53 = vector.load %arg4[%get3A_51, %get3A_52] : memref<8x768xf32, #tpu.memory_space<vmem>>, vector<1x768xf32>
    %add3A_54 = vector.broadcast %get3A_53 : vector<1x768xf32> to vector<512x768xf32>
    %add3A_55 = arith.addf %div3A_50, %add3A_54 : vector<512x768xf32>
    %gt3A = arith.constant 0.000000e+00 : f32
    %gt3A_56 = vector.broadcast %gt3A : f32 to vector<512x768xf32>
    %gt3A_57 = arith.cmpf ogt, %add3A_55, %gt3A_56 : vector<512x768xf32>
    %exp3A = math.exp %add3A_55 : vector<512x768xf32>
    %sub3A = arith.constant 1.000000e+00 : f32
    %sub3A_58 = vector.broadcast %sub3A : f32 to vector<512x768xf32>
    %sub3A_59 = arith.subf %exp3A, %sub3A_58 : vector<512x768xf32>
    %select_n3A = arith.select %gt3A_57, %add3A_55, %sub3A_59 : vector<512x768xi1>, vector<512x768xf32>
    %mul3A = arith.constant 1.250000e-01 : f32
    %mul3A_60 = vector.broadcast %mul3A : f32 to vector<512x768xf32>
    %mul3A_61 = arith.mulf %select_n3A, %mul3A_60 : vector<512x768xf32>
    %eq3A = arith.constant 0 : i32
    %eq3A_62 = arith.cmpi eq, %arg1, %eq3A : i32
    %convert_element_type3A = arith.extui %eq3A_62 : i1 to i32
    %cond3A = arith.constant 0 : i32
    %cond3A_63 = arith.cmpi ne, %convert_element_type3A, %cond3A : i32
    scf.if %cond3A_63 {
      %get3A_68 = arith.constant 0 : index
      %get3A_69 = arith.constant 0 : index
      %get3A_70 = vector.load %arg5[%get3A_68, %get3A_69] : memref<512x768xf32, #tpu.memory_space<vmem>>, vector<512x768xf32>
      %add3A_71 = arith.addf %get3A_70, %mul3A_61 : vector<512x768xf32>
      %swap3A = arith.constant 0 : index
      %swap3A_72 = arith.constant 0 : index
      %swap3A_73 = vector.load %arg6[%swap3A, %swap3A_72] : memref<512x768xf32, #tpu.memory_space<vmem>>, vector<512x768xf32>
      tpu.vector_store %arg6[%swap3A, %swap3A_72], %add3A_71 {strides = array<i32>} : memref<512x768xf32, #tpu.memory_space<vmem>>, vector<512x768xf32>,
    } else {
    }
    %ne3A = arith.constant 0 : i32
    %ne3A_64 = arith.cmpi ne, %arg1, %ne3A : i32
    %convert_element_type3A_65 = arith.extui %ne3A_64 : i1 to i32
    %cond3A_66 = arith.constant 0 : i32
    %cond3A_67 = arith.cmpi ne, %convert_element_type3A_65, %cond3A_66 : i32
    scf.if %cond3A_67 {
      %get3A_68 = arith.constant 0 : index
      %get3A_69 = arith.constant 0 : index
      %get3A_70 = vector.load %arg6[%get3A_68, %get3A_69] : memref<512x768xf32, #tpu.memory_space<vmem>>, vector<512x768xf32>
      %add3A_71 = arith.addf %get3A_70, %mul3A_61 : vector<512x768xf32>
      %swap3A = arith.constant 0 : index
      %swap3A_72 = arith.constant 0 : index
      %swap3A_73 = vector.load %arg6[%swap3A, %swap3A_72] : memref<512x768xf32, #tpu.memory_space<vmem>>, vector<512x768xf32>
      tpu.vector_store %arg6[%swap3A, %swap3A_72], %add3A_71 {strides = array<i32>} : memref<512x768xf32, #tpu.memory_space<vmem>>, vector<512x768xf32>,
    } else {
    }
    return
  }
  func.func @transform_0(%arg0: i32, %arg1: i32) -> (i32, i32, i32, i32, i32) {
    %c0_i32 = arith.constant 0 : i32
    %c0_i32_0 = arith.constant 0 : i32
    %c0_i32_1 = arith.constant 0 : i32
    %c0_i32_2 = arith.constant 0 : i32
    return %arg0, %arg1, %c0_i32, %c0_i32_0, %c0_i32_1 : i32, i32, i32, i32, i32
  }
  func.func @transform_1(%arg0: i32, %arg1: i32) -> (i32, i32) {
    %c0_i32 = arith.constant 0 : i32
    return %arg0, %arg1 : i32, i32
  }
  func.func @transform_2(%arg0: i32, %arg1: i32) -> (i32, i32) {
    %c0_i32 = arith.constant 0 : i32
    %c0_i32_0 = arith.constant 0 : i32
    %c0_i32_1 = arith.constant 0 : i32
    return %c0_i32, %c0_i32_0 : i32, i32
  }
  func.func @transform_3(%arg0: i32, %arg1: i32) -> (i32, i32) {
    %c0_i32 = arith.constant 0 : i32
    %c0_i32_0 = arith.constant 0 : i32
    return %arg0, %c0_i32 : i32, i32
  }
  func.func @transform_4(%arg0: i32, %arg1: i32) -> (i32, i32) {
    %c0_i32 = arith.constant 0 : i32
    %c0_i32_0 = arith.constant 0 : i32
    return %arg0, %c0_i32 : i32, i32
  }
}

</mosaic_0001>

<sc_bundles>
// kernel: kernel.12.cloned.1.call-start
scs
__scs_entry_jumppad:
0x0: {  	(pc) =	sbr.rel $0x88, $3  }
0x1: {  	(tag) =	ssettag $0x0;
	lr =	simm.s32 $0x1  }
0x2: {  	[smem:$0x3F93] =	sst lr;
	_ =	strace $0xD0000000  }
0x3: {  	_ = 	snop  }
0x4: {  	_ = 	snop  }
0x5: {  	_ = 	snop  }
0x6: {  	_ = 	snop  }
0x7: {  	_ = 	snop  }
__scs_overlays_trampoline_lowered:
0x8: {  	[smem:$0x3FA2] =	sst s0  }
0x9: {  	[smem:$0x3FA3] =	sst s1  }
0xa: {  	[smem:$0x3FA4] =	sst s2  }
0xb: {  	[smem:$0x3FA5] =	sst s3  }
0xc: {  	[smem:$0x3FA6] =	sst s4  }
0xd: {  	[smem:$0x3FA7] =	sst s5  }
0xe: {  	[smem:$0x3FA8] =	sst s6  }
0xf: {  	[smem:$0x3FA9] =	sst s7  }
0x10: {  	[smem:$0x3FAA] =	sst s8  }
0x11: {  	[smem:$0x3FAB] =	sst s9;
	s0 =	simm.s32 @!p0 $0x0  }
0x12: {  	s1 =	sld [smem:$0x3F91];
	s0 =	simm.s32 @p0 $0x1  }
0x13: {  	[smem:$0x3FAC] =	sst s0;
	s0 =	simm.s32 @!p1 $0x0  }
0x14: {  	s2 =	sld [smem:$0x3F90];
	s0 =	simm.s32 @p1 $0x1  }
0x15: {  	[smem:$0x3FAD] =	sst s0;
	s0 =	simm.s32 @!p2 $0x0  }
0x16: {  	s3 =	sld [smem:$0x3FDB];
	s0 =	simm.s32 @p2 $0x1  }
0x17: {  	s4 =	simm.s32 $0x1BF5;
	[smem:$0x3FAF] =	sst s0  }
0x18: {  	s0 =	sld [smem:$0x3F92];
	_ =	swait.ge [sflag:s4], $0x0  }
0x19: {  	s7 =	sld [smem:$0x3F93]  }
0x1a: {  	s8 =	sadd.s32 $0xFFFFE003, lr  }
0x1b: {  	s9 =	sadd.s32 $0xFFFFFEF7, lr;
	s5 =	simm.s32 $0xFFFFFFFF;
	p2 =	slt.u32 s8, $0xFFFFF086  }
0x1c: {  	p1 =	slt.u32 s9, $0xF7A;
	s5 =	simm.s32 @!p2 $0x0  }
0x1d: {  	s5 =	simm.s32 @p1 $0x1;
	p0 =	seq.s32 s7, s2  }
0x1e: {  	s7 =	smul.u32 @!p0 $0xF7A, s2;
	p2 =	seq.s32 @!p0 s5, $0x0  }
0x1f: {  	s9 =	smul.u32 $0xF7A, s1;
	s8 =	simm.s32 @!p0 $0x1BF5;
	p2 =	por !p2, p0  }
0x20: {  	[sflag:s8] =	ssyncset.s32 @!p0 $0xFFFFF086;
	s6 =	sadd.s32 @!p0 s3, s7;
	s7 =	simm.s32 @!p0 $0x108  }
0x21: {  	s3 =	sadd.s32 s3, s9;
	s6 =	sadd.s32 @!p0 $0x88, s6;
	s7 =	simm.s32 @p2 $0x1082  }
0x22: {  	[simem:s7], [sflag:s8] =	dma.local @!p0 [hbm:s6], $0xF7A  }
0x23: {  	s9 =	sor.u32 $0xD0000000, s2;
	s6 =	simm.s32 $0x108;
	_ =	swait.ge @!p0 [sflag:s8], $0x0  }
0x24: {  	s3 =	sadd.s32 $0x88, s3;
	s6 =	simm.s32 @!p1 $0x1082;
	[sflag:s4] =	ssyncset.s32 $0xFFFFF086  }
0x25: {  	[simem:s6], [sflag:s4] =	dma.local [hbm:s3], $0xF7A  }
0x26: {  	[smem:$0x3F93] =	sst s1;
	(tag) =	ssettag s2;
	_ =	strace s9  }
0x27: {  	s1 =	sld [smem:$0x3FA3]  }
0x28: {  	s2 =	sld [smem:$0x3FA4]  }
0x29: {  	s4 =	sld [smem:$0x3FA6]  }
0x2a: {  	p0 =	seq.s32 s5, $0x0;
	s5 =	sld [smem:$0x3FA7]  }
0x2b: {  	s6 =	sld [smem:$0x3FA8]  }
0x2c: {  	s7 =	sld [smem:$0x3FA9]  }
0x2d: {  	s3 =	simm.s32 $0x108;
	s8 =	sld [smem:$0x3FAA]  }
0x2e: {  	s3 =	simm.s32 @!p0 $0x1082;
	s9 =	sld [smem:$0x3FAB]  }
0x2f: {  	lr =	sadd.s32 s0, s3;
	s0 =	sld [smem:$0x3FA2]  }
0x30: {  	s3 =	sld [smem:$0x3FA5]  }
0x31: {  	[smem:$0x3FAE] =	sst s10  }
0x32: {  	s10 =	sld [smem:$0x3FAC];
	_ =	sdelay $0x3  }
0x33: {  	p0 =	seq.s32 s10, $0x1;
	s10 =	sld [smem:$0x3FAE];
	_ =	sdelay $0x3  }
0x34: {  	[smem:$0x3FAE] =	sst s10  }
0x35: {  	s10 =	sld [smem:$0x3FAD];
	_ =	sdelay $0x3  }
0x36: {  	p1 =	seq.s32 s10, $0x1;
	s10 =	sld [smem:$0x3FAE];
	_ =	sdelay $0x3  }
0x37: {  	[smem:$0x3FAE] =	sst s10  }
0x38: {  	s10 =	sld [smem:$0x3FAF]  }
0x39: {  	_ = 	snop;
	(pc) =	sbr.ind lr, $3  }
0x3a: {  	_ = 	snop  }
0x3b: {  	_ = 	snop  }
0x3c: {  	p2 =	seq.s32 s10, $0x1;
	s10 =	sld [smem:$0x3FAE]  }
0x3d: {  	_ =	shalt  }
0x3e: {  	_ =	shalt  }
0x3f: {  	_ =	shalt  }
0x40: {  	_ =	shalt  }
0x41: {  	_ =	shalt  }
0x42: {  	_ =	shalt  }
0x43: {  	_ =	shalt  }
0x44: {  	_ =	shalt  }
0x45: {  	_ =	shalt  }
0x46: {  	_ =	shalt  }
0x47: {  	_ =	shalt  }
0x48: {  	_ =	shalt  }
0x49: {  	_ =	shalt  }
0x4a: {  	_ =	shalt  }
0x4b: {  	_ =	shalt  }
0x4c: {  	_ =	shalt  }
0x4d: {  	_ =	shalt  }
0x4e: {  	_ =	shalt  }
0x4f: {  	_ =	shalt  }
0x50: {  	_ =	shalt  }
0x51: {  	_ =	shalt  }
0x52: {  	_ =	shalt  }
0x53: {  	_ =	shalt  }
0x54: {  	_ =	shalt  }
0x55: {  	_ =	shalt  }
0x56: {  	_ =	shalt  }
0x57: {  	_ =	shalt  }
0x58: {  	_ =	shalt  }
0x59: {  	_ =	shalt  }
0x5a: {  	_ =	shalt  }
0x5b: {  	_ =	shalt  }
0x5c: {  	_ =	shalt  }
0x5d: {  	_ =	shalt  }
0x5e: {  	_ =	shalt  }
0x5f: {  	_ =	shalt  }
0x60: {  	_ =	shalt  }
0x61: {  	_ =	shalt  }
0x62: {  	_ =	shalt  }
0x63: {  	_ =	shalt  }
0x64: {  	_ =	shalt  }
0x65: {  	_ =	shalt  }
0x66: {  	_ =	shalt  }
0x67: {  	_ =	shalt  }
0x68: {  	_ =	shalt  }
0x69: {  	_ =	shalt  }
0x6a: {  	_ =	shalt  }
0x6b: {  	_ =	shalt  }
0x6c: {  	_ =	shalt  }
0x6d: {  	_ =	shalt  }
0x6e: {  	_ =	shalt  }
0x6f: {  	_ =	shalt  }
0x70: {  	_ =	shalt  }
0x71: {  	_ =	shalt  }
0x72: {  	_ =	shalt  }
0x73: {  	_ =	shalt  }
0x74: {  	_ =	shalt  }
0x75: {  	_ =	shalt  }
0x76: {  	_ =	shalt  }
0x77: {  	_ =	shalt  }
0x78: {  	_ =	shalt  }
0x79: {  	_ =	shalt  }
0x7a: {  	_ =	shalt  }
0x7b: {  	_ =	shalt  }
0x7c: {  	_ =	shalt  }
0x7d: {  	_ =	shalt  }
0x7e: {  	_ =	shalt  }
0x7f: {  	_ =	shalt  }
0x80: {  	_ =	shalt  }
0x81: {  	_ =	shalt  }
0x82: {  	_ =	shalt  }
0x83: {  	_ =	shalt  }
0x84: {  	_ =	shalt  }
0x85: {  	_ =	shalt  }
0x86: {  	_ =	shalt  }
0x87: {  	_ =	shalt  }
.Lfunc_end0:
.L_simem_size_0:
called_computation.1_lowered:
.L_overlay_start_0:
0x88: {  	s2 =	sld [smem:$0x3FD9]  }
0x89: {  	s3 =	sld [smem:$0x3FFE];
	_ =	sdelay $0x1  }
0x8a: {  	s1 =	srdreg.scid  }
0x8b: {  	s0 =	sand.u32 $0x1, s1  }
0x8c: {  	s17 =	sshll.u32 s0, $0xA;
	s2 =	sadd.s32 s3, s2  }
0x8d: {  	s2 =	sadd.s32 s2, s17  }
0x8e: {  	[smem:$0x3FBA] =	sst s2  }
0x8f: {  	_ = 	snop  }
0x90: {  	s2 =	sld [smem:$0x3FC8];
	(tm) =	ssettm $0x1  }
0x91: {  	s18 =	sld [smem:$0x3FFB];
	_ =	sdelay $0x3  }
0x92: {  	_ =	strace s18  }
0x93: {  	s3 =	sld [smem:$0x3FFC];
	_ =	sdelay $0x3  }
0x94: {  	_ =	strace s3  }
0x95: {  	s3 =	sld [smem:$0x3FFD];
	_ =	sdelay $0x3  }
0x96: {  	_ =	strace s3  }
0x97: {  	_ =	strace $0x8FFFFFFF  }
0x98: {  	s19 =	sld [smem:$0x3FDB];
	_ =	sdelay $0x1  }
0x99: {  	s4 =	simm.s32 $_scs_section_size  }
0x9a: {  	s5 =	simm.s32 $_size__tile_overlayer_lowered;
	s6 =	simm.s32 $_tile_overlayer_lowered  }
0x9b: {  	s22 =	simm.s32 $0x1BFF;
	s21 =	sshll.u32 s6, $0x1;
	s3 =	sadd.s32 s4, s19  }
0x9c: {  	s7 =	simm.s32 $0x0;
	s20 =	sshll.u32 s5, $0x1;
	s5 =	sadd.s32 s21, s3  }
0x9d: {  	[timem:s7], [sflag:s22] =	dma.local [hbm:s5], s20  }
0x9e: {  	_ =	swait.ge [sflag:s22], s20  }
0x9f: {  	s4 =	ssub.s32 $0x0, s20;
	[sflag:s22] =	ssyncset.done $0x0  }
0xa0: {  	[sflag:s22] =	ssyncadd.s32 s4;
	_ =	sdelay $0x1  }
0xa1: {  	s23 =	simm.s32 $0x1B8B  }
0xa2: {  	_ =	swait.ge [sflag:s23], $0x1  }
0xa3: {  	[sflag:s23] =	ssyncset.done $0x0  }
0xa4: {  	s25 =	simm.s32 $0x1B8E;
	s24 =	sld [smem:$0x3FFE];
	[sflag:s23] =	ssyncadd.s32 $0xFFFFFFFF  }
0xa5: {  	s26 =	simm.s32 $execute0_lowered;
	[smem:$0x3FD2] =	sst s25  }
0xa6: {  	s5 =	sshll.u32 s26, $0x1;
	_ =	strace $0x80000049;
	[dreg:$0x1] =	wrdreg $0xFFFFFFFF  }
0xa7: {  	s28 =	simm.s32 $_size_execute0_lowered;
	s3 =	sadd.s32 s3, s5;
	[dreg:$0x0] =	wrdreg $0x0  }
0xa8: {  	s5 =	sshll.u32 s28, $0x1;
	[dreg:$0x2] =	wrdreg s3  }
0xa9: {  	[dreg:$0x3] =	wrdreg s5  }
0xaa: {  	[dreg:$0x4] =	wrdreg $0xC0  }
0xab: {  	_ =	task [dreg:s7], $0x5FFFF  }
0xac: {  	[dreg:$0x1] =	wrdreg $0xFFFFFFFF  }
0xad: {  	[dreg:$0x0] =	wrdreg $0x60  }
0xae: {  	[dreg:$0x2] =	wrdreg s24  }
0xaf: {  	[dreg:$0x3] =	wrdreg s2  }
0xb0: {  	[dreg:$0x4] =	wrdreg $0x9  }
0xb1: {  	_ =	task.clear_ibuf [dreg:s7], $0x5FFFF;
	_ =	strace $0x90000049  }
0xb2: {  	s29 =	simm.s32 $0x9;
	_ =	strace $0x8000004B  }
0xb3: {  	_ =	swait.ge [sflag:s29], $0x1  }
0xb4: {  	[sflag:s29] =	ssyncadd.s32 $0xFFFFFFFF  }
0xb5: {  	_ =	strace $0x9000004B  }
0xb6: {  	_ =	sfence  }
0xb7: {  	s30 =	sld [smem:$0x0];
	_ =	sdelay $0x2  }
0xb8: {  	s31 =	sshll.u32 s1, $0xD;
	s1 =	sshrl.u32 s1, $0x2  }
0xb9: {  	s3 =	sand.u32 $0x4000, s31;
	s1 =	sadd.s32 s1, s30  }
0xba: {  	s0 =	sor.u32 s3, s0;
	s1 =	sshll.u32 s1, $0x11  }
0xbb: {  	s0 =	sor.u32 s1, s0  }
0xbc: {  	s0 =	sadd.s32 $0x8F2B, s0  }
0xbd: {  	[sflag:s0] =	ssyncadd.remote.s32 $0x1  }
0xbe: {  	_ =	sfence.sel $0xFFFF  }
0xbf: {  	[dreg:$0x0] =	wrdreg $0xFFFFFFFF;
	(pc) =	sbr.abs _section_cstart, $3  }
0xc0: {  	[dreg:$0x1] =	wrdreg $0xFFFFFFFF  }
0xc1: {  	_ =	task.clear_ibuf [dreg:s7], $0x2FFFF;
	_ =	strace $0x9FFFFFFF  }
0xc2: {  	(tm) =	ssettm $0x7FFFFFFF  }
0xc3: {  	_ =	shalt  }
tec
execute0_lowered:
.L_overlay_start_1:
0x0: {  	(tag) =	ssettag $0x1  }
0x1: {  	s10 =	rddreg [dreg:$0x0]  }
0x2: {  	s2 =	rddreg [dreg:$0x1];
	s1 =	stileid.u32  }
0x3: {  	s0 =	rddreg [dreg:$0x2];
	s3 =	simm.s32 $0x0;
	s5 =	srdreg.scid  }
0x4: {  	s19 =	simm.s32 $0x1;
	s20 =	simm.s32 $0x800;
	s21 =	simm.s32 $0x400  }
0x5: {  	s22 =	simm.s32 $0x1000;
	s23 =	simm.s32 $0x2000;
	s26 =	simm.s32 $0x0  }
0x6: {  	s7 =	sshrl.u32 s1, $0x1;
	[smem:$0x7FF] =	sst s3;
	s5 =	sand.u32 $0x1, s5  }
0x7: {  	s9 =	sshll.u32 s1, $0x1;
	s12 =	sadd.s32 $0x305C00, s10;
	s14 =	sadd.s32 $0x305C10, s10  }
0x8: {  	s17 =	sadd.s32 $0x305C20, s10;
	s18 =	sadd.s32 $0x305C30, s10;
	s4 =	sshll.u32 s7, $0x4  }
0x9: {  	_ =	strace $0x8000004A;
	s6 =	ssub.s32 $0x2, s5;
	s9 =	sand.u32 $0x2, s9  }
0xa: {  	s30 =	sshll.u32 s7, $0x15;
	s8 =	sadd.s32 s4, s10;
	s4 =	sadd.s32 $0x303C00, s10  }
0xb: {  	s11 =	sshrl.u32 s6, $0x1;
	s9 =	sor.u32 s5, s9;
	s5 =	sadd.s32 $0x10, s2  }
0xc: {  	s16 =	ssub.s32 s6, s11;
	s6 =	sadd.s32 $0x301C00, s8;
	s13 =	sshll.u32 s9, $0x13  }
0xd: {  	s7 =	sadd.s32 $0x302C00, s8;
	s24 =	sshll.u32 s9, $0x1;
	s25 =	sshllo.u32 s9, $0x1  }
0xe: {  	s31 =	sor.u32 s30, s13;
	s15 =	sshll.u32 s25, $0x12;
	s16 =	smax.u32 s16, $0x1  }
0xf: {  	v0 =	vmov s24;
	v1 =	vmov s25;
	s24 =	simm.s32 $0x3000;
	s25 =	simm.s32 $0x200;
	s13 =	sshrl.u32 s31, $0x3  }
0x10: {  	s15 =	sor.u32 s30, s15;
	s8 =	sadd.s32 s12, s13;
	s9 =	sadd.s32 s13, s14  }
0x11: {  	s10 =	sadd.s32 s13, s17;
	s11 =	sadd.s32 s13, s18;
	s15 =	sshrl.u32 s15, $0x3  }
0x12: {  	s12 =	sadd.s32 s12, s15;
	s13 =	sadd.s32 s15, s14;
	s14 =	sadd.s32 s15, s17  }
0x13: {  	s15 =	sadd.s32 s15, s18;
	s17 =	simm.s32 $0x80;
	s18 =	simm.s32 $0x100  }
.LBB2_1:
0x14: {  	[tilespmem:s3], [sflag:$0x1] =	stream.strided.gather [hbm4b:s2+s17], $0x800, s18, s17, $0x38;
	[tilespmem:$0x13000] =	vst v63  }
0x15: {  	_ =	swait.ge [sflag:s19], $0x800  }
0x16: {  	[sflag:s19] =	ssyncset.done $0x0  }
0x17: {  	[sflag:s19] =	ssyncadd.s32 $0xFFFFF800  }
0x18: {  	[tilespmem:s20], [sflag:$0x1] =	stream.strided.gather [hbm4b:s5+s17], $0x800, s18, s17, $0x38;
	[tilespmem:$0x13000] =	vst v63  }
0x19: {  	_ =	swait.ge [sflag:s19], $0x800  }
0x1a: {  	[sflag:s19] =	ssyncset.done $0x0  }
0x1b: {  	[sflag:s19] =	ssyncadd.s32 $0xFFFFF800  }
0x1c: {  	[tilespmem:s22], [sflag:$0x1] =	stream.strided.gather [hbm4b:s6+s17], $0x1000, s21, s17, $0x38;
	[tilespmem:$0x13000] =	vst v63  }
0x1d: {  	_ =	swait.ge [sflag:s19], $0x1000  }
0x1e: {  	[sflag:s19] =	ssyncset.done $0x0  }
0x1f: {  	[sflag:s19] =	ssyncadd.s32 $0xFFFFF000  }
0x20: {  	[tilespmem:s23], [sflag:$0x1] =	stream.strided.gather [hbm4b:s7+s17], $0x1000, s21, s17, $0x38;
	[tilespmem:$0x13000] =	vst v63  }
0x21: {  	_ =	swait.ge [sflag:s19], $0x1000  }
0x22: {  	[sflag:s19] =	ssyncset.done $0x0  }
0x23: {  	[sflag:s19] =	ssyncadd.s32 $0xFFFFF000  }
0x24: {  	[tilespmem:s24], [sflag:$0x1] =	stream.linear.gather [hbm4b:s4+s3], $0x10000, $0x38;
	[tilespmem:$0x13000] =	vst v63  }
0x25: {  	_ =	swait.ge [sflag:s19], $0x10000  }
0x26: {  	[sflag:s19] =	ssyncset.done $0x0  }
0x27: {  	s29 =	simm.s32 $0x0;
	[sflag:s19] =	ssyncadd.s32 $0xFFFF0000  }
0x28: {  	s28 =	simm.s32 $0x40;
	v2 =	vld [tilespmem:s29+$0x800]  }
.LBB2_2:
0x29: {  	p0 =	sne.s32 s28, $0x1F00;
	v3 =	vld [tilespmem:s29+$0x0];
	_ =	sdelay $0x3  }
0x2a: {  	v4 =	vshll.u32 v2, $0x3  }
0x2b: {  	v5 =	vshll.u32 v3, $0x3;
	v4 =	vor.u32 v0, v4  }
0x2c: {  	v5 =	vor.u32 v0, v5;
	_ =	sdelay $0x3  }
0x2d: {  	v4 =	vld.idx.msk [tilespmem:v4+s23+$0x0], $0xffff  }
0x2e: {  	v5 =	vld.idx.msk [tilespmem:v5+s22+$0x0], $0xffff;
	_ =	sdelay $0x5  }
0x2f: {  	v4 =	vadd.f32 v4, v5;
	_ =	sdelay $0x1  }
0x30: {  	v5 =	vmul.f32 $2.000000030e-01, v4  }
0x31: {  	vm0 =	vgt.f32 v4, $0.0e+00  }
0x32: {  	v4 =	vsel vm0, v4, v5  }
0x33: {  	v4 =	vmul.f32 $1.442695020e+00, v4;
	_ =	sdelay $0x1  }
0x34: {  	(erf) = vpow2.f32 v4;
	_ =	sdelay $0x2  }
0x35: {  	v2 =	vshll.u32 v2, $0x7  }
0x36: {  	v2 =	vadd.s32 v3, v2;
	vm0 =	vlt.u32 v3, $0x80  }
0x37: {  	v2 =	vnsel vm0, $0x0, v2;
	_ =	sdelay $0x1  }
.Ltmp0:
0x38: {  	(pc) =	sbr.rel @p0 .LBB2_2-.Ltmp0, $4  }
0x39: {  	_ = 	snop  }
0x3a: {  	v3 =	vpop (erf)  }
0x3b: {  	s29 =	sshra.s32 s28, $0x2;
	[tilespmem:v2+s24+$0x0] =	vst.idx.add.f32.msk vm0, v3  }
0x3c: {  	s28 =	sadd.s32 $0x40, s28;
	v2 =	vld [tilespmem:s29+$0x800]  }
0x3d: {  	v3 =	vld [tilespmem:s29+$0x0];
	_ =	sdelay $0x3  }
0x3e: {  	v4 =	vshll.u32 v2, $0x3  }
0x3f: {  	v5 =	vshll.u32 v3, $0x3;
	v4 =	vor.u32 v0, v4  }
0x40: {  	v5 =	vor.u32 v0, v5;
	_ =	sdelay $0x3  }
0x41: {  	v4 =	vld.idx.msk [tilespmem:v4+s23+$0x0], $0xffff  }
0x42: {  	v5 =	vld.idx.msk [tilespmem:v5+s22+$0x0], $0xffff;
	_ =	sdelay $0x4  }
0x43: {  	v4 =	vadd.f32 v4, v5;
	_ =	sdelay $0x1  }
0x44: {  	v5 =	vmul.f32 $2.000000030e-01, v4  }
0x45: {  	vm0 =	vgt.f32 v4, $0.0e+00  }
0x46: {  	v4 =	vsel vm0, v4, v5  }
0x47: {  	v4 =	vmul.f32 $1.442695020e+00, v4;
	_ =	sdelay $0x1  }
0x48: {  	(erf) = vpow2.f32 v4;
	_ =	sdelay $0x2  }
0x49: {  	v2 =	vshll.u32 v2, $0x7  }
0x4a: {  	vm15 =	vlt.u32 v3, $0x80;
	v2 =	vadd.s32 v3, v2  }
0x4b: {  	v2 =	vnsel vm15, $0x0, v2;
	_ =	sdelay $0x3  }
0x4c: {  	v3 =	vpop (erf)  }
0x4d: {  	[tilespmem:v2+s24+$0x0] =	vst.idx.add.f32.msk vm15, v3  }
0x4e: {  	[hbm4b:s8+s17] =	stream.strided.scatter [tilespmem:s24], [sflag:$0x1], $0x10000, s25, s17, $0x38;
	[tilespmem:$0x13000] =	vst v63  }
0x4f: {  	_ =	swait.ge [sflag:s19], $0x10000  }
0x50: {  	[sflag:s19] =	ssyncset.done $0x0  }
0x51: {  	s28 =	simm.s32 $0x0;
	[sflag:s19] =	ssyncadd.s32 $0xFFFF0000  }
0x52: {  	[tilespmem:s24], [sflag:$0x1] =	stream.linear.gather [hbm4b:s4+s28], $0x10000, $0x38;
	[tilespmem:$0x13000] =	vst v63  }
0x53: {  	_ =	swait.ge [sflag:s19], $0x10000  }
0x54: {  	[sflag:s19] =	ssyncset.done $0x0  }
0x55: {  	s29 =	simm.s32 $0x0;
	[sflag:s19] =	ssyncadd.s32 $0xFFFF0000  }
0x56: {  	s28 =	simm.s32 $0x40;
	v2 =	vld [tilespmem:s29+$0x800]  }
.LBB2_4:
0x57: {  	p0 =	sne.s32 s28, $0x1F00;
	v3 =	vld [tilespmem:s29+$0x0];
	_ =	sdelay $0x3  }
0x58: {  	v4 =	vshll.u32 v2, $0x3  }
0x59: {  	v5 =	vshll.u32 v3, $0x3;
	v4 =	vor.u32 v0, v4  }
0x5a: {  	v5 =	vor.u32 v0, v5;
	_ =	sdelay $0x3  }
0x5b: {  	v4 =	vld.idx.msk [tilespmem:v4+s23+$0x0], $0xffff  }
0x5c: {  	v5 =	vld.idx.msk [tilespmem:v5+s22+$0x0], $0xffff;
	_ =	sdelay $0x5  }
0x5d: {  	v4 =	vadd.f32 v4, v5;
	_ =	sdelay $0x1  }
0x5e: {  	v5 =	vmul.f32 $2.000000030e-01, v4  }
0x5f: {  	vm0 =	vgt.f32 v4, $0.0e+00  }
0x60: {  	v4 =	vsel vm0, v4, v5  }
0x61: {  	v4 =	vmul.f32 $1.442695020e+00, v4;
	_ =	sdelay $0x1  }
0x62: {  	(erf) = vpow2.f32 v4;
	_ =	sdelay $0x1  }
0x63: {  	v2 =	vshll.u32 v2, $0x7  }
0x64: {  	v2 =	vadd.s32 v2, v3;
	v3 =	vand.u32 $0xFFFFFF80, v3  }
0x65: {  	v2 =	vadd.s32 $0xFFFFFF80, v2;
	vm0 =	veq.s32 v3, $0x80  }
0x66: {  	v2 =	vnsel vm0, $0x0, v2;
	_ =	sdelay $0x1  }
.Ltmp1:
0x67: {  	(pc) =	sbr.rel @p0 .LBB2_4-.Ltmp1, $4  }
0x68: {  	_ = 	snop  }
0x69: {  	v3 =	vpop (erf)  }
0x6a: {  	s29 =	sshra.s32 s28, $0x2;
	[tilespmem:v2+s24+$0x0] =	vst.idx.add.f32.msk vm0, v3  }
0x6b: {  	s28 =	sadd.s32 $0x40, s28;
	v2 =	vld [tilespmem:s29+$0x800]  }
0x6c: {  	v3 =	vld [tilespmem:s29+$0x0];
	_ =	sdelay $0x3  }
0x6d: {  	v4 =	vshll.u32 v2, $0x3  }
0x6e: {  	v5 =	vshll.u32 v3, $0x3;
	v4 =	vor.u32 v0, v4  }
0x6f: {  	v5 =	vor.u32 v0, v5;
	_ =	sdelay $0x3  }
0x70: {  	v4 =	vld.idx.msk [tilespmem:v4+s23+$0x0], $0xffff  }
0x71: {  	v5 =	vld.idx.msk [tilespmem:v5+s22+$0x0], $0xffff;
	_ =	sdelay $0x4  }
0x72: {  	v4 =	vadd.f32 v4, v5;
	_ =	sdelay $0x1  }
0x73: {  	v5 =	vmul.f32 $2.000000030e-01, v4  }
0x74: {  	vm0 =	vgt.f32 v4, $0.0e+00  }
0x75: {  	v4 =	vsel vm0, v4, v5  }
0x76: {  	v4 =	vmul.f32 $1.442695020e+00, v4;
	_ =	sdelay $0x1  }
0x77: {  	(erf) = vpow2.f32 v4;
	_ =	sdelay $0x1  }
0x78: {  	v2 =	vshll.u32 v2, $0x7  }
0x79: {  	v2 =	vadd.s32 v2, v3;
	v3 =	vand.u32 $0xFFFFFF80, v3  }
0x7a: {  	vm15 =	veq.s32 v3, $0x80;
	v2 =	vadd.s32 $0xFFFFFF80, v2  }
0x7b: {  	v2 =	vnsel vm15, $0x0, v2;
	_ =	sdelay $0x3  }
0x7c: {  	v3 =	vpop (erf)  }
0x7d: {  	[tilespmem:v2+s24+$0x0] =	vst.idx.add.f32.msk vm15, v3  }
0x7e: {  	[hbm4b:s9+s17] =	stream.strided.scatter [tilespmem:s24], [sflag:$0x1], $0x10000, s25, s17, $0x38;
	[tilespmem:$0x13000] =	vst v63  }
0x7f: {  	_ =	swait.ge [sflag:s19], $0x10000  }
0x80: {  	[sflag:s19] =	ssyncset.done $0x0  }
0x81: {  	s28 =	simm.s32 $0x0;
	[sflag:s19] =	ssyncadd.s32 $0xFFFF0000  }
0x82: {  	[tilespmem:s24], [sflag:$0x1] =	stream.linear.gather [hbm4b:s4+s28], $0x10000, $0x38;
	[tilespmem:$0x13000] =	vst v63  }
0x83: {  	_ =	swait.ge [sflag:s19], $0x10000  }
0x84: {  	[sflag:s19] =	ssyncset.done $0x0  }
0x85: {  	s29 =	simm.s32 $0x0;
	[sflag:s19] =	ssyncadd.s32 $0xFFFF0000  }
0x86: {  	s28 =	simm.s32 $0x40;
	v2 =	vld [tilespmem:s29+$0x800]  }
.LBB2_6:
0x87: {  	p0 =	sne.s32 s28, $0x1F00;
	v3 =	vld [tilespmem:s29+$0x0];
	_ =	sdelay $0x3  }
0x88: {  	v4 =	vshll.u32 v2, $0x3  }
0x89: {  	v5 =	vshll.u32 v3, $0x3;
	v4 =	vor.u32 v0, v4  }
0x8a: {  	v5 =	vor.u32 v0, v5;
	_ =	sdelay $0x3  }
0x8b: {  	v4 =	vld.idx.msk [tilespmem:v4+s23+$0x0], $0xffff  }
0x8c: {  	v5 =	vld.idx.msk [tilespmem:v5+s22+$0x0], $0xffff;
	_ =	sdelay $0x5  }
0x8d: {  	v4 =	vadd.f32 v4, v5;
	_ =	sdelay $0x1  }
0x8e: {  	v5 =	vmul.f32 $2.000000030e-01, v4  }
0x8f: {  	vm0 =	vgt.f32 v4, $0.0e+00  }
0x90: {  	v4 =	vsel vm0, v4, v5  }
0x91: {  	v4 =	vmul.f32 $1.442695020e+00, v4;
	_ =	sdelay $0x1  }
0x92: {  	(erf) = vpow2.f32 v4;
	_ =	sdelay $0x1  }
0x93: {  	v2 =	vshll.u32 v2, $0x7  }
0x94: {  	v2 =	vadd.s32 v2, v3;
	v3 =	vand.u32 $0xFFFFFF80, v3  }
0x95: {  	v2 =	vadd.s32 $0xFFFFFF00, v2;
	vm0 =	veq.s32 v3, $0x100  }
0x96: {  	v2 =	vnsel vm0, $0x0, v2;
	_ =	sdelay $0x1  }
.Ltmp2:
0x97: {  	(pc) =	sbr.rel @p0 .LBB2_6-.Ltmp2, $4  }
0x98: {  	_ = 	snop  }
0x99: {  	v3 =	vpop (erf)  }
0x9a: {  	s29 =	sshra.s32 s28, $0x2;
	[tilespmem:v2+s24+$0x0] =	vst.idx.add.f32.msk vm0, v3  }
0x9b: {  	s28 =	sadd.s32 $0x40, s28;
	v2 =	vld [tilespmem:s29+$0x800]  }
0x9c: {  	v3 =	vld [tilespmem:s29+$0x0];
	_ =	sdelay $0x3  }
0x9d: {  	v4 =	vshll.u32 v2, $0x3  }
0x9e: {  	v5 =	vshll.u32 v3, $0x3;
	v4 =	vor.u32 v0, v4  }
0x9f: {  	v5 =	vor.u32 v0, v5;
	_ =	sdelay $0x3  }
0xa0: {  	v4 =	vld.idx.msk [tilespmem:v4+s23+$0x0], $0xffff  }
0xa1: {  	v5 =	vld.idx.msk [tilespmem:v5+s22+$0x0], $0xffff;
	_ =	sdelay $0x4  }
0xa2: {  	v4 =	vadd.f32 v4, v5;
	_ =	sdelay $0x1  }
0xa3: {  	v5 =	vmul.f32 $2.000000030e-01, v4  }
0xa4: {  	vm0 =	vgt.f32 v4, $0.0e+00  }
0xa5: {  	v4 =	vsel vm0, v4, v5  }
0xa6: {  	v4 =	vmul.f32 $1.442695020e+00, v4;
	_ =	sdelay $0x1  }
0xa7: {  	(erf) = vpow2.f32 v4;
	_ =	sdelay $0x1  }
0xa8: {  	v2 =	vshll.u32 v2, $0x7  }
0xa9: {  	v2 =	vadd.s32 v2, v3;
	v3 =	vand.u32 $0xFFFFFF80, v3  }
0xaa: {  	vm15 =	veq.s32 v3, $0x100;
	v2 =	vadd.s32 $0xFFFFFF00, v2  }
0xab: {  	v2 =	vnsel vm15, $0x0, v2;
	_ =	sdelay $0x3  }
0xac: {  	v3 =	vpop (erf)  }
0xad: {  	[tilespmem:v2+s24+$0x0] =	vst.idx.add.f32.msk vm15, v3  }
0xae: {  	[hbm4b:s10+s17] =	stream.strided.scatter [tilespmem:s24], [sflag:$0x1], $0x10000, s25, s17, $0x38;
	[tilespmem:$0x13000] =	vst v63  }
0xaf: {  	_ =	swait.ge [sflag:s19], $0x10000  }
0xb0: {  	[sflag:s19] =	ssyncset.done $0x0  }
0xb1: {  	s28 =	simm.s32 $0x0;
	[sflag:s19] =	ssyncadd.s32 $0xFFFF0000  }
0xb2: {  	[tilespmem:s24], [sflag:$0x1] =	stream.linear.gather [hbm4b:s4+s28], $0x10000, $0x38;
	[tilespmem:$0x13000] =	vst v63  }
0xb3: {  	_ =	swait.ge [sflag:s19], $0x10000  }
0xb4: {  	[sflag:s19] =	ssyncset.done $0x0  }
0xb5: {  	s29 =	simm.s32 $0x0;
	[sflag:s19] =	ssyncadd.s32 $0xFFFF0000  }
0xb6: {  	s28 =	simm.s32 $0x40;
	v2 =	vld [tilespmem:s29+$0x800]  }
.LBB2_8:
0xb7: {  	p0 =	sne.s32 s28, $0x1F00;
	v3 =	vld [tilespmem:s29+$0x0];
	_ =	sdelay $0x3  }
0xb8: {  	v4 =	vshll.u32 v2, $0x3  }
0xb9: {  	v5 =	vshll.u32 v3, $0x3;
	v4 =	vor.u32 v0, v4  }
0xba: {  	v5 =	vor.u32 v0, v5;
	_ =	sdelay $0x3  }
0xbb: {  	v4 =	vld.idx.msk [tilespmem:v4+s23+$0x0], $0xffff  }
0xbc: {  	v5 =	vld.idx.msk [tilespmem:v5+s22+$0x0], $0xffff;
	_ =	sdelay $0x5  }
0xbd: {  	v4 =	vadd.f32 v4, v5;
	_ =	sdelay $0x1  }
0xbe: {  	v5 =	vmul.f32 $2.000000030e-01, v4  }
0xbf: {  	vm0 =	vgt.f32 v4, $0.0e+00  }
0xc0: {  	v4 =	vsel vm0, v4, v5  }
0xc1: {  	v4 =	vmul.f32 $1.442695020e+00, v4;
	_ =	sdelay $0x1  }
0xc2: {  	(erf) = vpow2.f32 v4;
	_ =	sdelay $0x1  }
0xc3: {  	v2 =	vshll.u32 v2, $0x7  }
0xc4: {  	v2 =	vadd.s32 v2, v3;
	v3 =	vand.u32 $0xFFFFFF80, v3  }
0xc5: {  	v2 =	vadd.s32 $0xFFFFFE80, v2;
	vm0 =	veq.s32 v3, $0x180  }
0xc6: {  	v2 =	vnsel vm0, $0x0, v2;
	_ =	sdelay $0x1  }
.Ltmp3:
0xc7: {  	(pc) =	sbr.rel @p0 .LBB2_8-.Ltmp3, $4  }
0xc8: {  	_ = 	snop  }
0xc9: {  	v3 =	vpop (erf)  }
0xca: {  	s29 =	sshra.s32 s28, $0x2;
	[tilespmem:v2+s24+$0x0] =	vst.idx.add.f32.msk vm0, v3  }
0xcb: {  	s28 =	sadd.s32 $0x40, s28;
	v2 =	vld [tilespmem:s29+$0x800]  }
0xcc: {  	v3 =	vld [tilespmem:s29+$0x0];
	_ =	sdelay $0x3  }
0xcd: {  	v4 =	vshll.u32 v2, $0x3  }
0xce: {  	v5 =	vshll.u32 v3, $0x3;
	v4 =	vor.u32 v0, v4  }
0xcf: {  	v5 =	vor.u32 v0, v5;
	_ =	sdelay $0x3  }
0xd0: {  	v4 =	vld.idx.msk [tilespmem:v4+s23+$0x0], $0xffff  }
0xd1: {  	v5 =	vld.idx.msk [tilespmem:v5+s22+$0x0], $0xffff;
	_ =	sdelay $0x4  }
0xd2: {  	v4 =	vadd.f32 v4, v5;
	_ =	sdelay $0x1  }
0xd3: {  	v5 =	vmul.f32 $2.000000030e-01, v4  }
0xd4: {  	vm0 =	vgt.f32 v4, $0.0e+00  }
0xd5: {  	v4 =	vsel vm0, v4, v5  }
0xd6: {  	v4 =	vmul.f32 $1.442695020e+00, v4;
	_ =	sdelay $0x1  }
0xd7: {  	(erf) = vpow2.f32 v4;
	_ =	sdelay $0x1  }
0xd8: {  	v2 =	vshll.u32 v2, $0x7  }
0xd9: {  	v2 =	vadd.s32 v2, v3;
	v3 =	vand.u32 $0xFFFFFF80, v3  }
0xda: {  	vm15 =	veq.s32 v3, $0x180;
	v2 =	vadd.s32 $0xFFFFFE80, v2  }
0xdb: {  	v2 =	vnsel vm15, $0x0, v2;
	_ =	sdelay $0x3  }
0xdc: {  	v3 =	vpop (erf)  }
0xdd: {  	[tilespmem:v2+s24+$0x0] =	vst.idx.add.f32.msk vm15, v3  }
0xde: {  	[hbm4b:s11+s17] =	stream.strided.scatter [tilespmem:s24], [sflag:$0x1], $0x10000, s25, s17, $0x38;
	[tilespmem:$0x13000] =	vst v63  }
0xdf: {  	_ =	swait.ge [sflag:s19], $0x10000  }
0xe0: {  	[sflag:s19] =	ssyncset.done $0x0  }
0xe1: {  	s28 =	simm.s32 $0x0;
	[sflag:s19] =	ssyncadd.s32 $0xFFFF0000  }
0xe2: {  	[tilespmem:s24], [sflag:$0x1] =	stream.linear.gather [hbm4b:s4+s28], $0x10000, $0x38;
	[tilespmem:$0x13000] =	vst v63  }
0xe3: {  	_ =	swait.ge [sflag:s19], $0x10000  }
0xe4: {  	[sflag:s19] =	ssyncset.done $0x0  }
0xe5: {  	s29 =	simm.s32 $0x0;
	[sflag:s19] =	ssyncadd.s32 $0xFFFF0000  }
0xe6: {  	s28 =	simm.s32 $0x40;
	v2 =	vld [tilespmem:s29+$0x800]  }
.LBB2_10:
0xe7: {  	p0 =	sne.s32 s28, $0x1F00;
	v3 =	vld [tilespmem:s29+$0x0];
	_ =	sdelay $0x3  }
0xe8: {  	v4 =	vshll.u32 v2, $0x3  }
0xe9: {  	v5 =	vshll.u32 v3, $0x3;
	v4 =	vor.u32 v1, v4  }
0xea: {  	v5 =	vor.u32 v1, v5;
	_ =	sdelay $0x3  }
0xeb: {  	v4 =	vld.idx.msk [tilespmem:v4+s23+$0x0], $0xffff  }
0xec: {  	v5 =	vld.idx.msk [tilespmem:v5+s22+$0x0], $0xffff;
	_ =	sdelay $0x5  }
0xed: {  	v4 =	vadd.f32 v4, v5;
	_ =	sdelay $0x1  }
0xee: {  	v5 =	vmul.f32 $2.000000030e-01, v4  }
0xef: {  	vm0 =	vgt.f32 v4, $0.0e+00  }
0xf0: {  	v4 =	vsel vm0, v4, v5  }
0xf1: {  	v4 =	vmul.f32 $1.442695020e+00, v4;
	_ =	sdelay $0x1  }
0xf2: {  	(erf) = vpow2.f32 v4;
	_ =	sdelay $0x2  }
0xf3: {  	v2 =	vshll.u32 v2, $0x7  }
0xf4: {  	v2 =	vadd.s32 v3, v2;
	vm0 =	vlt.u32 v3, $0x80  }
0xf5: {  	v2 =	vnsel vm0, $0x0, v2;
	_ =	sdelay $0x1  }
.Ltmp4:
0xf6: {  	(pc) =	sbr.rel @p0 .LBB2_10-.Ltmp4, $4  }
0xf7: {  	_ = 	snop  }
0xf8: {  	v3 =	vpop (erf)  }
0xf9: {  	s29 =	sshra.s32 s28, $0x2;
	[tilespmem:v2+s24+$0x0] =	vst.idx.add.f32.msk vm0, v3  }
0xfa: {  	s28 =	sadd.s32 $0x40, s28;
	v2 =	vld [tilespmem:s29+$0x800]  }
0xfb: {  	v3 =	vld [tilespmem:s29+$0x0];
	_ =	sdelay $0x3  }
0xfc: {  	v4 =	vshll.u32 v2, $0x3  }
0xfd: {  	v5 =	vshll.u32 v3, $0x3;
	v4 =	vor.u32 v1, v4  }
0xfe: {  	v5 =	vor.u32 v1, v5;
	_ =	sdelay $0x3  }
0xff: {  	v4 =	vld.idx.msk [tilespmem:v4+s23+$0x0], $0xffff  }
0x100: {  	v5 =	vld.idx.msk [tilespmem:v5+s22+$0x0], $0xffff;
	_ =	sdelay $0x4  }
0x101: {  	v4 =	vadd.f32 v4, v5;
	_ =	sdelay $0x1  }
0x102: {  	v5 =	vmul.f32 $2.000000030e-01, v4  }
0x103: {  	vm0 =	vgt.f32 v4, $0.0e+00  }
0x104: {  	v4 =	vsel vm0, v4, v5  }
0x105: {  	v4 =	vmul.f32 $1.442695020e+00, v4;
	_ =	sdelay $0x1  }
0x106: {  	(erf) = vpow2.f32 v4;
	_ =	sdelay $0x2  }
0x107: {  	v2 =	vshll.u32 v2, $0x7  }
0x108: {  	vm15 =	vlt.u32 v3, $0x80;
	v2 =	vadd.s32 v3, v2  }
0x109: {  	v2 =	vnsel vm15, $0x0, v2;
	_ =	sdelay $0x3  }
0x10a: {  	v3 =	vpop (erf)  }
0x10b: {  	[tilespmem:v2+s24+$0x0] =	vst.idx.add.f32.msk vm15, v3  }
0x10c: {  	[hbm4b:s12+s17] =	stream.strided.scatter [tilespmem:s24], [sflag:$0x1], $0x10000, s25, s17, $0x38;
	[tilespmem:$0x13000] =	vst v63  }
0x10d: {  	_ =	swait.ge [sflag:s19], $0x10000  }
0x10e: {  	[sflag:s19] =	ssyncset.done $0x0  }
0x10f: {  	s28 =	simm.s32 $0x0;
	[sflag:s19] =	ssyncadd.s32 $0xFFFF0000  }
0x110: {  	[tilespmem:s24], [sflag:$0x1] =	stream.linear.gather [hbm4b:s4+s28], $0x10000, $0x38;
	[tilespmem:$0x13000] =	vst v63  }
0x111: {  	_ =	swait.ge [sflag:s19], $0x10000  }
0x112: {  	[sflag:s19] =	ssyncset.done $0x0  }
0x113: {  	s29 =	simm.s32 $0x0;
	[sflag:s19] =	ssyncadd.s32 $0xFFFF0000  }
0x114: {  	s28 =	simm.s32 $0x40;
	v2 =	vld [tilespmem:s29+$0x800]  }
.LBB2_12:
0x115: {  	p0 =	sne.s32 s28, $0x1F00;
	v3 =	vld [tilespmem:s29+$0x0];
	_ =	sdelay $0x3  }
0x116: {  	v4 =	vshll.u32 v2, $0x3  }
0x117: {  	v5 =	vshll.u32 v3, $0x3;
	v4 =	vor.u32 v1, v4  }
0x118: {  	v5 =	vor.u32 v1, v5;
	_ =	sdelay $0x3  }
0x119: {  	v4 =	vld.idx.msk [tilespmem:v4+s23+$0x0], $0xffff  }
0x11a: {  	v5 =	vld.idx.msk [tilespmem:v5+s22+$0x0], $0xffff;
	_ =	sdelay $0x5  }
0x11b: {  	v4 =	vadd.f32 v4, v5;
	_ =	sdelay $0x1  }
0x11c: {  	v5 =	vmul.f32 $2.000000030e-01, v4  }
0x11d: {  	vm0 =	vgt.f32 v4, $0.0e+00  }
0x11e: {  	v4 =	vsel vm0, v4, v5  }
0x11f: {  	v4 =	vmul.f32 $1.442695020e+00, v4;
	_ =	sdelay $0x1  }
0x120: {  	(erf) = vpow2.f32 v4;
	_ =	sdelay $0x1  }
0x121: {  	v2 =	vshll.u32 v2, $0x7  }
0x122: {  	v2 =	vadd.s32 v2, v3;
	v3 =	vand.u32 $0xFFFFFF80, v3  }
0x123: {  	v2 =	vadd.s32 $0xFFFFFF80, v2;
	vm0 =	veq.s32 v3, $0x80  }
0x124: {  	v2 =	vnsel vm0, $0x0, v2;
	_ =	sdelay $0x1  }
.Ltmp5:
0x125: {  	(pc) =	sbr.rel @p0 .LBB2_12-.Ltmp5, $4  }
0x126: {  	_ = 	snop  }
0x127: {  	v3 =	vpop (erf)  }
0x128: {  	s29 =	sshra.s32 s28, $0x2;
	[tilespmem:v2+s24+$0x0] =	vst.idx.add.f32.msk vm0, v3  }
0x129: {  	s28 =	sadd.s32 $0x40, s28;
	v2 =	vld [tilespmem:s29+$0x800]  }
0x12a: {  	v3 =	vld [tilespmem:s29+$0x0];
	_ =	sdelay $0x3  }
0x12b: {  	v4 =	vshll.u32 v2, $0x3  }
0x12c: {  	v5 =	vshll.u32 v3, $0x3;
	v4 =	vor.u32 v1, v4  }
0x12d: {  	v5 =	vor.u32 v1, v5;
	_ =	sdelay $0x3  }
0x12e: {  	v4 =	vld.idx.msk [tilespmem:v4+s23+$0x0], $0xffff  }
0x12f: {  	v5 =	vld.idx.msk [tilespmem:v5+s22+$0x0], $0xffff;
	_ =	sdelay $0x4  }
0x130: {  	v4 =	vadd.f32 v4, v5;
	_ =	sdelay $0x1  }
0x131: {  	v5 =	vmul.f32 $2.000000030e-01, v4  }
0x132: {  	vm0 =	vgt.f32 v4, $0.0e+00  }
0x133: {  	v4 =	vsel vm0, v4, v5  }
0x134: {  	v4 =	vmul.f32 $1.442695020e+00, v4;
	_ =	sdelay $0x1  }
0x135: {  	(erf) = vpow2.f32 v4;
	_ =	sdelay $0x1  }
0x136: {  	v2 =	vshll.u32 v2, $0x7  }
0x137: {  	v2 =	vadd.s32 v2, v3;
	v3 =	vand.u32 $0xFFFFFF80, v3  }
0x138: {  	vm15 =	veq.s32 v3, $0x80;
	v2 =	vadd.s32 $0xFFFFFF80, v2  }
0x139: {  	v2 =	vnsel vm15, $0x0, v2;
	_ =	sdelay $0x3  }
0x13a: {  	v3 =	vpop (erf)  }
0x13b: {  	[tilespmem:v2+s24+$0x0] =	vst.idx.add.f32.msk vm15, v3  }
0x13c: {  	[hbm4b:s13+s17] =	stream.strided.scatter [tilespmem:s24], [sflag:$0x1], $0x10000, s25, s17, $0x38;
	[tilespmem:$0x13000] =	vst v63  }
0x13d: {  	_ =	swait.ge [sflag:s19], $0x10000  }
0x13e: {  	[sflag:s19] =	ssyncset.done $0x0  }
0x13f: {  	s28 =	simm.s32 $0x0;
	[sflag:s19] =	ssyncadd.s32 $0xFFFF0000  }
0x140: {  	[tilespmem:s24], [sflag:$0x1] =	stream.linear.gather [hbm4b:s4+s28], $0x10000, $0x38;
	[tilespmem:$0x13000] =	vst v63  }
0x141: {  	_ =	swait.ge [sflag:s19], $0x10000  }
0x142: {  	[sflag:s19] =	ssyncset.done $0x0  }
0x143: {  	s29 =	simm.s32 $0x0;
	[sflag:s19] =	ssyncadd.s32 $0xFFFF0000  }
0x144: {  	s28 =	simm.s32 $0x40;
	v2 =	vld [tilespmem:s29+$0x800]  }
.LBB2_14:
0x145: {  	p0 =	sne.s32 s28, $0x1F00;
	v3 =	vld [tilespmem:s29+$0x0];
	_ =	sdelay $0x3  }
0x146: {  	v4 =	vshll.u32 v2, $0x3  }
0x147: {  	v5 =	vshll.u32 v3, $0x3;
	v4 =	vor.u32 v1, v4  }
0x148: {  	v5 =	vor.u32 v1, v5;
	_ =	sdelay $0x3  }
0x149: {  	v4 =	vld.idx.msk [tilespmem:v4+s23+$0x0], $0xffff  }
0x14a: {  	v5 =	vld.idx.msk [tilespmem:v5+s22+$0x0], $0xffff;
	_ =	sdelay $0x5  }
0x14b: {  	v4 =	vadd.f32 v4, v5;
	_ =	sdelay $0x1  }
0x14c: {  	v5 =	vmul.f32 $2.000000030e-01, v4  }
0x14d: {  	vm0 =	vgt.f32 v4, $0.0e+00  }
0x14e: {  	v4 =	vsel vm0, v4, v5  }
0x14f: {  	v4 =	vmul.f32 $1.442695020e+00, v4;
	_ =	sdelay $0x1  }
0x150: {  	(erf) = vpow2.f32 v4;
	_ =	sdelay $0x1  }
0x151: {  	v2 =	vshll.u32 v2, $0x7  }
0x152: {  	v2 =	vadd.s32 v2, v3;
	v3 =	vand.u32 $0xFFFFFF80, v3  }
0x153: {  	v2 =	vadd.s32 $0xFFFFFF00, v2;
	vm0 =	veq.s32 v3, $0x100  }
0x154: {  	v2 =	vnsel vm0, $0x0, v2;
	_ =	sdelay $0x1  }
.Ltmp6:
0x155: {  	(pc) =	sbr.rel @p0 .LBB2_14-.Ltmp6, $4  }
0x156: {  	_ = 	snop  }
0x157: {  	v3 =	vpop (erf)  }
0x158: {  	s29 =	sshra.s32 s28, $0x2;
	[tilespmem:v2+s24+$0x0] =	vst.idx.add.f32.msk vm0, v3  }
0x159: {  	s28 =	sadd.s32 $0x40, s28;
	v2 =	vld [tilespmem:s29+$0x800]  }
0x15a: {  	v3 =	vld [tilespmem:s29+$0x0];
	_ =	sdelay $0x3  }
0x15b: {  	v4 =	vshll.u32 v2, $0x3  }
0x15c: {  	v5 =	vshll.u32 v3, $0x3;
	v4 =	vor.u32 v1, v4  }
0x15d: {  	v5 =	vor.u32 v1, v5;
	_ =	sdelay $0x3  }
0x15e: {  	v4 =	vld.idx.msk [tilespmem:v4+s23+$0x0], $0xffff  }
0x15f: {  	v5 =	vld.idx.msk [tilespmem:v5+s22+$0x0], $0xffff;
	_ =	sdelay $0x4  }
0x160: {  	v4 =	vadd.f32 v4, v5;
	_ =	sdelay $0x1  }
0x161: {  	v5 =	vmul.f32 $2.000000030e-01, v4  }
0x162: {  	vm0 =	vgt.f32 v4, $0.0e+00  }
0x163: {  	v4 =	vsel vm0, v4, v5  }
0x164: {  	v4 =	vmul.f32 $1.442695020e+00, v4;
	_ =	sdelay $0x1  }
0x165: {  	(erf) = vpow2.f32 v4;
	_ =	sdelay $0x1  }
0x166: {  	v2 =	vshll.u32 v2, $0x7  }
0x167: {  	v2 =	vadd.s32 v2, v3;
	v3 =	vand.u32 $0xFFFFFF80, v3  }
0x168: {  	vm15 =	veq.s32 v3, $0x100;
	v2 =	vadd.s32 $0xFFFFFF00, v2  }
0x169: {  	v2 =	vnsel vm15, $0x0, v2;
	_ =	sdelay $0x3  }
0x16a: {  	v3 =	vpop (erf)  }
0x16b: {  	[tilespmem:v2+s24+$0x0] =	vst.idx.add.f32.msk vm15, v3  }
0x16c: {  	[hbm4b:s14+s17] =	stream.strided.scatter [tilespmem:s24], [sflag:$0x1], $0x10000, s25, s17, $0x38;
	[tilespmem:$0x13000] =	vst v63  }
0x16d: {  	_ =	swait.ge [sflag:s19], $0x10000  }
0x16e: {  	[sflag:s19] =	ssyncset.done $0x0  }
0x16f: {  	s28 =	simm.s32 $0x0;
	[sflag:s19] =	ssyncadd.s32 $0xFFFF0000  }
0x170: {  	[tilespmem:s24], [sflag:$0x1] =	stream.linear.gather [hbm4b:s4+s28], $0x10000, $0x38;
	[tilespmem:$0x13000] =	vst v63  }
0x171: {  	_ =	swait.ge [sflag:s19], $0x10000  }
0x172: {  	[sflag:s19] =	ssyncset.done $0x0  }
0x173: {  	s29 =	simm.s32 $0x0;
	[sflag:s19] =	ssyncadd.s32 $0xFFFF0000  }
0x174: {  	s28 =	simm.s32 $0x40;
	v2 =	vld [tilespmem:s29+$0x800]  }
.LBB2_16:
0x175: {  	p0 =	sne.s32 s28, $0x1F00;
	v3 =	vld [tilespmem:s29+$0x0];
	_ =	sdelay $0x3  }
0x176: {  	v4 =	vshll.u32 v2, $0x3  }
0x177: {  	v5 =	vshll.u32 v3, $0x3;
	v4 =	vor.u32 v1, v4  }
0x178: {  	v5 =	vor.u32 v1, v5;
	_ =	sdelay $0x3  }
0x179: {  	v4 =	vld.idx.msk [tilespmem:v4+s23+$0x0], $0xffff  }
0x17a: {  	v5 =	vld.idx.msk [tilespmem:v5+s22+$0x0], $0xffff;
	_ =	sdelay $0x5  }
0x17b: {  	v4 =	vadd.f32 v4, v5;
	_ =	sdelay $0x1  }
0x17c: {  	v5 =	vmul.f32 $2.000000030e-01, v4  }
0x17d: {  	vm0 =	vgt.f32 v4, $0.0e+00  }
0x17e: {  	v4 =	vsel vm0, v4, v5  }
0x17f: {  	v4 =	vmul.f32 $1.442695020e+00, v4;
	_ =	sdelay $0x1  }
0x180: {  	(erf) = vpow2.f32 v4;
	_ =	sdelay $0x1  }
0x181: {  	v2 =	vshll.u32 v2, $0x7  }
0x182: {  	v2 =	vadd.s32 v2, v3;
	v3 =	vand.u32 $0xFFFFFF80, v3  }
0x183: {  	v2 =	vadd.s32 $0xFFFFFE80, v2;
	vm0 =	veq.s32 v3, $0x180  }
0x184: {  	v2 =	vnsel vm0, $0x0, v2;
	_ =	sdelay $0x1  }
.Ltmp7:
0x185: {  	(pc) =	sbr.rel @p0 .LBB2_16-.Ltmp7, $4  }
0x186: {  	_ = 	snop  }
0x187: {  	v3 =	vpop (erf)  }
0x188: {  	s29 =	sshra.s32 s28, $0x2;
	[tilespmem:v2+s24+$0x0] =	vst.idx.add.f32.msk vm0, v3  }
0x189: {  	s28 =	sadd.s32 $0x40, s28;
	v2 =	vld [tilespmem:s29+$0x800]  }
0x18a: {  	v3 =	vld [tilespmem:s29+$0x0];
	_ =	sdelay $0x3  }
0x18b: {  	v4 =	vshll.u32 v2, $0x3  }
0x18c: {  	v5 =	vshll.u32 v3, $0x3;
	v4 =	vor.u32 v1, v4  }
0x18d: {  	v5 =	vor.u32 v1, v5;
	_ =	sdelay $0x3  }
0x18e: {  	v4 =	vld.idx.msk [tilespmem:v4+s23+$0x0], $0xffff  }
0x18f: {  	v5 =	vld.idx.msk [tilespmem:v5+s22+$0x0], $0xffff;
	_ =	sdelay $0x4  }
0x190: {  	v4 =	vadd.f32 v4, v5;
	_ =	sdelay $0x1  }
0x191: {  	v5 =	vmul.f32 $2.000000030e-01, v4  }
0x192: {  	vm0 =	vgt.f32 v4, $0.0e+00  }
0x193: {  	v4 =	vsel vm0, v4, v5  }
0x194: {  	v4 =	vmul.f32 $1.442695020e+00, v4;
	_ =	sdelay $0x1  }
0x195: {  	(erf) = vpow2.f32 v4;
	_ =	sdelay $0x1  }
0x196: {  	v2 =	vshll.u32 v2, $0x7  }
0x197: {  	v2 =	vadd.s32 v2, v3;
	v3 =	vand.u32 $0xFFFFFF80, v3  }
0x198: {  	vm15 =	veq.s32 v3, $0x180;
	v2 =	vadd.s32 $0xFFFFFE80, v2  }
0x199: {  	v2 =	vnsel vm15, $0x0, v2;
	_ =	sdelay $0x2  }
0x19a: {  	s26 =	sadd.s32 $0x1, s26  }
0x19b: {  	p0 =	sne.s32 s26, s16;
	v3 =	vpop (erf)  }
.Ltmp8:
0x19c: {  	[tilespmem:v2+s24+$0x0] =	vst.idx.add.f32.msk vm15, v3;
	(pc) =	sbr.rel @p0 .LBB2_1-.Ltmp8, $4  }
0x19d: {  	[hbm4b:s15+s17] =	stream.strided.scatter [tilespmem:s24], [sflag:$0x1], $0x10000, s25, s17, $0x38;
	[tilespmem:$0x13000] =	vst v63  }
0x19e: {  	_ =	swait.ge [sflag:s19], $0x10000  }
0x19f: {  	[sflag:s19] =	ssyncset.done $0x0  }
0x1a0: {  	[sflag:s19] =	ssyncadd.s32 $0xFFFF0000  }
0x1a1: {  	_ =	sfence.sel $0x180000  }
0x1a2: {  	[bflag:$0x0] =	sbarrier.arrive $0xFFFF  }
0x1a3: {  	p0 =	sne.s32 s1, $0x0;
	_ =	strace $0x9000004A  }
0x1a4: {  	s0 =	sadd.s32 @!p0 $0x100000, s0;
	[bflag:$0x2] =	sbarrier.arrive $0xFFFF  }
0x1a5: {  	[sflag:s0] =	ssyncadd.tile.s32 @!p0 $0x1;
	_ =	shalt  }
.Lfunc_end2:
_tile_overlayer_lowered:
.L_overlay_start_2:
0x1a6: {  	(tag) =	ssettag $0x2  }
0x1a7: {  	s0 =	rddreg [dreg:$0x0];
	s2 =	stileid.u32  }
0x1a8: {  	s1 =	rddreg [dreg:$0x1];
	p0 =	sne.s32 s2, $0x0  }
0x1a9: {  	s3 =	rddreg [dreg:$0x2];
	[bflag:$0x3] =	sbarrier.arrive $0xFFFF;
	s2 =	simm.s32 @!p0 $0x1C01  }
0x1aa: {  	[timem:s3], [sflag:s2] =	dma.local @!p0 [hbm:s0], s1  }
0x1ab: {  	s0 =	simm.s32 @!p0 $0x1  }
0x1ac: {  	_ =	swait.ge @!p0 [sflag:s0], s1  }
0x1ad: {  	s1 =	ssub.s32 @!p0 $0x0, s1;
	[sflag:s0] =	ssyncset.done @!p0 $0x0  }
0x1ae: {  	[sflag:s0] =	ssyncadd.s32 @!p0 s1  }
0x1af: {  	[bflag:$0x3] =	sbarrier.arrive $0xFFFF  }
0x1b0: {  	_ =	shalt  }

// kernel: kernel.9.cloned.1.call-start
scs
__scs_entry_jumppad:
0x0: {  	(pc) =	sbr.rel $0x88, $3  }
0x1: {  	(tag) =	ssettag $0x0;
	lr =	simm.s32 $0x1  }
0x2: {  	[smem:$0x3F93] =	sst lr;
	_ =	strace $0xD0000000  }
0x3: {  	_ = 	snop  }
0x4: {  	_ = 	snop  }
0x5: {  	_ = 	snop  }
0x6: {  	_ = 	snop  }
0x7: {  	_ = 	snop  }
__scs_overlays_trampoline_lowered:
0x8: {  	[smem:$0x3FA2] =	sst s0  }
0x9: {  	[smem:$0x3FA3] =	sst s1  }
0xa: {  	[smem:$0x3FA4] =	sst s2  }
0xb: {  	[smem:$0x3FA5] =	sst s3  }
0xc: {  	[smem:$0x3FA6] =	sst s4  }
0xd: {  	[smem:$0x3FA7] =	sst s5  }
0xe: {  	[smem:$0x3FA8] =	sst s6  }
0xf: {  	[smem:$0x3FA9] =	sst s7  }
0x10: {  	[smem:$0x3FAA] =	sst s8  }
0x11: {  	[smem:$0x3FAB] =	sst s9;
	s0 =	simm.s32 @!p0 $0x0  }
0x12: {  	s1 =	sld [smem:$0x3F91];
	s0 =	simm.s32 @p0 $0x1  }
0x13: {  	[smem:$0x3FAC] =	sst s0;
	s0 =	simm.s32 @!p1 $0x0  }
0x14: {  	s2 =	sld [smem:$0x3F90];
	s0 =	simm.s32 @p1 $0x1  }
0x15: {  	[smem:$0x3FAD] =	sst s0;
	s0 =	simm.s32 @!p2 $0x0  }
0x16: {  	s3 =	sld [smem:$0x3FDB];
	s0 =	simm.s32 @p2 $0x1  }
0x17: {  	s4 =	simm.s32 $0x1BF5;
	[smem:$0x3FAF] =	sst s0  }
0x18: {  	s0 =	sld [smem:$0x3F92];
	_ =	swait.ge [sflag:s4], $0x0  }
0x19: {  	s7 =	sld [smem:$0x3F93]  }
0x1a: {  	s8 =	sadd.s32 $0xFFFFE003, lr  }
0x1b: {  	s9 =	sadd.s32 $0xFFFFFEF7, lr;
	s5 =	simm.s32 $0xFFFFFFFF;
	p2 =	slt.u32 s8, $0xFFFFF086  }
0x1c: {  	p1 =	slt.u32 s9, $0xF7A;
	s5 =	simm.s32 @!p2 $0x0  }
0x1d: {  	s5 =	simm.s32 @p1 $0x1;
	p0 =	seq.s32 s7, s2  }
0x1e: {  	s7 =	smul.u32 @!p0 $0xF7A, s2;
	p2 =	seq.s32 @!p0 s5, $0x0  }
0x1f: {  	s9 =	smul.u32 $0xF7A, s1;
	s8 =	simm.s32 @!p0 $0x1BF5;
	p2 =	por !p2, p0  }
0x20: {  	[sflag:s8] =	ssyncset.s32 @!p0 $0xFFFFF086;
	s6 =	sadd.s32 @!p0 s3, s7;
	s7 =	simm.s32 @!p0 $0x108  }
0x21: {  	s3 =	sadd.s32 s3, s9;
	s6 =	sadd.s32 @!p0 $0x88, s6;
	s7 =	simm.s32 @p2 $0x1082  }
0x22: {  	[simem:s7], [sflag:s8] =	dma.local @!p0 [hbm:s6], $0xF7A  }
0x23: {  	s9 =	sor.u32 $0xD0000000, s2;
	s6 =	simm.s32 $0x108;
	_ =	swait.ge @!p0 [sflag:s8], $0x0  }
0x24: {  	s3 =	sadd.s32 $0x88, s3;
	s6 =	simm.s32 @!p1 $0x1082;
	[sflag:s4] =	ssyncset.s32 $0xFFFFF086  }
0x25: {  	[simem:s6], [sflag:s4] =	dma.local [hbm:s3], $0xF7A  }
0x26: {  	[smem:$0x3F93] =	sst s1;
	(tag) =	ssettag s2;
	_ =	strace s9  }
0x27: {  	s1 =	sld [smem:$0x3FA3]  }
0x28: {  	s2 =	sld [smem:$0x3FA4]  }
0x29: {  	s4 =	sld [smem:$0x3FA6]  }
0x2a: {  	p0 =	seq.s32 s5, $0x0;
	s5 =	sld [smem:$0x3FA7]  }
0x2b: {  	s6 =	sld [smem:$0x3FA8]  }
0x2c: {  	s7 =	sld [smem:$0x3FA9]  }
0x2d: {  	s3 =	simm.s32 $0x108;
	s8 =	sld [smem:$0x3FAA]  }
0x2e: {  	s3 =	simm.s32 @!p0 $0x1082;
	s9 =	sld [smem:$0x3FAB]  }
0x2f: {  	lr =	sadd.s32 s0, s3;
	s0 =	sld [smem:$0x3FA2]  }
0x30: {  	s3 =	sld [smem:$0x3FA5]  }
0x31: {  	[smem:$0x3FAE] =	sst s10  }
0x32: {  	s10 =	sld [smem:$0x3FAC];
	_ =	sdelay $0x3  }
0x33: {  	p0 =	seq.s32 s10, $0x1;
	s10 =	sld [smem:$0x3FAE];
	_ =	sdelay $0x3  }
0x34: {  	[smem:$0x3FAE] =	sst s10  }
0x35: {  	s10 =	sld [smem:$0x3FAD];
	_ =	sdelay $0x3  }
0x36: {  	p1 =	seq.s32 s10, $0x1;
	s10 =	sld [smem:$0x3FAE];
	_ =	sdelay $0x3  }
0x37: {  	[smem:$0x3FAE] =	sst s10  }
0x38: {  	s10 =	sld [smem:$0x3FAF]  }
0x39: {  	_ = 	snop;
	(pc) =	sbr.ind lr, $3  }
0x3a: {  	_ = 	snop  }
0x3b: {  	_ = 	snop  }
0x3c: {  	p2 =	seq.s32 s10, $0x1;
	s10 =	sld [smem:$0x3FAE]  }
0x3d: {  	_ =	shalt  }
0x3e: {  	_ =	shalt  }
0x3f: {  	_ =	shalt  }
0x40: {  	_ =	shalt  }
0x41: {  	_ =	shalt  }
0x42: {  	_ =	shalt  }
0x43: {  	_ =	shalt  }
0x44: {  	_ =	shalt  }
0x45: {  	_ =	shalt  }
0x46: {  	_ =	shalt  }
0x47: {  	_ =	shalt  }
0x48: {  	_ =	shalt  }
0x49: {  	_ =	shalt  }
0x4a: {  	_ =	shalt  }
0x4b: {  	_ =	shalt  }
0x4c: {  	_ =	shalt  }
0x4d: {  	_ =	shalt  }
0x4e: {  	_ =	shalt  }
0x4f: {  	_ =	shalt  }
0x50: {  	_ =	shalt  }
0x51: {  	_ =	shalt  }
0x52: {  	_ =	shalt  }
0x53: {  	_ =	shalt  }
0x54: {  	_ =	shalt  }
0x55: {  	_ =	shalt  }
0x56: {  	_ =	shalt  }
0x57: {  	_ =	shalt  }
0x58: {  	_ =	shalt  }
0x59: {  	_ =	shalt  }
0x5a: {  	_ =	shalt  }
0x5b: {  	_ =	shalt  }
0x5c: {  	_ =	shalt  }
0x5d: {  	_ =	shalt  }
0x5e: {  	_ =	shalt  }
0x5f: {  	_ =	shalt  }
0x60: {  	_ =	shalt  }
0x61: {  	_ =	shalt  }
0x62: {  	_ =	shalt  }
0x63: {  	_ =	shalt  }
0x64: {  	_ =	shalt  }
0x65: {  	_ =	shalt  }
0x66: {  	_ =	shalt  }
0x67: {  	_ =	shalt  }
0x68: {  	_ =	shalt  }
0x69: {  	_ =	shalt  }
0x6a: {  	_ =	shalt  }
0x6b: {  	_ =	shalt  }
0x6c: {  	_ =	shalt  }
0x6d: {  	_ =	shalt  }
0x6e: {  	_ =	shalt  }
0x6f: {  	_ =	shalt  }
0x70: {  	_ =	shalt  }
0x71: {  	_ =	shalt  }
0x72: {  	_ =	shalt  }
0x73: {  	_ =	shalt  }
0x74: {  	_ =	shalt  }
0x75: {  	_ =	shalt  }
0x76: {  	_ =	shalt  }
0x77: {  	_ =	shalt  }
0x78: {  	_ =	shalt  }
0x79: {  	_ =	shalt  }
0x7a: {  	_ =	shalt  }
0x7b: {  	_ =	shalt  }
0x7c: {  	_ =	shalt  }
0x7d: {  	_ =	shalt  }
0x7e: {  	_ =	shalt  }
0x7f: {  	_ =	shalt  }
0x80: {  	_ =	shalt  }
0x81: {  	_ =	shalt  }
0x82: {  	_ =	shalt  }
0x83: {  	_ =	shalt  }
0x84: {  	_ =	shalt  }
0x85: {  	_ =	shalt  }
0x86: {  	_ =	shalt  }
0x87: {  	_ =	shalt  }
.Lfunc_end0:
.L_simem_size_0:
called_computation_lowered:
.L_overlay_start_0:
0x88: {  	s2 =	sld [smem:$0x3FD9]  }
0x89: {  	s3 =	sld [smem:$0x3FFE];
	_ =	sdelay $0x1  }
0x8a: {  	s1 =	srdreg.scid  }
0x8b: {  	s0 =	sand.u32 $0x1, s1  }
0x8c: {  	s17 =	sshll.u32 s0, $0xA;
	s2 =	sadd.s32 s3, s2  }
0x8d: {  	s2 =	sadd.s32 s2, s17  }
0x8e: {  	[smem:$0x3FBA] =	sst s2  }
0x8f: {  	_ = 	snop  }
0x90: {  	s2 =	sld [smem:$0x3FC8];
	(tm) =	ssettm $0x1  }
0x91: {  	s18 =	sld [smem:$0x3FFB];
	_ =	sdelay $0x3  }
0x92: {  	_ =	strace s18  }
0x93: {  	s3 =	sld [smem:$0x3FFC];
	_ =	sdelay $0x3  }
0x94: {  	_ =	strace s3  }
0x95: {  	s3 =	sld [smem:$0x3FFD];
	_ =	sdelay $0x3  }
0x96: {  	_ =	strace s3  }
0x97: {  	_ =	strace $0x8FFFFFFF  }
0x98: {  	s19 =	sld [smem:$0x3FDB];
	_ =	sdelay $0x1  }
0x99: {  	s4 =	simm.s32 $_scs_section_size  }
0x9a: {  	s5 =	simm.s32 $_size__tile_overlayer_lowered;
	s6 =	simm.s32 $_tile_overlayer_lowered  }
0x9b: {  	s22 =	simm.s32 $0x1BFF;
	s21 =	sshll.u32 s6, $0x1;
	s3 =	sadd.s32 s4, s19  }
0x9c: {  	s7 =	simm.s32 $0x0;
	s20 =	sshll.u32 s5, $0x1;
	s5 =	sadd.s32 s21, s3  }
0x9d: {  	[timem:s7], [sflag:s22] =	dma.local [hbm:s5], s20  }
0x9e: {  	_ =	swait.ge [sflag:s22], s20  }
0x9f: {  	s4 =	ssub.s32 $0x0, s20;
	[sflag:s22] =	ssyncset.done $0x0  }
0xa0: {  	[sflag:s22] =	ssyncadd.s32 s4;
	_ =	sdelay $0x1  }
0xa1: {  	s23 =	simm.s32 $0x1B8B  }
0xa2: {  	_ =	swait.ge [sflag:s23], $0x1  }
0xa3: {  	[sflag:s23] =	ssyncset.done $0x0  }
0xa4: {  	s25 =	simm.s32 $0x1B8E;
	s24 =	sld [smem:$0x3FFE];
	[sflag:s23] =	ssyncadd.s32 $0xFFFFFFFF  }
0xa5: {  	s26 =	simm.s32 $execute0_lowered;
	[smem:$0x3FD2] =	sst s25  }
0xa6: {  	s5 =	sshll.u32 s26, $0x1;
	_ =	strace $0x80000046;
	[dreg:$0x1] =	wrdreg $0xFFFFFFFF  }
0xa7: {  	s28 =	simm.s32 $_size_execute0_lowered;
	s3 =	sadd.s32 s3, s5;
	[dreg:$0x0] =	wrdreg $0x0  }
0xa8: {  	s5 =	sshll.u32 s28, $0x1;
	[dreg:$0x2] =	wrdreg s3  }
0xa9: {  	[dreg:$0x3] =	wrdreg s5  }
0xaa: {  	[dreg:$0x4] =	wrdreg $0xC0  }
0xab: {  	_ =	task [dreg:s7], $0x5FFFF  }
0xac: {  	[dreg:$0x1] =	wrdreg $0xFFFFFFFF  }
0xad: {  	[dreg:$0x0] =	wrdreg $0x60  }
0xae: {  	[dreg:$0x2] =	wrdreg s24  }
0xaf: {  	[dreg:$0x3] =	wrdreg s2  }
0xb0: {  	[dreg:$0x4] =	wrdreg $0x9  }
0xb1: {  	_ =	task.clear_ibuf [dreg:s7], $0x5FFFF;
	_ =	strace $0x90000046  }
0xb2: {  	s29 =	simm.s32 $0x9;
	_ =	strace $0x80000048  }
0xb3: {  	_ =	swait.ge [sflag:s29], $0x1  }
0xb4: {  	[sflag:s29] =	ssyncadd.s32 $0xFFFFFFFF  }
0xb5: {  	_ =	strace $0x90000048  }
0xb6: {  	_ =	sfence  }
0xb7: {  	s30 =	sld [smem:$0x0];
	_ =	sdelay $0x2  }
0xb8: {  	s31 =	sshll.u32 s1, $0xD;
	s1 =	sshrl.u32 s1, $0x2  }
0xb9: {  	s3 =	sand.u32 $0x4000, s31;
	s1 =	sadd.s32 s1, s30  }
0xba: {  	s0 =	sor.u32 s3, s0;
	s1 =	sshll.u32 s1, $0x11  }
0xbb: {  	s0 =	sor.u32 s1, s0  }
0xbc: {  	s0 =	sadd.s32 $0x8F2B, s0  }
0xbd: {  	[sflag:s0] =	ssyncadd.remote.s32 $0x1  }
0xbe: {  	_ =	sfence.sel $0xFFFF  }
0xbf: {  	[dreg:$0x0] =	wrdreg $0xFFFFFFFF;
	(pc) =	sbr.abs _section_cstart, $3  }
0xc0: {  	[dreg:$0x1] =	wrdreg $0xFFFFFFFF  }
0xc1: {  	_ =	task.clear_ibuf [dreg:s7], $0x2FFFF;
	_ =	strace $0x9FFFFFFF  }
0xc2: {  	(tm) =	ssettm $0x7FFFFFFF  }
0xc3: {  	_ =	shalt  }
tec
execute0_lowered:
.L_overlay_start_1:
0x0: {  	(tag) =	ssettag $0x1  }
0x1: {  	s10 =	rddreg [dreg:$0x0]  }
0x2: {  	s2 =	rddreg [dreg:$0x1];
	s1 =	stileid.u32  }
0x3: {  	s0 =	rddreg [dreg:$0x2];
	s3 =	simm.s32 $0x0;
	s5 =	srdreg.scid  }
0x4: {  	s19 =	simm.s32 $0x1;
	s20 =	simm.s32 $0x800;
	s21 =	simm.s32 $0x400  }
0x5: {  	s22 =	simm.s32 $0x1000;
	s23 =	simm.s32 $0x2000;
	s26 =	simm.s32 $0x0  }
0x6: {  	s7 =	sshrl.u32 s1, $0x1;
	[smem:$0x7FF] =	sst s3;
	s5 =	sand.u32 $0x1, s5  }
0x7: {  	s9 =	sshll.u32 s1, $0x1;
	s12 =	sadd.s32 $0x305C00, s10;
	s14 =	sadd.s32 $0x305C10, s10  }
0x8: {  	s17 =	sadd.s32 $0x305C20, s10;
	s18 =	sadd.s32 $0x305C30, s10;
	s4 =	sshll.u32 s7, $0x4  }
0x9: {  	_ =	strace $0x80000047;
	s6 =	ssub.s32 $0x2, s5;
	s9 =	sand.u32 $0x2, s9  }
0xa: {  	s30 =	sshll.u32 s7, $0x15;
	s8 =	sadd.s32 s4, s10;
	s4 =	sadd.s32 $0x303C00, s10  }
0xb: {  	s11 =	sshrl.u32 s6, $0x1;
	s9 =	sor.u32 s5, s9;
	s5 =	sadd.s32 $0x10, s2  }
0xc: {  	s16 =	ssub.s32 s6, s11;
	s6 =	sadd.s32 $0x301C00, s8;
	s13 =	sshll.u32 s9, $0x13  }
0xd: {  	s7 =	sadd.s32 $0x302C00, s8;
	s24 =	sshll.u32 s9, $0x1;
	s25 =	sshllo.u32 s9, $0x1  }
0xe: {  	s31 =	sor.u32 s30, s13;
	s15 =	sshll.u32 s25, $0x12;
	s16 =	smax.u32 s16, $0x1  }
0xf: {  	v0 =	vmov s24;
	v1 =	vmov s25;
	s24 =	simm.s32 $0x3000;
	s25 =	simm.s32 $0x200;
	s13 =	sshrl.u32 s31, $0x3  }
0x10: {  	s15 =	sor.u32 s30, s15;
	s8 =	sadd.s32 s12, s13;
	s9 =	sadd.s32 s13, s14  }
0x11: {  	s10 =	sadd.s32 s13, s17;
	s11 =	sadd.s32 s13, s18;
	s15 =	sshrl.u32 s15, $0x3  }
0x12: {  	s12 =	sadd.s32 s12, s15;
	s13 =	sadd.s32 s15, s14;
	s14 =	sadd.s32 s15, s17  }
0x13: {  	s15 =	sadd.s32 s15, s18;
	s17 =	simm.s32 $0x80;
	s18 =	simm.s32 $0x100  }
.LBB2_1:
0x14: {  	[tilespmem:s3], [sflag:$0x1] =	stream.strided.gather [hbm4b:s2+s17], $0x800, s18, s17, $0x38;
	[tilespmem:$0x13000] =	vst v63  }
0x15: {  	_ =	swait.ge [sflag:s19], $0x800  }
0x16: {  	[sflag:s19] =	ssyncset.done $0x0  }
0x17: {  	[sflag:s19] =	ssyncadd.s32 $0xFFFFF800  }
0x18: {  	[tilespmem:s20], [sflag:$0x1] =	stream.strided.gather [hbm4b:s5+s17], $0x800, s18, s17, $0x38;
	[tilespmem:$0x13000] =	vst v63  }
0x19: {  	_ =	swait.ge [sflag:s19], $0x800  }
0x1a: {  	[sflag:s19] =	ssyncset.done $0x0  }
0x1b: {  	[sflag:s19] =	ssyncadd.s32 $0xFFFFF800  }
0x1c: {  	[tilespmem:s22], [sflag:$0x1] =	stream.strided.gather [hbm4b:s6+s17], $0x1000, s21, s17, $0x38;
	[tilespmem:$0x13000] =	vst v63  }
0x1d: {  	_ =	swait.ge [sflag:s19], $0x1000  }
0x1e: {  	[sflag:s19] =	ssyncset.done $0x0  }
0x1f: {  	[sflag:s19] =	ssyncadd.s32 $0xFFFFF000  }
0x20: {  	[tilespmem:s23], [sflag:$0x1] =	stream.strided.gather [hbm4b:s7+s17], $0x1000, s21, s17, $0x38;
	[tilespmem:$0x13000] =	vst v63  }
0x21: {  	_ =	swait.ge [sflag:s19], $0x1000  }
0x22: {  	[sflag:s19] =	ssyncset.done $0x0  }
0x23: {  	[sflag:s19] =	ssyncadd.s32 $0xFFFFF000  }
0x24: {  	[tilespmem:s24], [sflag:$0x1] =	stream.linear.gather [hbm4b:s4+s3], $0x10000, $0x38;
	[tilespmem:$0x13000] =	vst v63  }
0x25: {  	_ =	swait.ge [sflag:s19], $0x10000  }
0x26: {  	[sflag:s19] =	ssyncset.done $0x0  }
0x27: {  	s29 =	simm.s32 $0x0;
	[sflag:s19] =	ssyncadd.s32 $0xFFFF0000  }
0x28: {  	s28 =	simm.s32 $0x40;
	v2 =	vld [tilespmem:s29+$0x800]  }
.LBB2_2:
0x29: {  	p0 =	sne.s32 s28, $0x1F00;
	v3 =	vld [tilespmem:s29+$0x0];
	_ =	sdelay $0x3  }
0x2a: {  	v4 =	vshll.u32 v2, $0x3  }
0x2b: {  	v5 =	vshll.u32 v3, $0x3;
	v4 =	vor.u32 v0, v4  }
0x2c: {  	v5 =	vor.u32 v0, v5;
	_ =	sdelay $0x3  }
0x2d: {  	v4 =	vld.idx.msk [tilespmem:v4+s23+$0x0], $0xffff  }
0x2e: {  	v5 =	vld.idx.msk [tilespmem:v5+s22+$0x0], $0xffff;
	_ =	sdelay $0x5  }
0x2f: {  	v4 =	vadd.f32 v4, v5;
	_ =	sdelay $0x1  }
0x30: {  	v5 =	vmul.f32 $2.000000030e-01, v4  }
0x31: {  	vm0 =	vgt.f32 v4, $0.0e+00  }
0x32: {  	v4 =	vsel vm0, v4, v5  }
0x33: {  	v4 =	vmul.f32 $1.442695020e+00, v4;
	_ =	sdelay $0x1  }
0x34: {  	(erf) = vpow2.f32 v4;
	_ =	sdelay $0x2  }
0x35: {  	v2 =	vshll.u32 v2, $0x7  }
0x36: {  	v2 =	vadd.s32 v3, v2;
	vm0 =	vlt.u32 v3, $0x80  }
0x37: {  	v2 =	vnsel vm0, $0x0, v2;
	_ =	sdelay $0x1  }
.Ltmp0:
0x38: {  	(pc) =	sbr.rel @p0 .LBB2_2-.Ltmp0, $4  }
0x39: {  	_ = 	snop  }
0x3a: {  	v3 =	vpop (erf)  }
0x3b: {  	s29 =	sshra.s32 s28, $0x2;
	[tilespmem:v2+s24+$0x0] =	vst.idx.add.f32.msk vm0, v3  }
0x3c: {  	s28 =	sadd.s32 $0x40, s28;
	v2 =	vld [tilespmem:s29+$0x800]  }
0x3d: {  	v3 =	vld [tilespmem:s29+$0x0];
	_ =	sdelay $0x3  }
0x3e: {  	v4 =	vshll.u32 v2, $0x3  }
0x3f: {  	v5 =	vshll.u32 v3, $0x3;
	v4 =	vor.u32 v0, v4  }
0x40: {  	v5 =	vor.u32 v0, v5;
	_ =	sdelay $0x3  }
0x41: {  	v4 =	vld.idx.msk [tilespmem:v4+s23+$0x0], $0xffff  }
0x42: {  	v5 =	vld.idx.msk [tilespmem:v5+s22+$0x0], $0xffff;
	_ =	sdelay $0x4  }
0x43: {  	v4 =	vadd.f32 v4, v5;
	_ =	sdelay $0x1  }
0x44: {  	v5 =	vmul.f32 $2.000000030e-01, v4  }
0x45: {  	vm0 =	vgt.f32 v4, $0.0e+00  }
0x46: {  	v4 =	vsel vm0, v4, v5  }
0x47: {  	v4 =	vmul.f32 $1.442695020e+00, v4;
	_ =	sdelay $0x1  }
0x48: {  	(erf) = vpow2.f32 v4;
	_ =	sdelay $0x2  }
0x49: {  	v2 =	vshll.u32 v2, $0x7  }
0x4a: {  	vm15 =	vlt.u32 v3, $0x80;
	v2 =	vadd.s32 v3, v2  }
0x4b: {  	v2 =	vnsel vm15, $0x0, v2;
	_ =	sdelay $0x3  }
0x4c: {  	v3 =	vpop (erf)  }
0x4d: {  	[tilespmem:v2+s24+$0x0] =	vst.idx.add.f32.msk vm15, v3  }
0x4e: {  	[hbm4b:s8+s17] =	stream.strided.scatter [tilespmem:s24], [sflag:$0x1], $0x10000, s25, s17, $0x38;
	[tilespmem:$0x13000] =	vst v63  }
0x4f: {  	_ =	swait.ge [sflag:s19], $0x10000  }
0x50: {  	[sflag:s19] =	ssyncset.done $0x0  }
0x51: {  	s28 =	simm.s32 $0x0;
	[sflag:s19] =	ssyncadd.s32 $0xFFFF0000  }
0x52: {  	[tilespmem:s24], [sflag:$0x1] =	stream.linear.gather [hbm4b:s4+s28], $0x10000, $0x38;
	[tilespmem:$0x13000] =	vst v63  }
0x53: {  	_ =	swait.ge [sflag:s19], $0x10000  }
0x54: {  	[sflag:s19] =	ssyncset.done $0x0  }
0x55: {  	s29 =	simm.s32 $0x0;
	[sflag:s19] =	ssyncadd.s32 $0xFFFF0000  }
0x56: {  	s28 =	simm.s32 $0x40;
	v2 =	vld [tilespmem:s29+$0x800]  }
.LBB2_4:
0x57: {  	p0 =	sne.s32 s28, $0x1F00;
	v3 =	vld [tilespmem:s29+$0x0];
	_ =	sdelay $0x3  }
0x58: {  	v4 =	vshll.u32 v2, $0x3  }
0x59: {  	v5 =	vshll.u32 v3, $0x3;
	v4 =	vor.u32 v0, v4  }
0x5a: {  	v5 =	vor.u32 v0, v5;
	_ =	sdelay $0x3  }
0x5b: {  	v4 =	vld.idx.msk [tilespmem:v4+s23+$0x0], $0xffff  }
0x5c: {  	v5 =	vld.idx.msk [tilespmem:v5+s22+$0x0], $0xffff;
	_ =	sdelay $0x5  }
0x5d: {  	v4 =	vadd.f32 v4, v5;
	_ =	sdelay $0x1  }
0x5e: {  	v5 =	vmul.f32 $2.000000030e-01, v4  }
0x5f: {  	vm0 =	vgt.f32 v4, $0.0e+00  }
0x60: {  	v4 =	vsel vm0, v4, v5  }
0x61: {  	v4 =	vmul.f32 $1.442695020e+00, v4;
	_ =	sdelay $0x1  }
0x62: {  	(erf) = vpow2.f32 v4;
	_ =	sdelay $0x1  }
0x63: {  	v2 =	vshll.u32 v2, $0x7  }
0x64: {  	v2 =	vadd.s32 v2, v3;
	v3 =	vand.u32 $0xFFFFFF80, v3  }
0x65: {  	v2 =	vadd.s32 $0xFFFFFF80, v2;
	vm0 =	veq.s32 v3, $0x80  }
0x66: {  	v2 =	vnsel vm0, $0x0, v2;
	_ =	sdelay $0x1  }
.Ltmp1:
0x67: {  	(pc) =	sbr.rel @p0 .LBB2_4-.Ltmp1, $4  }
0x68: {  	_ = 	snop  }
0x69: {  	v3 =	vpop (erf)  }
0x6a: {  	s29 =	sshra.s32 s28, $0x2;
	[tilespmem:v2+s24+$0x0] =	vst.idx.add.f32.msk vm0, v3  }
0x6b: {  	s28 =	sadd.s32 $0x40, s28;
	v2 =	vld [tilespmem:s29+$0x800]  }
0x6c: {  	v3 =	vld [tilespmem:s29+$0x0];
	_ =	sdelay $0x3  }
0x6d: {  	v4 =	vshll.u32 v2, $0x3  }
0x6e: {  	v5 =	vshll.u32 v3, $0x3;
	v4 =	vor.u32 v0, v4  }
0x6f: {  	v5 =	vor.u32 v0, v5;
	_ =	sdelay $0x3  }
0x70: {  	v4 =	vld.idx.msk [tilespmem:v4+s23+$0x0], $0xffff  }
0x71: {  	v5 =	vld.idx.msk [tilespmem:v5+s22+$0x0], $0xffff;
	_ =	sdelay $0x4  }
0x72: {  	v4 =	vadd.f32 v4, v5;
	_ =	sdelay $0x1  }
0x73: {  	v5 =	vmul.f32 $2.000000030e-01, v4  }
0x74: {  	vm0 =	vgt.f32 v4, $0.0e+00  }
0x75: {  	v4 =	vsel vm0, v4, v5  }
0x76: {  	v4 =	vmul.f32 $1.442695020e+00, v4;
	_ =	sdelay $0x1  }
0x77: {  	(erf) = vpow2.f32 v4;
	_ =	sdelay $0x1  }
0x78: {  	v2 =	vshll.u32 v2, $0x7  }
0x79: {  	v2 =	vadd.s32 v2, v3;
	v3 =	vand.u32 $0xFFFFFF80, v3  }
0x7a: {  	vm15 =	veq.s32 v3, $0x80;
	v2 =	vadd.s32 $0xFFFFFF80, v2  }
0x7b: {  	v2 =	vnsel vm15, $0x0, v2;
	_ =	sdelay $0x3  }
0x7c: {  	v3 =	vpop (erf)  }
0x7d: {  	[tilespmem:v2+s24+$0x0] =	vst.idx.add.f32.msk vm15, v3  }
0x7e: {  	[hbm4b:s9+s17] =	stream.strided.scatter [tilespmem:s24], [sflag:$0x1], $0x10000, s25, s17, $0x38;
	[tilespmem:$0x13000] =	vst v63  }
0x7f: {  	_ =	swait.ge [sflag:s19], $0x10000  }
0x80: {  	[sflag:s19] =	ssyncset.done $0x0  }
0x81: {  	s28 =	simm.s32 $0x0;
	[sflag:s19] =	ssyncadd.s32 $0xFFFF0000  }
0x82: {  	[tilespmem:s24], [sflag:$0x1] =	stream.linear.gather [hbm4b:s4+s28], $0x10000, $0x38;
	[tilespmem:$0x13000] =	vst v63  }
0x83: {  	_ =	swait.ge [sflag:s19], $0x10000  }
0x84: {  	[sflag:s19] =	ssyncset.done $0x0  }
0x85: {  	s29 =	simm.s32 $0x0;
	[sflag:s19] =	ssyncadd.s32 $0xFFFF0000  }
0x86: {  	s28 =	simm.s32 $0x40;
	v2 =	vld [tilespmem:s29+$0x800]  }
.LBB2_6:
0x87: {  	p0 =	sne.s32 s28, $0x1F00;
	v3 =	vld [tilespmem:s29+$0x0];
	_ =	sdelay $0x3  }
0x88: {  	v4 =	vshll.u32 v2, $0x3  }
0x89: {  	v5 =	vshll.u32 v3, $0x3;
	v4 =	vor.u32 v0, v4  }
0x8a: {  	v5 =	vor.u32 v0, v5;
	_ =	sdelay $0x3  }
0x8b: {  	v4 =	vld.idx.msk [tilespmem:v4+s23+$0x0], $0xffff  }
0x8c: {  	v5 =	vld.idx.msk [tilespmem:v5+s22+$0x0], $0xffff;
	_ =	sdelay $0x5  }
0x8d: {  	v4 =	vadd.f32 v4, v5;
	_ =	sdelay $0x1  }
0x8e: {  	v5 =	vmul.f32 $2.000000030e-01, v4  }
0x8f: {  	vm0 =	vgt.f32 v4, $0.0e+00  }
0x90: {  	v4 =	vsel vm0, v4, v5  }
0x91: {  	v4 =	vmul.f32 $1.442695020e+00, v4;
	_ =	sdelay $0x1  }
0x92: {  	(erf) = vpow2.f32 v4;
	_ =	sdelay $0x1  }
0x93: {  	v2 =	vshll.u32 v2, $0x7  }
0x94: {  	v2 =	vadd.s32 v2, v3;
	v3 =	vand.u32 $0xFFFFFF80, v3  }
0x95: {  	v2 =	vadd.s32 $0xFFFFFF00, v2;
	vm0 =	veq.s32 v3, $0x100  }
0x96: {  	v2 =	vnsel vm0, $0x0, v2;
	_ =	sdelay $0x1  }
.Ltmp2:
0x97: {  	(pc) =	sbr.rel @p0 .LBB2_6-.Ltmp2, $4  }
0x98: {  	_ = 	snop  }
0x99: {  	v3 =	vpop (erf)  }
0x9a: {  	s29 =	sshra.s32 s28, $0x2;
	[tilespmem:v2+s24+$0x0] =	vst.idx.add.f32.msk vm0, v3  }
0x9b: {  	s28 =	sadd.s32 $0x40, s28;
	v2 =	vld [tilespmem:s29+$0x800]  }
0x9c: {  	v3 =	vld [tilespmem:s29+$0x0];
	_ =	sdelay $0x3  }
0x9d: {  	v4 =	vshll.u32 v2, $0x3  }
0x9e: {  	v5 =	vshll.u32 v3, $0x3;
	v4 =	vor.u32 v0, v4  }
0x9f: {  	v5 =	vor.u32 v0, v5;
	_ =	sdelay $0x3  }
0xa0: {  	v4 =	vld.idx.msk [tilespmem:v4+s23+$0x0], $0xffff  }
0xa1: {  	v5 =	vld.idx.msk [tilespmem:v5+s22+$0x0], $0xffff;
	_ =	sdelay $0x4  }
0xa2: {  	v4 =	vadd.f32 v4, v5;
	_ =	sdelay $0x1  }
0xa3: {  	v5 =	vmul.f32 $2.000000030e-01, v4  }
0xa4: {  	vm0 =	vgt.f32 v4, $0.0e+00  }
0xa5: {  	v4 =	vsel vm0, v4, v5  }
0xa6: {  	v4 =	vmul.f32 $1.442695020e+00, v4;
	_ =	sdelay $0x1  }
0xa7: {  	(erf) = vpow2.f32 v4;
	_ =	sdelay $0x1  }
0xa8: {  	v2 =	vshll.u32 v2, $0x7  }
0xa9: {  	v2 =	vadd.s32 v2, v3;
	v3 =	vand.u32 $0xFFFFFF80, v3  }
0xaa: {  	vm15 =	veq.s32 v3, $0x100;
	v2 =	vadd.s32 $0xFFFFFF00, v2  }
0xab: {  	v2 =	vnsel vm15, $0x0, v2;
	_ =	sdelay $0x3  }
0xac: {  	v3 =	vpop (erf)  }
0xad: {  	[tilespmem:v2+s24+$0x0] =	vst.idx.add.f32.msk vm15, v3  }
0xae: {  	[hbm4b:s10+s17] =	stream.strided.scatter [tilespmem:s24], [sflag:$0x1], $0x10000, s25, s17, $0x38;
	[tilespmem:$0x13000] =	vst v63  }
0xaf: {  	_ =	swait.ge [sflag:s19], $0x10000  }
0xb0: {  	[sflag:s19] =	ssyncset.done $0x0  }
0xb1: {  	s28 =	simm.s32 $0x0;
	[sflag:s19] =	ssyncadd.s32 $0xFFFF0000  }
0xb2: {  	[tilespmem:s24], [sflag:$0x1] =	stream.linear.gather [hbm4b:s4+s28], $0x10000, $0x38;
	[tilespmem:$0x13000] =	vst v63  }
0xb3: {  	_ =	swait.ge [sflag:s19], $0x10000  }
0xb4: {  	[sflag:s19] =	ssyncset.done $0x0  }
0xb5: {  	s29 =	simm.s32 $0x0;
	[sflag:s19] =	ssyncadd.s32 $0xFFFF0000  }
0xb6: {  	s28 =	simm.s32 $0x40;
	v2 =	vld [tilespmem:s29+$0x800]  }
.LBB2_8:
0xb7: {  	p0 =	sne.s32 s28, $0x1F00;
	v3 =	vld [tilespmem:s29+$0x0];
	_ =	sdelay $0x3  }
0xb8: {  	v4 =	vshll.u32 v2, $0x3  }
0xb9: {  	v5 =	vshll.u32 v3, $0x3;
	v4 =	vor.u32 v0, v4  }
0xba: {  	v5 =	vor.u32 v0, v5;
	_ =	sdelay $0x3  }
0xbb: {  	v4 =	vld.idx.msk [tilespmem:v4+s23+$0x0], $0xffff  }
0xbc: {  	v5 =	vld.idx.msk [tilespmem:v5+s22+$0x0], $0xffff;
	_ =	sdelay $0x5  }
0xbd: {  	v4 =	vadd.f32 v4, v5;
	_ =	sdelay $0x1  }
0xbe: {  	v5 =	vmul.f32 $2.000000030e-01, v4  }
0xbf: {  	vm0 =	vgt.f32 v4, $0.0e+00  }
0xc0: {  	v4 =	vsel vm0, v4, v5  }
0xc1: {  	v4 =	vmul.f32 $1.442695020e+00, v4;
	_ =	sdelay $0x1  }
0xc2: {  	(erf) = vpow2.f32 v4;
	_ =	sdelay $0x1  }
0xc3: {  	v2 =	vshll.u32 v2, $0x7  }
0xc4: {  	v2 =	vadd.s32 v2, v3;
	v3 =	vand.u32 $0xFFFFFF80, v3  }
0xc5: {  	v2 =	vadd.s32 $0xFFFFFE80, v2;
	vm0 =	veq.s32 v3, $0x180  }
0xc6: {  	v2 =	vnsel vm0, $0x0, v2;
	_ =	sdelay $0x1  }
.Ltmp3:
0xc7: {  	(pc) =	sbr.rel @p0 .LBB2_8-.Ltmp3, $4  }
0xc8: {  	_ = 	snop  }
0xc9: {  	v3 =	vpop (erf)  }
0xca: {  	s29 =	sshra.s32 s28, $0x2;
	[tilespmem:v2+s24+$0x0] =	vst.idx.add.f32.msk vm0, v3  }
0xcb: {  	s28 =	sadd.s32 $0x40, s28;
	v2 =	vld [tilespmem:s29+$0x800]  }
0xcc: {  	v3 =	vld [tilespmem:s29+$0x0];
	_ =	sdelay $0x3  }
0xcd: {  	v4 =	vshll.u32 v2, $0x3  }
0xce: {  	v5 =	vshll.u32 v3, $0x3;
	v4 =	vor.u32 v0, v4  }
0xcf: {  	v5 =	vor.u32 v0, v5;
	_ =	sdelay $0x3  }
0xd0: {  	v4 =	vld.idx.msk [tilespmem:v4+s23+$0x0], $0xffff  }
0xd1: {  	v5 =	vld.idx.msk [tilespmem:v5+s22+$0x0], $0xffff;
	_ =	sdelay $0x4  }
0xd2: {  	v4 =	vadd.f32 v4, v5;
	_ =	sdelay $0x1  }
0xd3: {  	v5 =	vmul.f32 $2.000000030e-01, v4  }
0xd4: {  	vm0 =	vgt.f32 v4, $0.0e+00  }
0xd5: {  	v4 =	vsel vm0, v4, v5  }
0xd6: {  	v4 =	vmul.f32 $1.442695020e+00, v4;
	_ =	sdelay $0x1  }
0xd7: {  	(erf) = vpow2.f32 v4;
	_ =	sdelay $0x1  }
0xd8: {  	v2 =	vshll.u32 v2, $0x7  }
0xd9: {  	v2 =	vadd.s32 v2, v3;
	v3 =	vand.u32 $0xFFFFFF80, v3  }
0xda: {  	vm15 =	veq.s32 v3, $0x180;
	v2 =	vadd.s32 $0xFFFFFE80, v2  }
0xdb: {  	v2 =	vnsel vm15, $0x0, v2;
	_ =	sdelay $0x3  }
0xdc: {  	v3 =	vpop (erf)  }
0xdd: {  	[tilespmem:v2+s24+$0x0] =	vst.idx.add.f32.msk vm15, v3  }
0xde: {  	[hbm4b:s11+s17] =	stream.strided.scatter [tilespmem:s24], [sflag:$0x1], $0x10000, s25, s17, $0x38;
	[tilespmem:$0x13000] =	vst v63  }
0xdf: {  	_ =	swait.ge [sflag:s19], $0x10000  }
0xe0: {  	[sflag:s19] =	ssyncset.done $0x0  }
0xe1: {  	s28 =	simm.s32 $0x0;
	[sflag:s19] =	ssyncadd.s32 $0xFFFF0000  }
0xe2: {  	[tilespmem:s24], [sflag:$0x1] =	stream.linear.gather [hbm4b:s4+s28], $0x10000, $0x38;
	[tilespmem:$0x13000] =	vst v63  }
0xe3: {  	_ =	swait.ge [sflag:s19], $0x10000  }
0xe4: {  	[sflag:s19] =	ssyncset.done $0x0  }
0xe5: {  	s29 =	simm.s32 $0x0;
	[sflag:s19] =	ssyncadd.s32 $0xFFFF0000  }
0xe6: {  	s28 =	simm.s32 $0x40;
	v2 =	vld [tilespmem:s29+$0x800]  }
.LBB2_10:
0xe7: {  	p0 =	sne.s32 s28, $0x1F00;
	v3 =	vld [tilespmem:s29+$0x0];
	_ =	sdelay $0x3  }
0xe8: {  	v4 =	vshll.u32 v2, $0x3  }
0xe9: {  	v5 =	vshll.u32 v3, $0x3;
	v4 =	vor.u32 v1, v4  }
0xea: {  	v5 =	vor.u32 v1, v5;
	_ =	sdelay $0x3  }
0xeb: {  	v4 =	vld.idx.msk [tilespmem:v4+s23+$0x0], $0xffff  }
0xec: {  	v5 =	vld.idx.msk [tilespmem:v5+s22+$0x0], $0xffff;
	_ =	sdelay $0x5  }
0xed: {  	v4 =	vadd.f32 v4, v5;
	_ =	sdelay $0x1  }
0xee: {  	v5 =	vmul.f32 $2.000000030e-01, v4  }
0xef: {  	vm0 =	vgt.f32 v4, $0.0e+00  }
0xf0: {  	v4 =	vsel vm0, v4, v5  }
0xf1: {  	v4 =	vmul.f32 $1.442695020e+00, v4;
	_ =	sdelay $0x1  }
0xf2: {  	(erf) = vpow2.f32 v4;
	_ =	sdelay $0x2  }
0xf3: {  	v2 =	vshll.u32 v2, $0x7  }
0xf4: {  	v2 =	vadd.s32 v3, v2;
	vm0 =	vlt.u32 v3, $0x80  }
0xf5: {  	v2 =	vnsel vm0, $0x0, v2;
	_ =	sdelay $0x1  }
.Ltmp4:
0xf6: {  	(pc) =	sbr.rel @p0 .LBB2_10-.Ltmp4, $4  }
0xf7: {  	_ = 	snop  }
0xf8: {  	v3 =	vpop (erf)  }
0xf9: {  	s29 =	sshra.s32 s28, $0x2;
	[tilespmem:v2+s24+$0x0] =	vst.idx.add.f32.msk vm0, v3  }
0xfa: {  	s28 =	sadd.s32 $0x40, s28;
	v2 =	vld [tilespmem:s29+$0x800]  }
0xfb: {  	v3 =	vld [tilespmem:s29+$0x0];
	_ =	sdelay $0x3  }
0xfc: {  	v4 =	vshll.u32 v2, $0x3  }
0xfd: {  	v5 =	vshll.u32 v3, $0x3;
	v4 =	vor.u32 v1, v4  }
0xfe: {  	v5 =	vor.u32 v1, v5;
	_ =	sdelay $0x3  }
0xff: {  	v4 =	vld.idx.msk [tilespmem:v4+s23+$0x0], $0xffff  }
0x100: {  	v5 =	vld.idx.msk [tilespmem:v5+s22+$0x0], $0xffff;
	_ =	sdelay $0x4  }
0x101: {  	v4 =	vadd.f32 v4, v5;
	_ =	sdelay $0x1  }
0x102: {  	v5 =	vmul.f32 $2.000000030e-01, v4  }
0x103: {  	vm0 =	vgt.f32 v4, $0.0e+00  }
0x104: {  	v4 =	vsel vm0, v4, v5  }
0x105: {  	v4 =	vmul.f32 $1.442695020e+00, v4;
	_ =	sdelay $0x1  }
0x106: {  	(erf) = vpow2.f32 v4;
	_ =	sdelay $0x2  }
0x107: {  	v2 =	vshll.u32 v2, $0x7  }
0x108: {  	vm15 =	vlt.u32 v3, $0x80;
	v2 =	vadd.s32 v3, v2  }
0x109: {  	v2 =	vnsel vm15, $0x0, v2;
	_ =	sdelay $0x3  }
0x10a: {  	v3 =	vpop (erf)  }
0x10b: {  	[tilespmem:v2+s24+$0x0] =	vst.idx.add.f32.msk vm15, v3  }
0x10c: {  	[hbm4b:s12+s17] =	stream.strided.scatter [tilespmem:s24], [sflag:$0x1], $0x10000, s25, s17, $0x38;
	[tilespmem:$0x13000] =	vst v63  }
0x10d: {  	_ =	swait.ge [sflag:s19], $0x10000  }
0x10e: {  	[sflag:s19] =	ssyncset.done $0x0  }
0x10f: {  	s28 =	simm.s32 $0x0;
	[sflag:s19] =	ssyncadd.s32 $0xFFFF0000  }
0x110: {  	[tilespmem:s24], [sflag:$0x1] =	stream.linear.gather [hbm4b:s4+s28], $0x10000, $0x38;
	[tilespmem:$0x13000] =	vst v63  }
0x111: {  	_ =	swait.ge [sflag:s19], $0x10000  }
0x112: {  	[sflag:s19] =	ssyncset.done $0x0  }
0x113: {  	s29 =	simm.s32 $0x0;
	[sflag:s19] =	ssyncadd.s32 $0xFFFF0000  }
0x114: {  	s28 =	simm.s32 $0x40;
	v2 =	vld [tilespmem:s29+$0x800]  }
.LBB2_12:
0x115: {  	p0 =	sne.s32 s28, $0x1F00;
	v3 =	vld [tilespmem:s29+$0x0];
	_ =	sdelay $0x3  }
0x116: {  	v4 =	vshll.u32 v2, $0x3  }
0x117: {  	v5 =	vshll.u32 v3, $0x3;
	v4 =	vor.u32 v1, v4  }
0x118: {  	v5 =	vor.u32 v1, v5;
	_ =	sdelay $0x3  }
0x119: {  	v4 =	vld.idx.msk [tilespmem:v4+s23+$0x0], $0xffff  }
0x11a: {  	v5 =	vld.idx.msk [tilespmem:v5+s22+$0x0], $0xffff;
	_ =	sdelay $0x5  }
0x11b: {  	v4 =	vadd.f32 v4, v5;
	_ =	sdelay $0x1  }
0x11c: {  	v5 =	vmul.f32 $2.000000030e-01, v4  }
0x11d: {  	vm0 =	vgt.f32 v4, $0.0e+00  }
0x11e: {  	v4 =	vsel vm0, v4, v5  }
0x11f: {  	v4 =	vmul.f32 $1.442695020e+00, v4;
	_ =	sdelay $0x1  }
0x120: {  	(erf) = vpow2.f32 v4;
	_ =	sdelay $0x1  }
0x121: {  	v2 =	vshll.u32 v2, $0x7  }
0x122: {  	v2 =	vadd.s32 v2, v3;
	v3 =	vand.u32 $0xFFFFFF80, v3  }
0x123: {  	v2 =	vadd.s32 $0xFFFFFF80, v2;
	vm0 =	veq.s32 v3, $0x80  }
0x124: {  	v2 =	vnsel vm0, $0x0, v2;
	_ =	sdelay $0x1  }
.Ltmp5:
0x125: {  	(pc) =	sbr.rel @p0 .LBB2_12-.Ltmp5, $4  }
0x126: {  	_ = 	snop  }
0x127: {  	v3 =	vpop (erf)  }
0x128: {  	s29 =	sshra.s32 s28, $0x2;
	[tilespmem:v2+s24+$0x0] =	vst.idx.add.f32.msk vm0, v3  }
0x129: {  	s28 =	sadd.s32 $0x40, s28;
	v2 =	vld [tilespmem:s29+$0x800]  }
0x12a: {  	v3 =	vld [tilespmem:s29+$0x0];
	_ =	sdelay $0x3  }
0x12b: {  	v4 =	vshll.u32 v2, $0x3  }
0x12c: {  	v5 =	vshll.u32 v3, $0x3;
	v4 =	vor.u32 v1, v4  }
0x12d: {  	v5 =	vor.u32 v1, v5;
	_ =	sdelay $0x3  }
0x12e: {  	v4 =	vld.idx.msk [tilespmem:v4+s23+$0x0], $0xffff  }
0x12f: {  	v5 =	vld.idx.msk [tilespmem:v5+s22+$0x0], $0xffff;
	_ =	sdelay $0x4  }
0x130: {  	v4 =	vadd.f32 v4, v5;
	_ =	sdelay $0x1  }
0x131: {  	v5 =	vmul.f32 $2.000000030e-01, v4  }
0x132: {  	vm0 =	vgt.f32 v4, $0.0e+00  }
0x133: {  	v4 =	vsel vm0, v4, v5  }
0x134: {  	v4 =	vmul.f32 $1.442695020e+00, v4;
	_ =	sdelay $0x1  }
0x135: {  	(erf) = vpow2.f32 v4;
	_ =	sdelay $0x1  }
0x136: {  	v2 =	vshll.u32 v2, $0x7  }
0x137: {  	v2 =	vadd.s32 v2, v3;
	v3 =	vand.u32 $0xFFFFFF80, v3  }
0x138: {  	vm15 =	veq.s32 v3, $0x80;
	v2 =	vadd.s32 $0xFFFFFF80, v2  }
0x139: {  	v2 =	vnsel vm15, $0x0, v2;
	_ =	sdelay $0x3  }
0x13a: {  	v3 =	vpop (erf)  }
0x13b: {  	[tilespmem:v2+s24+$0x0] =	vst.idx.add.f32.msk vm15, v3  }
0x13c: {  	[hbm4b:s13+s17] =	stream.strided.scatter [tilespmem:s24], [sflag:$0x1], $0x10000, s25, s17, $0x38;
	[tilespmem:$0x13000] =	vst v63  }
0x13d: {  	_ =	swait.ge [sflag:s19], $0x10000  }
0x13e: {  	[sflag:s19] =	ssyncset.done $0x0  }
0x13f: {  	s28 =	simm.s32 $0x0;
	[sflag:s19] =	ssyncadd.s32 $0xFFFF0000  }
0x140: {  	[tilespmem:s24], [sflag:$0x1] =	stream.linear.gather [hbm4b:s4+s28], $0x10000, $0x38;
	[tilespmem:$0x13000] =	vst v63  }
0x141: {  	_ =	swait.ge [sflag:s19], $0x10000  }
0x142: {  	[sflag:s19] =	ssyncset.done $0x0  }
0x143: {  	s29 =	simm.s32 $0x0;
	[sflag:s19] =	ssyncadd.s32 $0xFFFF0000  }
0x144: {  	s28 =	simm.s32 $0x40;
	v2 =	vld [tilespmem:s29+$0x800]  }
.LBB2_14:
0x145: {  	p0 =	sne.s32 s28, $0x1F00;
	v3 =	vld [tilespmem:s29+$0x0];
	_ =	sdelay $0x3  }
0x146: {  	v4 =	vshll.u32 v2, $0x3  }
0x147: {  	v5 =	vshll.u32 v3, $0x3;
	v4 =	vor.u32 v1, v4  }
0x148: {  	v5 =	vor.u32 v1, v5;
	_ =	sdelay $0x3  }
0x149: {  	v4 =	vld.idx.msk [tilespmem:v4+s23+$0x0], $0xffff  }
0x14a: {  	v5 =	vld.idx.msk [tilespmem:v5+s22+$0x0], $0xffff;
	_ =	sdelay $0x5  }
0x14b: {  	v4 =	vadd.f32 v4, v5;
	_ =	sdelay $0x1  }
0x14c: {  	v5 =	vmul.f32 $2.000000030e-01, v4  }
0x14d: {  	vm0 =	vgt.f32 v4, $0.0e+00  }
0x14e: {  	v4 =	vsel vm0, v4, v5  }
0x14f: {  	v4 =	vmul.f32 $1.442695020e+00, v4;
	_ =	sdelay $0x1  }
0x150: {  	(erf) = vpow2.f32 v4;
	_ =	sdelay $0x1  }
0x151: {  	v2 =	vshll.u32 v2, $0x7  }
0x152: {  	v2 =	vadd.s32 v2, v3;
	v3 =	vand.u32 $0xFFFFFF80, v3  }
0x153: {  	v2 =	vadd.s32 $0xFFFFFF00, v2;
	vm0 =	veq.s32 v3, $0x100  }
0x154: {  	v2 =	vnsel vm0, $0x0, v2;
	_ =	sdelay $0x1  }
.Ltmp6:
0x155: {  	(pc) =	sbr.rel @p0 .LBB2_14-.Ltmp6, $4  }
0x156: {  	_ = 	snop  }
0x157: {  	v3 =	vpop (erf)  }
0x158: {  	s29 =	sshra.s32 s28, $0x2;
	[tilespmem:v2+s24+$0x0] =	vst.idx.add.f32.msk vm0, v3  }
0x159: {  	s28 =	sadd.s32 $0x40, s28;
	v2 =	vld [tilespmem:s29+$0x800]  }
0x15a: {  	v3 =	vld [tilespmem:s29+$0x0];
	_ =	sdelay $0x3  }
0x15b: {  	v4 =	vshll.u32 v2, $0x3  }
0x15c: {  	v5 =	vshll.u32 v3, $0x3;
	v4 =	vor.u32 v1, v4  }
0x15d: {  	v5 =	vor.u32 v1, v5;
	_ =	sdelay $0x3  }
0x15e: {  	v4 =	vld.idx.msk [tilespmem:v4+s23+$0x0], $0xffff  }
0x15f: {  	v5 =	vld.idx.msk [tilespmem:v5+s22+$0x0], $0xffff;
	_ =	sdelay $0x4  }
0x160: {  	v4 =	vadd.f32 v4, v5;
	_ =	sdelay $0x1  }
0x161: {  	v5 =	vmul.f32 $2.000000030e-01, v4  }
0x162: {  	vm0 =	vgt.f32 v4, $0.0e+00  }
0x163: {  	v4 =	vsel vm0, v4, v5  }
0x164: {  	v4 =	vmul.f32 $1.442695020e+00, v4;
	_ =	sdelay $0x1  }
0x165: {  	(erf) = vpow2.f32 v4;
	_ =	sdelay $0x1  }
0x166: {  	v2 =	vshll.u32 v2, $0x7  }
0x167: {  	v2 =	vadd.s32 v2, v3;
	v3 =	vand.u32 $0xFFFFFF80, v3  }
0x168: {  	vm15 =	veq.s32 v3, $0x100;
	v2 =	vadd.s32 $0xFFFFFF00, v2  }
0x169: {  	v2 =	vnsel vm15, $0x0, v2;
	_ =	sdelay $0x3  }
0x16a: {  	v3 =	vpop (erf)  }
0x16b: {  	[tilespmem:v2+s24+$0x0] =	vst.idx.add.f32.msk vm15, v3  }
0x16c: {  	[hbm4b:s14+s17] =	stream.strided.scatter [tilespmem:s24], [sflag:$0x1], $0x10000, s25, s17, $0x38;
	[tilespmem:$0x13000] =	vst v63  }
0x16d: {  	_ =	swait.ge [sflag:s19], $0x10000  }
0x16e: {  	[sflag:s19] =	ssyncset.done $0x0  }
0x16f: {  	s28 =	simm.s32 $0x0;
	[sflag:s19] =	ssyncadd.s32 $0xFFFF0000  }
0x170: {  	[tilespmem:s24], [sflag:$0x1] =	stream.linear.gather [hbm4b:s4+s28], $0x10000, $0x38;
	[tilespmem:$0x13000] =	vst v63  }
0x171: {  	_ =	swait.ge [sflag:s19], $0x10000  }
0x172: {  	[sflag:s19] =	ssyncset.done $0x0  }
0x173: {  	s29 =	simm.s32 $0x0;
	[sflag:s19] =	ssyncadd.s32 $0xFFFF0000  }
0x174: {  	s28 =	simm.s32 $0x40;
	v2 =	vld [tilespmem:s29+$0x800]  }
.LBB2_16:
0x175: {  	p0 =	sne.s32 s28, $0x1F00;
	v3 =	vld [tilespmem:s29+$0x0];
	_ =	sdelay $0x3  }
0x176: {  	v4 =	vshll.u32 v2, $0x3  }
0x177: {  	v5 =	vshll.u32 v3, $0x3;
	v4 =	vor.u32 v1, v4  }
0x178: {  	v5 =	vor.u32 v1, v5;
	_ =	sdelay $0x3  }
0x179: {  	v4 =	vld.idx.msk [tilespmem:v4+s23+$0x0], $0xffff  }
0x17a: {  	v5 =	vld.idx.msk [tilespmem:v5+s22+$0x0], $0xffff;
	_ =	sdelay $0x5  }
0x17b: {  	v4 =	vadd.f32 v4, v5;
	_ =	sdelay $0x1  }
0x17c: {  	v5 =	vmul.f32 $2.000000030e-01, v4  }
0x17d: {  	vm0 =	vgt.f32 v4, $0.0e+00  }
0x17e: {  	v4 =	vsel vm0, v4, v5  }
0x17f: {  	v4 =	vmul.f32 $1.442695020e+00, v4;
	_ =	sdelay $0x1  }
0x180: {  	(erf) = vpow2.f32 v4;
	_ =	sdelay $0x1  }
0x181: {  	v2 =	vshll.u32 v2, $0x7  }
0x182: {  	v2 =	vadd.s32 v2, v3;
	v3 =	vand.u32 $0xFFFFFF80, v3  }
0x183: {  	v2 =	vadd.s32 $0xFFFFFE80, v2;
	vm0 =	veq.s32 v3, $0x180  }
0x184: {  	v2 =	vnsel vm0, $0x0, v2;
	_ =	sdelay $0x1  }
.Ltmp7:
0x185: {  	(pc) =	sbr.rel @p0 .LBB2_16-.Ltmp7, $4  }
0x186: {  	_ = 	snop  }
0x187: {  	v3 =	vpop (erf)  }
0x188: {  	s29 =	sshra.s32 s28, $0x2;
	[tilespmem:v2+s24+$0x0] =	vst.idx.add.f32.msk vm0, v3  }
0x189: {  	s28 =	sadd.s32 $0x40, s28;
	v2 =	vld [tilespmem:s29+$0x800]  }
0x18a: {  	v3 =	vld [tilespmem:s29+$0x0];
	_ =	sdelay $0x3  }
0x18b: {  	v4 =	vshll.u32 v2, $0x3  }
0x18c: {  	v5 =	vshll.u32 v3, $0x3;
	v4 =	vor.u32 v1, v4  }
0x18d: {  	v5 =	vor.u32 v1, v5;
	_ =	sdelay $0x3  }
0x18e: {  	v4 =	vld.idx.msk [tilespmem:v4+s23+$0x0], $0xffff  }
0x18f: {  	v5 =	vld.idx.msk [tilespmem:v5+s22+$0x0], $0xffff;
	_ =	sdelay $0x4  }
0x190: {  	v4 =	vadd.f32 v4, v5;
	_ =	sdelay $0x1  }
0x191: {  	v5 =	vmul.f32 $2.000000030e-01, v4  }
0x192: {  	vm0 =	vgt.f32 v4, $0.0e+00  }
0x193: {  	v4 =	vsel vm0, v4, v5  }
0x194: {  	v4 =	vmul.f32 $1.442695020e+00, v4;
	_ =	sdelay $0x1  }
0x195: {  	(erf) = vpow2.f32 v4;
	_ =	sdelay $0x1  }
0x196: {  	v2 =	vshll.u32 v2, $0x7  }
0x197: {  	v2 =	vadd.s32 v2, v3;
	v3 =	vand.u32 $0xFFFFFF80, v3  }
0x198: {  	vm15 =	veq.s32 v3, $0x180;
	v2 =	vadd.s32 $0xFFFFFE80, v2  }
0x199: {  	v2 =	vnsel vm15, $0x0, v2;
	_ =	sdelay $0x2  }
0x19a: {  	s26 =	sadd.s32 $0x1, s26  }
0x19b: {  	p0 =	sne.s32 s26, s16;
	v3 =	vpop (erf)  }
.Ltmp8:
0x19c: {  	[tilespmem:v2+s24+$0x0] =	vst.idx.add.f32.msk vm15, v3;
	(pc) =	sbr.rel @p0 .LBB2_1-.Ltmp8, $4  }
0x19d: {  	[hbm4b:s15+s17] =	stream.strided.scatter [tilespmem:s24], [sflag:$0x1], $0x10000, s25, s17, $0x38;
	[tilespmem:$0x13000] =	vst v63  }
0x19e: {  	_ =	swait.ge [sflag:s19], $0x10000  }
0x19f: {  	[sflag:s19] =	ssyncset.done $0x0  }
0x1a0: {  	[sflag:s19] =	ssyncadd.s32 $0xFFFF0000  }
0x1a1: {  	_ =	sfence.sel $0x180000  }
0x1a2: {  	[bflag:$0x0] =	sbarrier.arrive $0xFFFF  }
0x1a3: {  	p0 =	sne.s32 s1, $0x0;
	_ =	strace $0x90000047  }
0x1a4: {  	s0 =	sadd.s32 @!p0 $0x100000, s0;
	[bflag:$0x2] =	sbarrier.arrive $0xFFFF  }
0x1a5: {  	[sflag:s0] =	ssyncadd.tile.s32 @!p0 $0x1;
	_ =	shalt  }
.Lfunc_end2:
_tile_overlayer_lowered:
.L_overlay_start_2:
0x1a6: {  	(tag) =	ssettag $0x2  }
0x1a7: {  	s0 =	rddreg [dreg:$0x0];
	s2 =	stileid.u32  }
0x1a8: {  	s1 =	rddreg [dreg:$0x1];
	p0 =	sne.s32 s2, $0x0  }
0x1a9: {  	s3 =	rddreg [dreg:$0x2];
	[bflag:$0x3] =	sbarrier.arrive $0xFFFF;
	s2 =	simm.s32 @!p0 $0x1C01  }
0x1aa: {  	[timem:s3], [sflag:s2] =	dma.local @!p0 [hbm:s0], s1  }
0x1ab: {  	s0 =	simm.s32 @!p0 $0x1  }
0x1ac: {  	_ =	swait.ge @!p0 [sflag:s0], s1  }
0x1ad: {  	s1 =	ssub.s32 @!p0 $0x0, s1;
	[sflag:s0] =	ssyncset.done @!p0 $0x0  }
0x1ae: {  	[sflag:s0] =	ssyncadd.s32 @!p0 s1  }
0x1af: {  	[bflag:$0x3] =	sbarrier.arrive $0xFFFF  }
0x1b0: {  	_ =	shalt  }

</sc_bundles>
